<compile_context>
chip_gen: v7x
topology: tpu7x:2x2x1
jax: 0.10.2.dev20260603
libtpu: 0.0.44.dev20260713+nightly
codegen_flags: <defaults>
</compile_context>

<pallas_src>
import functools

import jax
import jax.numpy as jnp
from jax import lax
from jax.experimental import pallas as pl
from jax.experimental.pallas import tpu as pltpu
from jax.experimental.pallas import tpu_sc as plsc

N_NODES = 10000
N_EDGES = 320000
D_FEAT = 128

NC = 2
NS = 16
NW = NC * NS
L = 16

E_PER_W = N_EDGES // NW
CHUNK = 80
N_CHUNKS = E_PER_W // CHUNK
N_GROUPS = CHUNK // L
N_PAIRS = (N_CHUNKS - 1) // 2
W = D_FEAT // 2


def _sc_sqnorms_body(x_hbm, ei_hbm, sqn_hbm, si_v, di_v,
                     sr0, dr0, sr1, dr1, sr2, dr2, sqn_v,
                     sem_s0, sem_d0, sem_s1, sem_d1, sem_s2, sem_d2):
    wid = lax.axis_index("s") * NC + lax.axis_index("c")

    pltpu.sync_copy(ei_hbm.at[pl.ds(wid * E_PER_W, E_PER_W)], si_v)
    pltpu.sync_copy(
        ei_hbm.at[pl.ds(N_EDGES + wid * E_PER_W, E_PER_W)], di_v)

    def issue(it, sr, dr, sem_s, sem_d):
        pltpu.async_copy(x_hbm.at[si_v.at[pl.ds(it * CHUNK, CHUNK)]], sr, sem_s)
        pltpu.async_copy(x_hbm.at[di_v.at[pl.ds(it * CHUNK, CHUNK)]], dr, sem_d)

    def drain(it, sr, dr, sem_s, sem_d):
        pltpu.make_async_copy(
            x_hbm.at[si_v.at[pl.ds(it * CHUNK, CHUNK)]], sr, sem_s).wait()
        pltpu.make_async_copy(
            x_hbm.at[di_v.at[pl.ds(it * CHUNK, CHUNK)]], dr, sem_d).wait()

    def compute(it, sr, dr):
        @plsc.parallel_loop(0, N_GROUPS)
        def _group(g):
            rows = lax.iota(jnp.int32, L) + g * L
            diag = lax.iota(jnp.int32, L)
            z = jnp.zeros((L,), jnp.float32)

            @plsc.parallel_loop(0, W // 16, carry=(z, z, z, z))
            def blk_accs(blk, accs):
                a0, a1, a2, a3 = accs
                new = [a0, a1, a2, a3]
                base = blk * 16
                for j in range(16):
                    col = ((diag + j) & 15) + base
                    sw = plsc.load_gather(sr, [rows, col])
                    dw = plsc.load_gather(dr, [rows, col])
                    tb = plsc.bitcast(sw, jnp.bfloat16) - plsc.bitcast(
                        dw, jnp.bfloat16)
                    tb2 = tb * tb
                    u0, u1 = plsc.unpack(tb2,
                                         format=plsc.PackFormat.INTERLEAVED)
                    k = 2 * (j % 2)
                    new[k] = new[k] + u0
                    new[k + 1] = new[k + 1] + u1
                return tuple(new)

            a0, a1, a2, a3 = blk_accs
            sqn_v[pl.ds(it * CHUNK + g * L, L)] = (a0 + a1) + (a2 + a3)

    bufs = ((sr0, dr0, sem_s0, sem_d0),
            (sr1, dr1, sem_s1, sem_d1),
            (sr2, dr2, sem_s2, sem_d2))
    issue(0, *bufs[0])
    issue(1, *bufs[1])

    def triple_body(p, carry):
        c = 3 * p
        for q in range(3):
            issue(c + q + 2, *bufs[(q + 2) % 3])
            drain(c + q, *bufs[q])
            compute(c + q, bufs[q][0], bufs[q][1])
        return carry

    lax.fori_loop(0, (N_CHUNKS - 2) // 3, triple_body, 0)
    drain(N_CHUNKS - 2, *bufs[0])
    compute(N_CHUNKS - 2, sr0, dr0)
    drain(N_CHUNKS - 1, *bufs[1])
    compute(N_CHUNKS - 1, sr1, dr1)

    pltpu.sync_copy(sqn_v, sqn_hbm.at[pl.ds(wid * E_PER_W, E_PER_W)])


_sc_sqnorms = functools.partial(
    pl.kernel,
    out_type=jax.ShapeDtypeStruct((N_EDGES,), jnp.float32),
    mesh=plsc.VectorSubcoreMesh(core_axis_name="c", subcore_axis_name="s",
                                num_cores=NC, num_subcores=NS),
    compiler_params=pltpu.CompilerParams(needs_layout_passes=False,
                                         use_tc_tiling_on_sc=False),
    scratch_types=[
        pltpu.VMEM((E_PER_W,), jnp.int32),
        pltpu.VMEM((E_PER_W,), jnp.int32),
        pltpu.VMEM((CHUNK, W), jnp.int32),
        pltpu.VMEM((CHUNK, W), jnp.int32),
        pltpu.VMEM((CHUNK, W), jnp.int32),
        pltpu.VMEM((CHUNK, W), jnp.int32),
        pltpu.VMEM((CHUNK, W), jnp.int32),
        pltpu.VMEM((CHUNK, W), jnp.int32),
        pltpu.VMEM((E_PER_W,), jnp.float32),
        pltpu.SemaphoreType.DMA,
        pltpu.SemaphoreType.DMA,
        pltpu.SemaphoreType.DMA,
        pltpu.SemaphoreType.DMA,
        pltpu.SemaphoreType.DMA,
        pltpu.SemaphoreType.DMA,
    ],
)(_sc_sqnorms_body)


def _mean_sqrt_body(sq_ref, out_ref):
    s = jnp.sum(jnp.sqrt(sq_ref[...])) * (1.0 / N_EDGES)
    out_ref[...] = jnp.full((1, 1), s, dtype=jnp.float32)


def kernel(x, edge_index):
    xw = jax.lax.bitcast_convert_type(
        x.astype(jnp.bfloat16).reshape(N_NODES, W, 2), jnp.int32)
    sqn = _sc_sqnorms(xw, edge_index.reshape(2 * N_EDGES))
    out = pl.pallas_call(
        _mean_sqrt_body,
        out_shape=jax.ShapeDtypeStruct((1, 1), jnp.float32),
    )(sqn.reshape(N_EDGES // D_FEAT, D_FEAT))
    return out[0, 0]

# --- scband reference (transcript-rebuilt; emitter-appended) ---
"""Pipeline reference for scband-sheaf-gluing-constraint-74285754352277 (READ-ONLY COPY).

The authoritative reference and input builder live on the scoring server;
editing this copy changes nothing except your own understanding.
"""

import jax, jax.numpy as jnp
import numpy as np

N_NODES = 10000
N_EDGES = 320000
D_FEAT = 128
CONSTRAINT_STRENGTH = 1.0


def setup_inputs(seed: int = 0) -> dict:
    key = jax.random.key(seed)
    k1, k2 = jax.random.split(key)
    x = jax.random.normal(k1, (N_NODES, D_FEAT), dtype=jnp.float32)
    edge_index = jax.random.randint(k2, (2, N_EDGES), 0, N_NODES, dtype=jnp.int32)
    return {"x": x, "edge_index": edge_index}


def reference(x, edge_index):
    src = edge_index[0]
    dst = edge_index[1]
    x_src = jnp.take(x, src, axis=0)
    x_dst = jnp.take(x, dst, axis=0)
    diff = x_src - x_dst
    edge_loss = jnp.mean(jnp.sqrt(jnp.sum(diff * diff, axis=1)))
    return CONSTRAINT_STRENGTH * edge_loss

if __name__ == "__main__":
    import jax
    _d = setup_inputs()
    print(jax.jit(kernel)(*tuple(_d.values())))

</pallas_src>

<mosaic_0001>
#map = affine_map<(d0, d1) -> (0, 0)>
#map1 = affine_map<(d0, d1) -> (0)>
module attributes {stable_mosaic.version = 14 : i64} {
  func.func @_sc_sqnorms_body(%arg0: i32, %arg1: i32, %arg2: memref<10000x64xi32, #tpu.memory_space<hbm>>, %arg3: memref<640000xi32, #tpu.memory_space<hbm>>, %arg4: memref<320000xf32, #tpu.memory_space<hbm>>, %arg5: memref<10000xi32, #tpu.memory_space<vmem>>, %arg6: memref<10000xi32, #tpu.memory_space<vmem>>, %arg7: memref<80x64xi32, #tpu.memory_space<vmem>>, %arg8: memref<80x64xi32, #tpu.memory_space<vmem>>, %arg9: memref<80x64xi32, #tpu.memory_space<vmem>>, %arg10: memref<80x64xi32, #tpu.memory_space<vmem>>, %arg11: memref<80x64xi32, #tpu.memory_space<vmem>>, %arg12: memref<80x64xi32, #tpu.memory_space<vmem>>, %arg13: memref<10000xf32, #tpu.memory_space<vmem>>, %arg14: memref<!tpu.dma_semaphore, #tpu.memory_space<semaphore_mem>>, %arg15: memref<!tpu.dma_semaphore, #tpu.memory_space<semaphore_mem>>, %arg16: memref<!tpu.dma_semaphore, #tpu.memory_space<semaphore_mem>>, %arg17: memref<!tpu.dma_semaphore, #tpu.memory_space<semaphore_mem>>, %arg18: memref<!tpu.dma_semaphore, #tpu.memory_space<semaphore_mem>>, %arg19: memref<!tpu.dma_semaphore, #tpu.memory_space<semaphore_mem>>) attributes {dimension_semantics = [#tpu.dimension_semantics<core_parallel>, #tpu.dimension_semantics<subcore_parallel>], iteration_bounds = array<i64: 2, 16>, scalar_prefetch = 0 : i64, scratch_operands = 15 : i64, tpu.core_type = #tpu.core_type<sc_vector_subcore>, window_params = [{transform_indices = #map}, {transform_indices = #map1}, {transform_indices = #map1}]} {
    %mul3A = arith.constant 2 : i32
    %mul3A_0 = arith.muli %arg1, %mul3A : i32
    %add3A = arith.addi %mul3A_0, %arg0 : i32
    %mul3A_1 = arith.constant 10000 : i32
    %mul3A_2 = arith.muli %add3A, %mul3A_1 : i32
    "tpu.region"() ({
      %run_scoped3A = tpu.sem_alloc : memref<!tpu.dma_semaphore, #tpu.memory_space<semaphore_mem>>
      %dma_start3A_57 = tpu.memref_slice %arg3[%mul3A_2] : memref<640000xi32, #tpu.memory_space<hbm>> -> memref<10000xi32, #tpu.memory_space<hbm>>
      %dma_start3A_58 = tpu.memref_slice %arg3[%mul3A_2] : memref<640000xi32, #tpu.memory_space<hbm>> -> memref<10000xi32, #tpu.memory_space<hbm>>
      tpu.enqueue_dma source(%dma_start3A_58 : memref<10000xi32, #tpu.memory_space<hbm>>) target(%arg5 : memref<10000xi32, #tpu.memory_space<vmem>>) target_semaphore(%run_scoped3A : memref<!tpu.dma_semaphore, #tpu.memory_space<semaphore_mem>>)
      %dma_wait3A_59 = tpu.memref_slice %arg3[%mul3A_2] : memref<640000xi32, #tpu.memory_space<hbm>> -> memref<10000xi32, #tpu.memory_space<hbm>>
      %dma_wait3A_60 = tpu.memref_slice %arg3[%mul3A_2] : memref<640000xi32, #tpu.memory_space<hbm>> -> memref<10000xi32, #tpu.memory_space<hbm>>
      tpu.wait_dma2 semaphore(%run_scoped3A : memref<!tpu.dma_semaphore, #tpu.memory_space<semaphore_mem>>) src(%dma_wait3A_60 : memref<10000xi32, #tpu.memory_space<hbm>>) dst(%arg5 : memref<10000xi32, #tpu.memory_space<vmem>>)
      tpu.yield
    }) : () -> ()
    %mul3A_3 = arith.constant 10000 : i32
    %mul3A_4 = arith.muli %add3A, %mul3A_3 : i32
    %add3A_5 = arith.constant 320000 : i32
    %add3A_6 = arith.addi %add3A_5, %mul3A_4 : i32
    "tpu.region"() ({
      %run_scoped3A = tpu.sem_alloc : memref<!tpu.dma_semaphore, #tpu.memory_space<semaphore_mem>>
      %dma_start3A_57 = tpu.memref_slice %arg3[%add3A_6] : memref<640000xi32, #tpu.memory_space<hbm>> -> memref<10000xi32, #tpu.memory_space<hbm>>
      %dma_start3A_58 = tpu.memref_slice %arg3[%add3A_6] : memref<640000xi32, #tpu.memory_space<hbm>> -> memref<10000xi32, #tpu.memory_space<hbm>>
      tpu.enqueue_dma source(%dma_start3A_58 : memref<10000xi32, #tpu.memory_space<hbm>>) target(%arg6 : memref<10000xi32, #tpu.memory_space<vmem>>) target_semaphore(%run_scoped3A : memref<!tpu.dma_semaphore, #tpu.memory_space<semaphore_mem>>)
      %dma_wait3A_59 = tpu.memref_slice %arg3[%add3A_6] : memref<640000xi32, #tpu.memory_space<hbm>> -> memref<10000xi32, #tpu.memory_space<hbm>>
      %dma_wait3A_60 = tpu.memref_slice %arg3[%add3A_6] : memref<640000xi32, #tpu.memory_space<hbm>> -> memref<10000xi32, #tpu.memory_space<hbm>>
      tpu.wait_dma2 semaphore(%run_scoped3A : memref<!tpu.dma_semaphore, #tpu.memory_space<semaphore_mem>>) src(%dma_wait3A_60 : memref<10000xi32, #tpu.memory_space<hbm>>) dst(%arg6 : memref<10000xi32, #tpu.memory_space<vmem>>)
      tpu.yield
    }) : () -> ()
    %dma_start3A = arith.constant 0 : i32
    %dma_start3A_7 = tpu.memref_slice %arg5[%dma_start3A] : memref<10000xi32, #tpu.memory_space<vmem>> -> memref<80xi32, #tpu.memory_space<vmem>>
    %dma_start3A_8 = arith.constant 0 : i32
    %dma_start3A_9 = arith.constant 0 : i32
    %dma_start3A_10 = tpu.memref_slice %arg2[%dma_start3A_8, %dma_start3A_9] : memref<10000x64xi32, #tpu.memory_space<hbm>> -> memref<10000x64xi32, #tpu.memory_space<hbm>>
    tpu.enqueue_indirect_dma source(%dma_start3A_10 : memref<10000x64xi32, #tpu.memory_space<hbm>>) target(%arg7 : memref<80x64xi32, #tpu.memory_space<vmem>>) offsets(%dma_start3A_7 : memref<80xi32, #tpu.memory_space<vmem>>) semaphore(%arg14 : memref<!tpu.dma_semaphore, #tpu.memory_space<semaphore_mem>>)
    %dma_start3A_11 = arith.constant 0 : i32
    %dma_start3A_12 = tpu.memref_slice %arg6[%dma_start3A_11] : memref<10000xi32, #tpu.memory_space<vmem>> -> memref<80xi32, #tpu.memory_space<vmem>>
    %dma_start3A_13 = arith.constant 0 : i32
    %dma_start3A_14 = arith.constant 0 : i32
    %dma_start3A_15 = tpu.memref_slice %arg2[%dma_start3A_13, %dma_start3A_14] : memref<10000x64xi32, #tpu.memory_space<hbm>> -> memref<10000x64xi32, #tpu.memory_space<hbm>>
    tpu.enqueue_indirect_dma source(%dma_start3A_15 : memref<10000x64xi32, #tpu.memory_space<hbm>>) target(%arg8 : memref<80x64xi32, #tpu.memory_space<vmem>>) offsets(%dma_start3A_12 : memref<80xi32, #tpu.memory_space<vmem>>) semaphore(%arg15 : memref<!tpu.dma_semaphore, #tpu.memory_space<semaphore_mem>>)
    %dma_start3A_16 = arith.constant 80 : i32
    %dma_start3A_17 = tpu.memref_slice %arg5[%dma_start3A_16] : memref<10000xi32, #tpu.memory_space<vmem>> -> memref<80xi32, #tpu.memory_space<vmem>>
    %dma_start3A_18 = arith.constant 0 : i32
    %dma_start3A_19 = arith.constant 0 : i32
    %dma_start3A_20 = tpu.memref_slice %arg2[%dma_start3A_18, %dma_start3A_19] : memref<10000x64xi32, #tpu.memory_space<hbm>> -> memref<10000x64xi32, #tpu.memory_space<hbm>>
    tpu.enqueue_indirect_dma source(%dma_start3A_20 : memref<10000x64xi32, #tpu.memory_space<hbm>>) target(%arg9 : memref<80x64xi32, #tpu.memory_space<vmem>>) offsets(%dma_start3A_17 : memref<80xi32, #tpu.memory_space<vmem>>) semaphore(%arg16 : memref<!tpu.dma_semaphore, #tpu.memory_space<semaphore_mem>>)
    %dma_start3A_21 = arith.constant 80 : i32
    %dma_start3A_22 = tpu.memref_slice %arg6[%dma_start3A_21] : memref<10000xi32, #tpu.memory_space<vmem>> -> memref<80xi32, #tpu.memory_space<vmem>>
    %dma_start3A_23 = arith.constant 0 : i32
    %dma_start3A_24 = arith.constant 0 : i32
    %dma_start3A_25 = tpu.memref_slice %arg2[%dma_start3A_23, %dma_start3A_24] : memref<10000x64xi32, #tpu.memory_space<hbm>> -> memref<10000x64xi32, #tpu.memory_space<hbm>>
    tpu.enqueue_indirect_dma source(%dma_start3A_25 : memref<10000x64xi32, #tpu.memory_space<hbm>>) target(%arg10 : memref<80x64xi32, #tpu.memory_space<vmem>>) offsets(%dma_start3A_22 : memref<80xi32, #tpu.memory_space<vmem>>) semaphore(%arg17 : memref<!tpu.dma_semaphore, #tpu.memory_space<semaphore_mem>>)
    %scan3A = arith.constant 0 : i32
    %scan3A_26 = arith.constant 0 : i32
    %scan3A_27 = arith.constant 41 : i32
    %scan3A_28 = arith.addi %scan3A_26, %scan3A_27 : i32
    %scan3A_29 = arith.constant 1 : i32
    scf.for %scan3A_57 = %scan3A_26 to %scan3A_28 step %scan3A_29  : i32 {
      %mul3A_58 = arith.constant 3 : i32
      %mul3A_59 = arith.muli %mul3A_58, %scan3A_57 : i32
      %add3A_60 = arith.constant 0 : i32
      %add3A_61 = arith.addi %mul3A_59, %add3A_60 : i32
      %add3A_62 = arith.constant 2 : i32
      %add3A_63 = arith.addi %add3A_61, %add3A_62 : i32
      %mul3A_64 = arith.constant 80 : i32
      %mul3A_65 = arith.muli %add3A_63, %mul3A_64 : i32
      %dma_start3A_66 = tpu.memref_slice %arg5[%mul3A_65] : memref<10000xi32, #tpu.memory_space<vmem>> -> memref<80xi32, #tpu.memory_space<vmem>>
      %dma_start3A_67 = arith.constant 0 : i32
      %dma_start3A_68 = arith.constant 0 : i32
      %dma_start3A_69 = tpu.memref_slice %arg2[%dma_start3A_67, %dma_start3A_68] : memref<10000x64xi32, #tpu.memory_space<hbm>> -> memref<10000x64xi32, #tpu.memory_space<hbm>>
      tpu.enqueue_indirect_dma source(%dma_start3A_69 : memref<10000x64xi32, #tpu.memory_space<hbm>>) target(%arg11 : memref<80x64xi32, #tpu.memory_space<vmem>>) offsets(%dma_start3A_66 : memref<80xi32, #tpu.memory_space<vmem>>) semaphore(%arg18 : memref<!tpu.dma_semaphore, #tpu.memory_space<semaphore_mem>>)
      %mul3A_70 = arith.constant 80 : i32
      %mul3A_71 = arith.muli %add3A_63, %mul3A_70 : i32
      %dma_start3A_72 = tpu.memref_slice %arg6[%mul3A_71] : memref<10000xi32, #tpu.memory_space<vmem>> -> memref<80xi32, #tpu.memory_space<vmem>>
      %dma_start3A_73 = arith.constant 0 : i32
      %dma_start3A_74 = arith.constant 0 : i32
      %dma_start3A_75 = tpu.memref_slice %arg2[%dma_start3A_73, %dma_start3A_74] : memref<10000x64xi32, #tpu.memory_space<hbm>> -> memref<10000x64xi32, #tpu.memory_space<hbm>>
      tpu.enqueue_indirect_dma source(%dma_start3A_75 : memref<10000x64xi32, #tpu.memory_space<hbm>>) target(%arg12 : memref<80x64xi32, #tpu.memory_space<vmem>>) offsets(%dma_start3A_72 : memref<80xi32, #tpu.memory_space<vmem>>) semaphore(%arg19 : memref<!tpu.dma_semaphore, #tpu.memory_space<semaphore_mem>>)
      %add3A_76 = arith.constant 0 : i32
      %add3A_77 = arith.addi %mul3A_59, %add3A_76 : i32
      %mul3A_78 = arith.constant 80 : i32
      %mul3A_79 = arith.muli %add3A_77, %mul3A_78 : i32
      %dma_wait3A_80 = tpu.memref_slice %arg5[%mul3A_79] : memref<10000xi32, #tpu.memory_space<vmem>> -> memref<80xi32, #tpu.memory_space<vmem>>
      %dma_wait3A_81 = arith.constant 0 : i32
      %dma_wait3A_82 = arith.constant 0 : i32
      %dma_wait3A_83 = tpu.memref_slice %arg2[%dma_wait3A_81, %dma_wait3A_82] : memref<10000x64xi32, #tpu.memory_space<hbm>> -> memref<10000x64xi32, #tpu.memory_space<hbm>>
      tpu.wait_indirect_dma semaphore(%arg14 : memref<!tpu.dma_semaphore, #tpu.memory_space<semaphore_mem>>) src(%dma_wait3A_83 : memref<10000x64xi32, #tpu.memory_space<hbm>>) dst(%arg7 : memref<80x64xi32, #tpu.memory_space<vmem>>)
      %mul3A_84 = arith.constant 80 : i32
      %mul3A_85 = arith.muli %add3A_77, %mul3A_84 : i32
      %dma_wait3A_86 = tpu.memref_slice %arg6[%mul3A_85] : memref<10000xi32, #tpu.memory_space<vmem>> -> memref<80xi32, #tpu.memory_space<vmem>>
      %dma_wait3A_87 = arith.constant 0 : i32
      %dma_wait3A_88 = arith.constant 0 : i32
      %dma_wait3A_89 = tpu.memref_slice %arg2[%dma_wait3A_87, %dma_wait3A_88] : memref<10000x64xi32, #tpu.memory_space<hbm>> -> memref<10000x64xi32, #tpu.memory_space<hbm>>
      tpu.wait_indirect_dma semaphore(%arg15 : memref<!tpu.dma_semaphore, #tpu.memory_space<semaphore_mem>>) src(%dma_wait3A_89 : memref<10000x64xi32, #tpu.memory_space<hbm>>) dst(%arg8 : memref<80x64xi32, #tpu.memory_space<vmem>>)
      %add3A_90 = arith.constant 0 : i32
      %add3A_91 = arith.addi %mul3A_59, %add3A_90 : i32
      %parallel_loop3A_92 = arith.constant 0 : i32
      %parallel_loop3A_93 = arith.constant 5 : i32
      %parallel_loop3A_94 = arith.constant 1 : i32
      scf.for %parallel_loop3A_165 = %parallel_loop3A_92 to %parallel_loop3A_93 step %parallel_loop3A_94  : i32 {
        %parallel_loop3A_166 = tpu.iota {dimensions = array<i32: 0>} : vector<16xi32>
        %parallel_loop3A_167 = arith.constant 16 : i32
        %parallel_loop3A_168 = arith.muli %parallel_loop3A_165, %parallel_loop3A_167 : i32
        %parallel_loop3A_169 = vector.broadcast %parallel_loop3A_168 : i32 to vector<16xi32>
        %parallel_loop3A_170 = arith.addi %parallel_loop3A_166, %parallel_loop3A_169 : vector<16xi32>
        %parallel_loop3A_171 = tpu.iota {dimensions = array<i32: 0>} : vector<16xi32>
        %parallel_loop3A_172 = arith.constant 0.000000e+00 : f32
        %parallel_loop3A_173 = vector.broadcast %parallel_loop3A_172 : f32 to vector<16xf32>
        %parallel_loop3A_174 = arith.constant 0 : i32
        %parallel_loop3A_175 = arith.constant 4 : i32
        %parallel_loop3A_176 = arith.constant 1 : i32
        %parallel_loop3A_177:4 = scf.for %parallel_loop3A_188 = %parallel_loop3A_174 to %parallel_loop3A_175 step %parallel_loop3A_176 iter_args(%parallel_loop3A_189 = %parallel_loop3A_173, %parallel_loop3A_190 = %parallel_loop3A_173, %parallel_loop3A_191 = %parallel_loop3A_173, %parallel_loop3A_192 = %parallel_loop3A_173) -> (vector<16xf32>, vector<16xf32>, vector<16xf32>, vector<16xf32>)  : i32 {
          %parallel_loop3A_193 = arith.constant 16 : i32
          %parallel_loop3A_194 = arith.muli %parallel_loop3A_188, %parallel_loop3A_193 : i32
          %parallel_loop3A_195 = arith.constant 0 : i32
          %parallel_loop3A_196 = vector.broadcast %parallel_loop3A_195 : i32 to vector<16xi32>
          %parallel_loop3A_197 = arith.addi %parallel_loop3A_171, %parallel_loop3A_196 : vector<16xi32>
          %parallel_loop3A_198 = arith.constant 15 : i32
          %parallel_loop3A_199 = vector.broadcast %parallel_loop3A_198 : i32 to vector<16xi32>
          %parallel_loop3A_200 = arith.andi %parallel_loop3A_197, %parallel_loop3A_199 : vector<16xi32>
          %parallel_loop3A_201 = vector.broadcast %parallel_loop3A_194 : i32 to vector<16xi32>
          %parallel_loop3A_202 = arith.addi %parallel_loop3A_200, %parallel_loop3A_201 : vector<16xi32>
          %parallel_loop3A_203 = tpu.vector_load_idx %arg7[%parallel_loop3A_170, %parallel_loop3A_202] : memref<80x64xi32, #tpu.memory_space<vmem>>[vector<16xi32>, vector<16xi32>], vector<16xi32>,
          %parallel_loop3A_204 = tpu.vector_load_idx %arg8[%parallel_loop3A_170, %parallel_loop3A_202] : memref<80x64xi32, #tpu.memory_space<vmem>>[vector<16xi32>, vector<16xi32>], vector<16xi32>,
          %parallel_loop3A_205 = vector.bitcast %parallel_loop3A_203 : vector<16xi32> to vector<32xbf16>
          %parallel_loop3A_206 = vector.bitcast %parallel_loop3A_204 : vector<16xi32> to vector<32xbf16>
          %parallel_loop3A_207 = arith.subf %parallel_loop3A_205, %parallel_loop3A_206 : vector<32xbf16>
          %parallel_loop3A_208 = arith.mulf %parallel_loop3A_207, %parallel_loop3A_207 : vector<32xbf16>
          %parallel_loop3A_209 = tpu.unpack_subelements %parallel_loop3A_208, 0 {pack_format = #tpu.pack_format<interleaved>} : vector<32xbf16> -> vector<16xf32>
          %parallel_loop3A_210 = tpu.unpack_subelements %parallel_loop3A_208, 1 {pack_format = #tpu.pack_format<interleaved>} : vector<32xbf16> -> vector<16xf32>
          %parallel_loop3A_211 = arith.addf %parallel_loop3A_189, %parallel_loop3A_209 : vector<16xf32>
          %parallel_loop3A_212 = arith.addf %parallel_loop3A_190, %parallel_loop3A_210 : vector<16xf32>
          %parallel_loop3A_213 = arith.constant 1 : i32
          %parallel_loop3A_214 = vector.broadcast %parallel_loop3A_213 : i32 to vector<16xi32>
          %parallel_loop3A_215 = arith.addi %parallel_loop3A_171, %parallel_loop3A_214 : vector<16xi32>
          %parallel_loop3A_216 = arith.constant 15 : i32
          %parallel_loop3A_217 = vector.broadcast %parallel_loop3A_216 : i32 to vector<16xi32>
          %parallel_loop3A_218 = arith.andi %parallel_loop3A_215, %parallel_loop3A_217 : vector<16xi32>
          %parallel_loop3A_219 = vector.broadcast %parallel_loop3A_194 : i32 to vector<16xi32>
          %parallel_loop3A_220 = arith.addi %parallel_loop3A_218, %parallel_loop3A_219 : vector<16xi32>
          %parallel_loop3A_221 = tpu.vector_load_idx %arg7[%parallel_loop3A_170, %parallel_loop3A_220] : memref<80x64xi32, #tpu.memory_space<vmem>>[vector<16xi32>, vector<16xi32>], vector<16xi32>,
          %parallel_loop3A_222 = tpu.vector_load_idx %arg8[%parallel_loop3A_170, %parallel_loop3A_220] : memref<80x64xi32, #tpu.memory_space<vmem>>[vector<16xi32>, vector<16xi32>], vector<16xi32>,
          %parallel_loop3A_223 = vector.bitcast %parallel_loop3A_221 : vector<16xi32> to vector<32xbf16>
          %parallel_loop3A_224 = vector.bitcast %parallel_loop3A_222 : vector<16xi32> to vector<32xbf16>
          %parallel_loop3A_225 = arith.subf %parallel_loop3A_223, %parallel_loop3A_224 : vector<32xbf16>
          %parallel_loop3A_226 = arith.mulf %parallel_loop3A_225, %parallel_loop3A_225 : vector<32xbf16>
          %parallel_loop3A_227 = tpu.unpack_subelements %parallel_loop3A_226, 0 {pack_format = #tpu.pack_format<interleaved>} : vector<32xbf16> -> vector<16xf32>
          %parallel_loop3A_228 = tpu.unpack_subelements %parallel_loop3A_226, 1 {pack_format = #tpu.pack_format<interleaved>} : vector<32xbf16> -> vector<16xf32>
          %parallel_loop3A_229 = arith.addf %parallel_loop3A_191, %parallel_loop3A_227 : vector<16xf32>
          %parallel_loop3A_230 = arith.addf %parallel_loop3A_192, %parallel_loop3A_228 : vector<16xf32>
          %parallel_loop3A_231 = arith.constant 2 : i32
          %parallel_loop3A_232 = vector.broadcast %parallel_loop3A_231 : i32 to vector<16xi32>
          %parallel_loop3A_233 = arith.addi %parallel_loop3A_171, %parallel_loop3A_232 : vector<16xi32>
          %parallel_loop3A_234 = arith.constant 15 : i32
          %parallel_loop3A_235 = vector.broadcast %parallel_loop3A_234 : i32 to vector<16xi32>
          %parallel_loop3A_236 = arith.andi %parallel_loop3A_233, %parallel_loop3A_235 : vector<16xi32>
          %parallel_loop3A_237 = vector.broadcast %parallel_loop3A_194 : i32 to vector<16xi32>
          %parallel_loop3A_238 = arith.addi %parallel_loop3A_236, %parallel_loop3A_237 : vector<16xi32>
          %parallel_loop3A_239 = tpu.vector_load_idx %arg7[%parallel_loop3A_170, %parallel_loop3A_238] : memref<80x64xi32, #tpu.memory_space<vmem>>[vector<16xi32>, vector<16xi32>], vector<16xi32>,
          %parallel_loop3A_240 = tpu.vector_load_idx %arg8[%parallel_loop3A_170, %parallel_loop3A_238] : memref<80x64xi32, #tpu.memory_space<vmem>>[vector<16xi32>, vector<16xi32>], vector<16xi32>,
          %parallel_loop3A_241 = vector.bitcast %parallel_loop3A_239 : vector<16xi32> to vector<32xbf16>
          %parallel_loop3A_242 = vector.bitcast %parallel_loop3A_240 : vector<16xi32> to vector<32xbf16>
          %parallel_loop3A_243 = arith.subf %parallel_loop3A_241, %parallel_loop3A_242 : vector<32xbf16>
          %parallel_loop3A_244 = arith.mulf %parallel_loop3A_243, %parallel_loop3A_243 : vector<32xbf16>
          %parallel_loop3A_245 = tpu.unpack_subelements %parallel_loop3A_244, 0 {pack_format = #tpu.pack_format<interleaved>} : vector<32xbf16> -> vector<16xf32>
          %parallel_loop3A_246 = tpu.unpack_subelements %parallel_loop3A_244, 1 {pack_format = #tpu.pack_format<interleaved>} : vector<32xbf16> -> vector<16xf32>
          %parallel_loop3A_247 = arith.addf %parallel_loop3A_211, %parallel_loop3A_245 : vector<16xf32>
          %parallel_loop3A_248 = arith.addf %parallel_loop3A_212, %parallel_loop3A_246 : vector<16xf32>
          %parallel_loop3A_249 = arith.constant 3 : i32
          %parallel_loop3A_250 = vector.broadcast %parallel_loop3A_249 : i32 to vector<16xi32>
          %parallel_loop3A_251 = arith.addi %parallel_loop3A_171, %parallel_loop3A_250 : vector<16xi32>
          %parallel_loop3A_252 = arith.constant 15 : i32
          %parallel_loop3A_253 = vector.broadcast %parallel_loop3A_252 : i32 to vector<16xi32>
          %parallel_loop3A_254 = arith.andi %parallel_loop3A_251, %parallel_loop3A_253 : vector<16xi32>
          %parallel_loop3A_255 = vector.broadcast %parallel_loop3A_194 : i32 to vector<16xi32>
          %parallel_loop3A_256 = arith.addi %parallel_loop3A_254, %parallel_loop3A_255 : vector<16xi32>
          %parallel_loop3A_257 = tpu.vector_load_idx %arg7[%parallel_loop3A_170, %parallel_loop3A_256] : memref<80x64xi32, #tpu.memory_space<vmem>>[vector<16xi32>, vector<16xi32>], vector<16xi32>,
          %parallel_loop3A_258 = tpu.vector_load_idx %arg8[%parallel_loop3A_170, %parallel_loop3A_256] : memref<80x64xi32, #tpu.memory_space<vmem>>[vector<16xi32>, vector<16xi32>], vector<16xi32>,
          %parallel_loop3A_259 = vector.bitcast %parallel_loop3A_257 : vector<16xi32> to vector<32xbf16>
          %parallel_loop3A_260 = vector.bitcast %parallel_loop3A_258 : vector<16xi32> to vector<32xbf16>
          %parallel_loop3A_261 = arith.subf %parallel_loop3A_259, %parallel_loop3A_260 : vector<32xbf16>
          %parallel_loop3A_262 = arith.mulf %parallel_loop3A_261, %parallel_loop3A_261 : vector<32xbf16>
          %parallel_loop3A_263 = tpu.unpack_subelements %parallel_loop3A_262, 0 {pack_format = #tpu.pack_format<interleaved>} : vector<32xbf16> -> vector<16xf32>
          %parallel_loop3A_264 = tpu.unpack_subelements %parallel_loop3A_262, 1 {pack_format = #tpu.pack_format<interleaved>} : vector<32xbf16> -> vector<16xf32>
          %parallel_loop3A_265 = arith.addf %parallel_loop3A_229, %parallel_loop3A_263 : vector<16xf32>
          %parallel_loop3A_266 = arith.addf %parallel_loop3A_230, %parallel_loop3A_264 : vector<16xf32>
          %parallel_loop3A_267 = arith.constant 4 : i32
          %parallel_loop3A_268 = vector.broadcast %parallel_loop3A_267 : i32 to vector<16xi32>
          %parallel_loop3A_269 = arith.addi %parallel_loop3A_171, %parallel_loop3A_268 : vector<16xi32>
          %parallel_loop3A_270 = arith.constant 15 : i32
          %parallel_loop3A_271 = vector.broadcast %parallel_loop3A_270 : i32 to vector<16xi32>
          %parallel_loop3A_272 = arith.andi %parallel_loop3A_269, %parallel_loop3A_271 : vector<16xi32>
          %parallel_loop3A_273 = vector.broadcast %parallel_loop3A_194 : i32 to vector<16xi32>
          %parallel_loop3A_274 = arith.addi %parallel_loop3A_272, %parallel_loop3A_273 : vector<16xi32>
          %parallel_loop3A_275 = tpu.vector_load_idx %arg7[%parallel_loop3A_170, %parallel_loop3A_274] : memref<80x64xi32, #tpu.memory_space<vmem>>[vector<16xi32>, vector<16xi32>], vector<16xi32>,
          %parallel_loop3A_276 = tpu.vector_load_idx %arg8[%parallel_loop3A_170, %parallel_loop3A_274] : memref<80x64xi32, #tpu.memory_space<vmem>>[vector<16xi32>, vector<16xi32>], vector<16xi32>,
          %parallel_loop3A_277 = vector.bitcast %parallel_loop3A_275 : vector<16xi32> to vector<32xbf16>
          %parallel_loop3A_278 = vector.bitcast %parallel_loop3A_276 : vector<16xi32> to vector<32xbf16>
          %parallel_loop3A_279 = arith.subf %parallel_loop3A_277, %parallel_loop3A_278 : vector<32xbf16>
          %parallel_loop3A_280 = arith.mulf %parallel_loop3A_279, %parallel_loop3A_279 : vector<32xbf16>
          %parallel_loop3A_281 = tpu.unpack_subelements %parallel_loop3A_280, 0 {pack_format = #tpu.pack_format<interleaved>} : vector<32xbf16> -> vector<16xf32>
          %parallel_loop3A_282 = tpu.unpack_subelements %parallel_loop3A_280, 1 {pack_format = #tpu.pack_format<interleaved>} : vector<32xbf16> -> vector<16xf32>
          %parallel_loop3A_283 = arith.addf %parallel_loop3A_247, %parallel_loop3A_281 : vector<16xf32>
          %parallel_loop3A_284 = arith.addf %parallel_loop3A_248, %parallel_loop3A_282 : vector<16xf32>
          %parallel_loop3A_285 = arith.constant 5 : i32
          %parallel_loop3A_286 = vector.broadcast %parallel_loop3A_285 : i32 to vector<16xi32>
          %parallel_loop3A_287 = arith.addi %parallel_loop3A_171, %parallel_loop3A_286 : vector<16xi32>
          %parallel_loop3A_288 = arith.constant 15 : i32
          %parallel_loop3A_289 = vector.broadcast %parallel_loop3A_288 : i32 to vector<16xi32>
          %parallel_loop3A_290 = arith.andi %parallel_loop3A_287, %parallel_loop3A_289 : vector<16xi32>
          %parallel_loop3A_291 = vector.broadcast %parallel_loop3A_194 : i32 to vector<16xi32>
          %parallel_loop3A_292 = arith.addi %parallel_loop3A_290, %parallel_loop3A_291 : vector<16xi32>
          %parallel_loop3A_293 = tpu.vector_load_idx %arg7[%parallel_loop3A_170, %parallel_loop3A_292] : memref<80x64xi32, #tpu.memory_space<vmem>>[vector<16xi32>, vector<16xi32>], vector<16xi32>,
          %parallel_loop3A_294 = tpu.vector_load_idx %arg8[%parallel_loop3A_170, %parallel_loop3A_292] : memref<80x64xi32, #tpu.memory_space<vmem>>[vector<16xi32>, vector<16xi32>], vector<16xi32>,
          %parallel_loop3A_295 = vector.bitcast %parallel_loop3A_293 : vector<16xi32> to vector<32xbf16>
          %parallel_loop3A_296 = vector.bitcast %parallel_loop3A_294 : vector<16xi32> to vector<32xbf16>
          %parallel_loop3A_297 = arith.subf %parallel_loop3A_295, %parallel_loop3A_296 : vector<32xbf16>
          %parallel_loop3A_298 = arith.mulf %parallel_loop3A_297, %parallel_loop3A_297 : vector<32xbf16>
          %parallel_loop3A_299 = tpu.unpack_subelements %parallel_loop3A_298, 0 {pack_format = #tpu.pack_format<interleaved>} : vector<32xbf16> -> vector<16xf32>
          %parallel_loop3A_300 = tpu.unpack_subelements %parallel_loop3A_298, 1 {pack_format = #tpu.pack_format<interleaved>} : vector<32xbf16> -> vector<16xf32>
          %parallel_loop3A_301 = arith.addf %parallel_loop3A_265, %parallel_loop3A_299 : vector<16xf32>
          %parallel_loop3A_302 = arith.addf %parallel_loop3A_266, %parallel_loop3A_300 : vector<16xf32>
          %parallel_loop3A_303 = arith.constant 6 : i32
          %parallel_loop3A_304 = vector.broadcast %parallel_loop3A_303 : i32 to vector<16xi32>
          %parallel_loop3A_305 = arith.addi %parallel_loop3A_171, %parallel_loop3A_304 : vector<16xi32>
          %parallel_loop3A_306 = arith.constant 15 : i32
          %parallel_loop3A_307 = vector.broadcast %parallel_loop3A_306 : i32 to vector<16xi32>
          %parallel_loop3A_308 = arith.andi %parallel_loop3A_305, %parallel_loop3A_307 : vector<16xi32>
          %parallel_loop3A_309 = vector.broadcast %parallel_loop3A_194 : i32 to vector<16xi32>
          %parallel_loop3A_310 = arith.addi %parallel_loop3A_308, %parallel_loop3A_309 : vector<16xi32>
          %parallel_loop3A_311 = tpu.vector_load_idx %arg7[%parallel_loop3A_170, %parallel_loop3A_310] : memref<80x64xi32, #tpu.memory_space<vmem>>[vector<16xi32>, vector<16xi32>], vector<16xi32>,
          %parallel_loop3A_312 = tpu.vector_load_idx %arg8[%parallel_loop3A_170, %parallel_loop3A_310] : memref<80x64xi32, #tpu.memory_space<vmem>>[vector<16xi32>, vector<16xi32>], vector<16xi32>,
          %parallel_loop3A_313 = vector.bitcast %parallel_loop3A_311 : vector<16xi32> to vector<32xbf16>
          %parallel_loop3A_314 = vector.bitcast %parallel_loop3A_312 : vector<16xi32> to vector<32xbf16>
          %parallel_loop3A_315 = arith.subf %parallel_loop3A_313, %parallel_loop3A_314 : vector<32xbf16>
          %parallel_loop3A_316 = arith.mulf %parallel_loop3A_315, %parallel_loop3A_315 : vector<32xbf16>
          %parallel_loop3A_317 = tpu.unpack_subelements %parallel_loop3A_316, 0 {pack_format = #tpu.pack_format<interleaved>} : vector<32xbf16> -> vector<16xf32>
          %parallel_loop3A_318 = tpu.unpack_subelements %parallel_loop3A_316, 1 {pack_format = #tpu.pack_format<interleaved>} : vector<32xbf16> -> vector<16xf32>
          %parallel_loop3A_319 = arith.addf %parallel_loop3A_283, %parallel_loop3A_317 : vector<16xf32>
          %parallel_loop3A_320 = arith.addf %parallel_loop3A_284, %parallel_loop3A_318 : vector<16xf32>
          %parallel_loop3A_321 = arith.constant 7 : i32
          %parallel_loop3A_322 = vector.broadcast %parallel_loop3A_321 : i32 to vector<16xi32>
          %parallel_loop3A_323 = arith.addi %parallel_loop3A_171, %parallel_loop3A_322 : vector<16xi32>
          %parallel_loop3A_324 = arith.constant 15 : i32
          %parallel_loop3A_325 = vector.broadcast %parallel_loop3A_324 : i32 to vector<16xi32>
          %parallel_loop3A_326 = arith.andi %parallel_loop3A_323, %parallel_loop3A_325 : vector<16xi32>
          %parallel_loop3A_327 = vector.broadcast %parallel_loop3A_194 : i32 to vector<16xi32>
          %parallel_loop3A_328 = arith.addi %parallel_loop3A_326, %parallel_loop3A_327 : vector<16xi32>
          %parallel_loop3A_329 = tpu.vector_load_idx %arg7[%parallel_loop3A_170, %parallel_loop3A_328] : memref<80x64xi32, #tpu.memory_space<vmem>>[vector<16xi32>, vector<16xi32>], vector<16xi32>,
          %parallel_loop3A_330 = tpu.vector_load_idx %arg8[%parallel_loop3A_170, %parallel_loop3A_328] : memref<80x64xi32, #tpu.memory_space<vmem>>[vector<16xi32>, vector<16xi32>], vector<16xi32>,
          %parallel_loop3A_331 = vector.bitcast %parallel_loop3A_329 : vector<16xi32> to vector<32xbf16>
          %parallel_loop3A_332 = vector.bitcast %parallel_loop3A_330 : vector<16xi32> to vector<32xbf16>
          %parallel_loop3A_333 = arith.subf %parallel_loop3A_331, %parallel_loop3A_332 : vector<32xbf16>
          %parallel_loop3A_334 = arith.mulf %parallel_loop3A_333, %parallel_loop3A_333 : vector<32xbf16>
          %parallel_loop3A_335 = tpu.unpack_subelements %parallel_loop3A_334, 0 {pack_format = #tpu.pack_format<interleaved>} : vector<32xbf16> -> vector<16xf32>
          %parallel_loop3A_336 = tpu.unpack_subelements %parallel_loop3A_334, 1 {pack_format = #tpu.pack_format<interleaved>} : vector<32xbf16> -> vector<16xf32>
          %parallel_loop3A_337 = arith.addf %parallel_loop3A_301, %parallel_loop3A_335 : vector<16xf32>
          %parallel_loop3A_338 = arith.addf %parallel_loop3A_302, %parallel_loop3A_336 : vector<16xf32>
          %parallel_loop3A_339 = arith.constant 8 : i32
          %parallel_loop3A_340 = vector.broadcast %parallel_loop3A_339 : i32 to vector<16xi32>
          %parallel_loop3A_341 = arith.addi %parallel_loop3A_171, %parallel_loop3A_340 : vector<16xi32>
          %parallel_loop3A_342 = arith.constant 15 : i32
          %parallel_loop3A_343 = vector.broadcast %parallel_loop3A_342 : i32 to vector<16xi32>
          %parallel_loop3A_344 = arith.andi %parallel_loop3A_341, %parallel_loop3A_343 : vector<16xi32>
          %parallel_loop3A_345 = vector.broadcast %parallel_loop3A_194 : i32 to vector<16xi32>
          %parallel_loop3A_346 = arith.addi %parallel_loop3A_344, %parallel_loop3A_345 : vector<16xi32>
          %parallel_loop3A_347 = tpu.vector_load_idx %arg7[%parallel_loop3A_170, %parallel_loop3A_346] : memref<80x64xi32, #tpu.memory_space<vmem>>[vector<16xi32>, vector<16xi32>], vector<16xi32>,
          %parallel_loop3A_348 = tpu.vector_load_idx %arg8[%parallel_loop3A_170, %parallel_loop3A_346] : memref<80x64xi32, #tpu.memory_space<vmem>>[vector<16xi32>, vector<16xi32>], vector<16xi32>,
          %parallel_loop3A_349 = vector.bitcast %parallel_loop3A_347 : vector<16xi32> to vector<32xbf16>
          %parallel_loop3A_350 = vector.bitcast %parallel_loop3A_348 : vector<16xi32> to vector<32xbf16>
          %parallel_loop3A_351 = arith.subf %parallel_loop3A_349, %parallel_loop3A_350 : vector<32xbf16>
          %parallel_loop3A_352 = arith.mulf %parallel_loop3A_351, %parallel_loop3A_351 : vector<32xbf16>
          %parallel_loop3A_353 = tpu.unpack_subelements %parallel_loop3A_352, 0 {pack_format = #tpu.pack_format<interleaved>} : vector<32xbf16> -> vector<16xf32>
          %parallel_loop3A_354 = tpu.unpack_subelements %parallel_loop3A_352, 1 {pack_format = #tpu.pack_format<interleaved>} : vector<32xbf16> -> vector<16xf32>
          %parallel_loop3A_355 = arith.addf %parallel_loop3A_319, %parallel_loop3A_353 : vector<16xf32>
          %parallel_loop3A_356 = arith.addf %parallel_loop3A_320, %parallel_loop3A_354 : vector<16xf32>
          %parallel_loop3A_357 = arith.constant 9 : i32
          %parallel_loop3A_358 = vector.broadcast %parallel_loop3A_357 : i32 to vector<16xi32>
          %parallel_loop3A_359 = arith.addi %parallel_loop3A_171, %parallel_loop3A_358 : vector<16xi32>
          %parallel_loop3A_360 = arith.constant 15 : i32
          %parallel_loop3A_361 = vector.broadcast %parallel_loop3A_360 : i32 to vector<16xi32>
          %parallel_loop3A_362 = arith.andi %parallel_loop3A_359, %parallel_loop3A_361 : vector<16xi32>
          %parallel_loop3A_363 = vector.broadcast %parallel_loop3A_194 : i32 to vector<16xi32>
          %parallel_loop3A_364 = arith.addi %parallel_loop3A_362, %parallel_loop3A_363 : vector<16xi32>
          %parallel_loop3A_365 = tpu.vector_load_idx %arg7[%parallel_loop3A_170, %parallel_loop3A_364] : memref<80x64xi32, #tpu.memory_space<vmem>>[vector<16xi32>, vector<16xi32>], vector<16xi32>,
          %parallel_loop3A_366 = tpu.vector_load_idx %arg8[%parallel_loop3A_170, %parallel_loop3A_364] : memref<80x64xi32, #tpu.memory_space<vmem>>[vector<16xi32>, vector<16xi32>], vector<16xi32>,
          %parallel_loop3A_367 = vector.bitcast %parallel_loop3A_365 : vector<16xi32> to vector<32xbf16>
          %parallel_loop3A_368 = vector.bitcast %parallel_loop3A_366 : vector<16xi32> to vector<32xbf16>
          %parallel_loop3A_369 = arith.subf %parallel_loop3A_367, %parallel_loop3A_368 : vector<32xbf16>
          %parallel_loop3A_370 = arith.mulf %parallel_loop3A_369, %parallel_loop3A_369 : vector<32xbf16>
          %parallel_loop3A_371 = tpu.unpack_subelements %parallel_loop3A_370, 0 {pack_format = #tpu.pack_format<interleaved>} : vector<32xbf16> -> vector<16xf32>
          %parallel_loop3A_372 = tpu.unpack_subelements %parallel_loop3A_370, 1 {pack_format = #tpu.pack_format<interleaved>} : vector<32xbf16> -> vector<16xf32>
          %parallel_loop3A_373 = arith.addf %parallel_loop3A_337, %parallel_loop3A_371 : vector<16xf32>
          %parallel_loop3A_374 = arith.addf %parallel_loop3A_338, %parallel_loop3A_372 : vector<16xf32>
          %parallel_loop3A_375 = arith.constant 10 : i32
          %parallel_loop3A_376 = vector.broadcast %parallel_loop3A_375 : i32 to vector<16xi32>
          %parallel_loop3A_377 = arith.addi %parallel_loop3A_171, %parallel_loop3A_376 : vector<16xi32>
          %parallel_loop3A_378 = arith.constant 15 : i32
          %parallel_loop3A_379 = vector.broadcast %parallel_loop3A_378 : i32 to vector<16xi32>
          %parallel_loop3A_380 = arith.andi %parallel_loop3A_377, %parallel_loop3A_379 : vector<16xi32>
          %parallel_loop3A_381 = vector.broadcast %parallel_loop3A_194 : i32 to vector<16xi32>
          %parallel_loop3A_382 = arith.addi %parallel_loop3A_380, %parallel_loop3A_381 : vector<16xi32>
          %parallel_loop3A_383 = tpu.vector_load_idx %arg7[%parallel_loop3A_170, %parallel_loop3A_382] : memref<80x64xi32, #tpu.memory_space<vmem>>[vector<16xi32>, vector<16xi32>], vector<16xi32>,
          %parallel_loop3A_384 = tpu.vector_load_idx %arg8[%parallel_loop3A_170, %parallel_loop3A_382] : memref<80x64xi32, #tpu.memory_space<vmem>>[vector<16xi32>, vector<16xi32>], vector<16xi32>,
          %parallel_loop3A_385 = vector.bitcast %parallel_loop3A_383 : vector<16xi32> to vector<32xbf16>
          %parallel_loop3A_386 = vector.bitcast %parallel_loop3A_384 : vector<16xi32> to vector<32xbf16>
          %parallel_loop3A_387 = arith.subf %parallel_loop3A_385, %parallel_loop3A_386 : vector<32xbf16>
          %parallel_loop3A_388 = arith.mulf %parallel_loop3A_387, %parallel_loop3A_387 : vector<32xbf16>
          %parallel_loop3A_389 = tpu.unpack_subelements %parallel_loop3A_388, 0 {pack_format = #tpu.pack_format<interleaved>} : vector<32xbf16> -> vector<16xf32>
          %parallel_loop3A_390 = tpu.unpack_subelements %parallel_loop3A_388, 1 {pack_format = #tpu.pack_format<interleaved>} : vector<32xbf16> -> vector<16xf32>
          %parallel_loop3A_391 = arith.addf %parallel_loop3A_355, %parallel_loop3A_389 : vector<16xf32>
          %parallel_loop3A_392 = arith.addf %parallel_loop3A_356, %parallel_loop3A_390 : vector<16xf32>
          %parallel_loop3A_393 = arith.constant 11 : i32
          %parallel_loop3A_394 = vector.broadcast %parallel_loop3A_393 : i32 to vector<16xi32>
          %parallel_loop3A_395 = arith.addi %parallel_loop3A_171, %parallel_loop3A_394 : vector<16xi32>
          %parallel_loop3A_396 = arith.constant 15 : i32
          %parallel_loop3A_397 = vector.broadcast %parallel_loop3A_396 : i32 to vector<16xi32>
          %parallel_loop3A_398 = arith.andi %parallel_loop3A_395, %parallel_loop3A_397 : vector<16xi32>
          %parallel_loop3A_399 = vector.broadcast %parallel_loop3A_194 : i32 to vector<16xi32>
          %parallel_loop3A_400 = arith.addi %parallel_loop3A_398, %parallel_loop3A_399 : vector<16xi32>
          %parallel_loop3A_401 = tpu.vector_load_idx %arg7[%parallel_loop3A_170, %parallel_loop3A_400] : memref<80x64xi32, #tpu.memory_space<vmem>>[vector<16xi32>, vector<16xi32>], vector<16xi32>,
          %parallel_loop3A_402 = tpu.vector_load_idx %arg8[%parallel_loop3A_170, %parallel_loop3A_400] : memref<80x64xi32, #tpu.memory_space<vmem>>[vector<16xi32>, vector<16xi32>], vector<16xi32>,
          %parallel_loop3A_403 = vector.bitcast %parallel_loop3A_401 : vector<16xi32> to vector<32xbf16>
          %parallel_loop3A_404 = vector.bitcast %parallel_loop3A_402 : vector<16xi32> to vector<32xbf16>
          %parallel_loop3A_405 = arith.subf %parallel_loop3A_403, %parallel_loop3A_404 : vector<32xbf16>
          %parallel_loop3A_406 = arith.mulf %parallel_loop3A_405, %parallel_loop3A_405 : vector<32xbf16>
          %parallel_loop3A_407 = tpu.unpack_subelements %parallel_loop3A_406, 0 {pack_format = #tpu.pack_format<interleaved>} : vector<32xbf16> -> vector<16xf32>
          %parallel_loop3A_408 = tpu.unpack_subelements %parallel_loop3A_406, 1 {pack_format = #tpu.pack_format<interleaved>} : vector<32xbf16> -> vector<16xf32>
          %parallel_loop3A_409 = arith.addf %parallel_loop3A_373, %parallel_loop3A_407 : vector<16xf32>
          %parallel_loop3A_410 = arith.addf %parallel_loop3A_374, %parallel_loop3A_408 : vector<16xf32>
          %parallel_loop3A_411 = arith.constant 12 : i32
          %parallel_loop3A_412 = vector.broadcast %parallel_loop3A_411 : i32 to vector<16xi32>
          %parallel_loop3A_413 = arith.addi %parallel_loop3A_171, %parallel_loop3A_412 : vector<16xi32>
          %parallel_loop3A_414 = arith.constant 15 : i32
          %parallel_loop3A_415 = vector.broadcast %parallel_loop3A_414 : i32 to vector<16xi32>
          %parallel_loop3A_416 = arith.andi %parallel_loop3A_413, %parallel_loop3A_415 : vector<16xi32>
          %parallel_loop3A_417 = vector.broadcast %parallel_loop3A_194 : i32 to vector<16xi32>
          %parallel_loop3A_418 = arith.addi %parallel_loop3A_416, %parallel_loop3A_417 : vector<16xi32>
          %parallel_loop3A_419 = tpu.vector_load_idx %arg7[%parallel_loop3A_170, %parallel_loop3A_418] : memref<80x64xi32, #tpu.memory_space<vmem>>[vector<16xi32>, vector<16xi32>], vector<16xi32>,
          %parallel_loop3A_420 = tpu.vector_load_idx %arg8[%parallel_loop3A_170, %parallel_loop3A_418] : memref<80x64xi32, #tpu.memory_space<vmem>>[vector<16xi32>, vector<16xi32>], vector<16xi32>,
          %parallel_loop3A_421 = vector.bitcast %parallel_loop3A_419 : vector<16xi32> to vector<32xbf16>
          %parallel_loop3A_422 = vector.bitcast %parallel_loop3A_420 : vector<16xi32> to vector<32xbf16>
          %parallel_loop3A_423 = arith.subf %parallel_loop3A_421, %parallel_loop3A_422 : vector<32xbf16>
          %parallel_loop3A_424 = arith.mulf %parallel_loop3A_423, %parallel_loop3A_423 : vector<32xbf16>
          %parallel_loop3A_425 = tpu.unpack_subelements %parallel_loop3A_424, 0 {pack_format = #tpu.pack_format<interleaved>} : vector<32xbf16> -> vector<16xf32>
          %parallel_loop3A_426 = tpu.unpack_subelements %parallel_loop3A_424, 1 {pack_format = #tpu.pack_format<interleaved>} : vector<32xbf16> -> vector<16xf32>
          %parallel_loop3A_427 = arith.addf %parallel_loop3A_391, %parallel_loop3A_425 : vector<16xf32>
          %parallel_loop3A_428 = arith.addf %parallel_loop3A_392, %parallel_loop3A_426 : vector<16xf32>
          %parallel_loop3A_429 = arith.constant 13 : i32
          %parallel_loop3A_430 = vector.broadcast %parallel_loop3A_429 : i32 to vector<16xi32>
          %parallel_loop3A_431 = arith.addi %parallel_loop3A_171, %parallel_loop3A_430 : vector<16xi32>
          %parallel_loop3A_432 = arith.constant 15 : i32
          %parallel_loop3A_433 = vector.broadcast %parallel_loop3A_432 : i32 to vector<16xi32>
          %parallel_loop3A_434 = arith.andi %parallel_loop3A_431, %parallel_loop3A_433 : vector<16xi32>
          %parallel_loop3A_435 = vector.broadcast %parallel_loop3A_194 : i32 to vector<16xi32>
          %parallel_loop3A_436 = arith.addi %parallel_loop3A_434, %parallel_loop3A_435 : vector<16xi32>
          %parallel_loop3A_437 = tpu.vector_load_idx %arg7[%parallel_loop3A_170, %parallel_loop3A_436] : memref<80x64xi32, #tpu.memory_space<vmem>>[vector<16xi32>, vector<16xi32>], vector<16xi32>,
          %parallel_loop3A_438 = tpu.vector_load_idx %arg8[%parallel_loop3A_170, %parallel_loop3A_436] : memref<80x64xi32, #tpu.memory_space<vmem>>[vector<16xi32>, vector<16xi32>], vector<16xi32>,
          %parallel_loop3A_439 = vector.bitcast %parallel_loop3A_437 : vector<16xi32> to vector<32xbf16>
          %parallel_loop3A_440 = vector.bitcast %parallel_loop3A_438 : vector<16xi32> to vector<32xbf16>
          %parallel_loop3A_441 = arith.subf %parallel_loop3A_439, %parallel_loop3A_440 : vector<32xbf16>
          %parallel_loop3A_442 = arith.mulf %parallel_loop3A_441, %parallel_loop3A_441 : vector<32xbf16>
          %parallel_loop3A_443 = tpu.unpack_subelements %parallel_loop3A_442, 0 {pack_format = #tpu.pack_format<interleaved>} : vector<32xbf16> -> vector<16xf32>
          %parallel_loop3A_444 = tpu.unpack_subelements %parallel_loop3A_442, 1 {pack_format = #tpu.pack_format<interleaved>} : vector<32xbf16> -> vector<16xf32>
          %parallel_loop3A_445 = arith.addf %parallel_loop3A_409, %parallel_loop3A_443 : vector<16xf32>
          %parallel_loop3A_446 = arith.addf %parallel_loop3A_410, %parallel_loop3A_444 : vector<16xf32>
          %parallel_loop3A_447 = arith.constant 14 : i32
          %parallel_loop3A_448 = vector.broadcast %parallel_loop3A_447 : i32 to vector<16xi32>
          %parallel_loop3A_449 = arith.addi %parallel_loop3A_171, %parallel_loop3A_448 : vector<16xi32>
          %parallel_loop3A_450 = arith.constant 15 : i32
          %parallel_loop3A_451 = vector.broadcast %parallel_loop3A_450 : i32 to vector<16xi32>
          %parallel_loop3A_452 = arith.andi %parallel_loop3A_449, %parallel_loop3A_451 : vector<16xi32>
          %parallel_loop3A_453 = vector.broadcast %parallel_loop3A_194 : i32 to vector<16xi32>
          %parallel_loop3A_454 = arith.addi %parallel_loop3A_452, %parallel_loop3A_453 : vector<16xi32>
          %parallel_loop3A_455 = tpu.vector_load_idx %arg7[%parallel_loop3A_170, %parallel_loop3A_454] : memref<80x64xi32, #tpu.memory_space<vmem>>[vector<16xi32>, vector<16xi32>], vector<16xi32>,
          %parallel_loop3A_456 = tpu.vector_load_idx %arg8[%parallel_loop3A_170, %parallel_loop3A_454] : memref<80x64xi32, #tpu.memory_space<vmem>>[vector<16xi32>, vector<16xi32>], vector<16xi32>,
          %parallel_loop3A_457 = vector.bitcast %parallel_loop3A_455 : vector<16xi32> to vector<32xbf16>
          %parallel_loop3A_458 = vector.bitcast %parallel_loop3A_456 : vector<16xi32> to vector<32xbf16>
          %parallel_loop3A_459 = arith.subf %parallel_loop3A_457, %parallel_loop3A_458 : vector<32xbf16>
          %parallel_loop3A_460 = arith.mulf %parallel_loop3A_459, %parallel_loop3A_459 : vector<32xbf16>
          %parallel_loop3A_461 = tpu.unpack_subelements %parallel_loop3A_460, 0 {pack_format = #tpu.pack_format<interleaved>} : vector<32xbf16> -> vector<16xf32>
          %parallel_loop3A_462 = tpu.unpack_subelements %parallel_loop3A_460, 1 {pack_format = #tpu.pack_format<interleaved>} : vector<32xbf16> -> vector<16xf32>
          %parallel_loop3A_463 = arith.addf %parallel_loop3A_427, %parallel_loop3A_461 : vector<16xf32>
          %parallel_loop3A_464 = arith.addf %parallel_loop3A_428, %parallel_loop3A_462 : vector<16xf32>
          %parallel_loop3A_465 = arith.constant 15 : i32
          %parallel_loop3A_466 = vector.broadcast %parallel_loop3A_465 : i32 to vector<16xi32>
          %parallel_loop3A_467 = arith.addi %parallel_loop3A_171, %parallel_loop3A_466 : vector<16xi32>
          %parallel_loop3A_468 = arith.constant 15 : i32
          %parallel_loop3A_469 = vector.broadcast %parallel_loop3A_468 : i32 to vector<16xi32>
          %parallel_loop3A_470 = arith.andi %parallel_loop3A_467, %parallel_loop3A_469 : vector<16xi32>
          %parallel_loop3A_471 = vector.broadcast %parallel_loop3A_194 : i32 to vector<16xi32>
          %parallel_loop3A_472 = arith.addi %parallel_loop3A_470, %parallel_loop3A_471 : vector<16xi32>
          %parallel_loop3A_473 = tpu.vector_load_idx %arg7[%parallel_loop3A_170, %parallel_loop3A_472] : memref<80x64xi32, #tpu.memory_space<vmem>>[vector<16xi32>, vector<16xi32>], vector<16xi32>,
          %parallel_loop3A_474 = tpu.vector_load_idx %arg8[%parallel_loop3A_170, %parallel_loop3A_472] : memref<80x64xi32, #tpu.memory_space<vmem>>[vector<16xi32>, vector<16xi32>], vector<16xi32>,
          %parallel_loop3A_475 = vector.bitcast %parallel_loop3A_473 : vector<16xi32> to vector<32xbf16>
          %parallel_loop3A_476 = vector.bitcast %parallel_loop3A_474 : vector<16xi32> to vector<32xbf16>
          %parallel_loop3A_477 = arith.subf %parallel_loop3A_475, %parallel_loop3A_476 : vector<32xbf16>
          %parallel_loop3A_478 = arith.mulf %parallel_loop3A_477, %parallel_loop3A_477 : vector<32xbf16>
          %parallel_loop3A_479 = tpu.unpack_subelements %parallel_loop3A_478, 0 {pack_format = #tpu.pack_format<interleaved>} : vector<32xbf16> -> vector<16xf32>
          %parallel_loop3A_480 = tpu.unpack_subelements %parallel_loop3A_478, 1 {pack_format = #tpu.pack_format<interleaved>} : vector<32xbf16> -> vector<16xf32>
          %parallel_loop3A_481 = arith.addf %parallel_loop3A_445, %parallel_loop3A_479 : vector<16xf32>
          %parallel_loop3A_482 = arith.addf %parallel_loop3A_446, %parallel_loop3A_480 : vector<16xf32>
          scf.yield %parallel_loop3A_463, %parallel_loop3A_464, %parallel_loop3A_481, %parallel_loop3A_482 : vector<16xf32>, vector<16xf32>, vector<16xf32>, vector<16xf32>
        } {sc.loop_unroll_factor = 1 : i64, sc.parallel_access}
        %parallel_loop3A_178 = arith.addf %parallel_loop3A_177#0, %parallel_loop3A_177#1 : vector<16xf32>
        %parallel_loop3A_179 = arith.addf %parallel_loop3A_177#2, %parallel_loop3A_177#3 : vector<16xf32>
        %parallel_loop3A_180 = arith.addf %parallel_loop3A_178, %parallel_loop3A_179 : vector<16xf32>
        %parallel_loop3A_181 = arith.constant 80 : i32
        %parallel_loop3A_182 = arith.muli %add3A_91, %parallel_loop3A_181 : i32
        %parallel_loop3A_183 = arith.constant 16 : i32
        %parallel_loop3A_184 = arith.muli %parallel_loop3A_165, %parallel_loop3A_183 : i32
        %parallel_loop3A_185 = arith.addi %parallel_loop3A_182, %parallel_loop3A_184 : i32
        %parallel_loop3A_186 = arith.index_cast %parallel_loop3A_185 : i32 to index
        %parallel_loop3A_187 = tpu.vector_load %arg13[%parallel_loop3A_186] {strides = array<i32>} : memref<10000xf32, #tpu.memory_space<vmem>>, vector<16xf32>,
        tpu.vector_store %arg13[%parallel_loop3A_186], %parallel_loop3A_180 {strides = array<i32>} : memref<10000xf32, #tpu.memory_space<vmem>>, vector<16xf32>,
      } {sc.loop_unroll_factor = 1 : i64, sc.parallel_access}
      %add3A_95 = arith.constant 1 : i32
      %add3A_96 = arith.addi %mul3A_59, %add3A_95 : i32
      %add3A_97 = arith.constant 2 : i32
      %add3A_98 = arith.addi %add3A_96, %add3A_97 : i32
      %mul3A_99 = arith.constant 80 : i32
      %mul3A_100 = arith.muli %add3A_98, %mul3A_99 : i32
      %dma_start3A_101 = tpu.memref_slice %arg5[%mul3A_100] : memref<10000xi32, #tpu.memory_space<vmem>> -> memref<80xi32, #tpu.memory_space<vmem>>
      %dma_start3A_102 = arith.constant 0 : i32
      %dma_start3A_103 = arith.constant 0 : i32
      %dma_start3A_104 = tpu.memref_slice %arg2[%dma_start3A_102, %dma_start3A_103] : memref<10000x64xi32, #tpu.memory_space<hbm>> -> memref<10000x64xi32, #tpu.memory_space<hbm>>
      tpu.enqueue_indirect_dma source(%dma_start3A_104 : memref<10000x64xi32, #tpu.memory_space<hbm>>) target(%arg7 : memref<80x64xi32, #tpu.memory_space<vmem>>) offsets(%dma_start3A_101 : memref<80xi32, #tpu.memory_space<vmem>>) semaphore(%arg14 : memref<!tpu.dma_semaphore, #tpu.memory_space<semaphore_mem>>)
      %mul3A_105 = arith.constant 80 : i32
      %mul3A_106 = arith.muli %add3A_98, %mul3A_105 : i32
      %dma_start3A_107 = tpu.memref_slice %arg6[%mul3A_106] : memref<10000xi32, #tpu.memory_space<vmem>> -> memref<80xi32, #tpu.memory_space<vmem>>
      %dma_start3A_108 = arith.constant 0 : i32
      %dma_start3A_109 = arith.constant 0 : i32
      %dma_start3A_110 = tpu.memref_slice %arg2[%dma_start3A_108, %dma_start3A_109] : memref<10000x64xi32, #tpu.memory_space<hbm>> -> memref<10000x64xi32, #tpu.memory_space<hbm>>
      tpu.enqueue_indirect_dma source(%dma_start3A_110 : memref<10000x64xi32, #tpu.memory_space<hbm>>) target(%arg8 : memref<80x64xi32, #tpu.memory_space<vmem>>) offsets(%dma_start3A_107 : memref<80xi32, #tpu.memory_space<vmem>>) semaphore(%arg15 : memref<!tpu.dma_semaphore, #tpu.memory_space<semaphore_mem>>)
      %add3A_111 = arith.constant 1 : i32
      %add3A_112 = arith.addi %mul3A_59, %add3A_111 : i32
      %mul3A_113 = arith.constant 80 : i32
      %mul3A_114 = arith.muli %add3A_112, %mul3A_113 : i32
      %dma_wait3A_115 = tpu.memref_slice %arg5[%mul3A_114] : memref<10000xi32, #tpu.memory_space<vmem>> -> memref<80xi32, #tpu.memory_space<vmem>>
      %dma_wait3A_116 = arith.constant 0 : i32
      %dma_wait3A_117 = arith.constant 0 : i32
      %dma_wait3A_118 = tpu.memref_slice %arg2[%dma_wait3A_116, %dma_wait3A_117] : memref<10000x64xi32, #tpu.memory_space<hbm>> -> memref<10000x64xi32, #tpu.memory_space<hbm>>
      tpu.wait_indirect_dma semaphore(%arg16 : memref<!tpu.dma_semaphore, #tpu.memory_space<semaphore_mem>>) src(%dma_wait3A_118 : memref<10000x64xi32, #tpu.memory_space<hbm>>) dst(%arg9 : memref<80x64xi32, #tpu.memory_space<vmem>>)
      %mul3A_119 = arith.constant 80 : i32
      %mul3A_120 = arith.muli %add3A_112, %mul3A_119 : i32
      %dma_wait3A_121 = tpu.memref_slice %arg6[%mul3A_120] : memref<10000xi32, #tpu.memory_space<vmem>> -> memref<80xi32, #tpu.memory_space<vmem>>
      %dma_wait3A_122 = arith.constant 0 : i32
      %dma_wait3A_123 = arith.constant 0 : i32
      %dma_wait3A_124 = tpu.memref_slice %arg2[%dma_wait3A_122, %dma_wait3A_123] : memref<10000x64xi32, #tpu.memory_space<hbm>> -> memref<10000x64xi32, #tpu.memory_space<hbm>>
      tpu.wait_indirect_dma semaphore(%arg17 : memref<!tpu.dma_semaphore, #tpu.memory_space<semaphore_mem>>) src(%dma_wait3A_124 : memref<10000x64xi32, #tpu.memory_space<hbm>>) dst(%arg10 : memref<80x64xi32, #tpu.memory_space<vmem>>)
      %add3A_125 = arith.constant 1 : i32
      %add3A_126 = arith.addi %mul3A_59, %add3A_125 : i32
      %parallel_loop3A_127 = arith.constant 0 : i32
      %parallel_loop3A_128 = arith.constant 5 : i32
      %parallel_loop3A_129 = arith.constant 1 : i32
      scf.for %parallel_loop3A_165 = %parallel_loop3A_127 to %parallel_loop3A_128 step %parallel_loop3A_129  : i32 {
        %parallel_loop3A_166 = tpu.iota {dimensions = array<i32: 0>} : vector<16xi32>
        %parallel_loop3A_167 = arith.constant 16 : i32
        %parallel_loop3A_168 = arith.muli %parallel_loop3A_165, %parallel_loop3A_167 : i32
        %parallel_loop3A_169 = vector.broadcast %parallel_loop3A_168 : i32 to vector<16xi32>
        %parallel_loop3A_170 = arith.addi %parallel_loop3A_166, %parallel_loop3A_169 : vector<16xi32>
        %parallel_loop3A_171 = tpu.iota {dimensions = array<i32: 0>} : vector<16xi32>
        %parallel_loop3A_172 = arith.constant 0.000000e+00 : f32
        %parallel_loop3A_173 = vector.broadcast %parallel_loop3A_172 : f32 to vector<16xf32>
        %parallel_loop3A_174 = arith.constant 0 : i32
        %parallel_loop3A_175 = arith.constant 4 : i32
        %parallel_loop3A_176 = arith.constant 1 : i32
        %parallel_loop3A_177:4 = scf.for %parallel_loop3A_188 = %parallel_loop3A_174 to %parallel_loop3A_175 step %parallel_loop3A_176 iter_args(%parallel_loop3A_189 = %parallel_loop3A_173, %parallel_loop3A_190 = %parallel_loop3A_173, %parallel_loop3A_191 = %parallel_loop3A_173, %parallel_loop3A_192 = %parallel_loop3A_173) -> (vector<16xf32>, vector<16xf32>, vector<16xf32>, vector<16xf32>)  : i32 {
          %parallel_loop3A_193 = arith.constant 16 : i32
          %parallel_loop3A_194 = arith.muli %parallel_loop3A_188, %parallel_loop3A_193 : i32
          %parallel_loop3A_195 = arith.constant 0 : i32
          %parallel_loop3A_196 = vector.broadcast %parallel_loop3A_195 : i32 to vector<16xi32>
          %parallel_loop3A_197 = arith.addi %parallel_loop3A_171, %parallel_loop3A_196 : vector<16xi32>
          %parallel_loop3A_198 = arith.constant 15 : i32
          %parallel_loop3A_199 = vector.broadcast %parallel_loop3A_198 : i32 to vector<16xi32>
          %parallel_loop3A_200 = arith.andi %parallel_loop3A_197, %parallel_loop3A_199 : vector<16xi32>
          %parallel_loop3A_201 = vector.broadcast %parallel_loop3A_194 : i32 to vector<16xi32>
          %parallel_loop3A_202 = arith.addi %parallel_loop3A_200, %parallel_loop3A_201 : vector<16xi32>
          %parallel_loop3A_203 = tpu.vector_load_idx %arg9[%parallel_loop3A_170, %parallel_loop3A_202] : memref<80x64xi32, #tpu.memory_space<vmem>>[vector<16xi32>, vector<16xi32>], vector<16xi32>,
          %parallel_loop3A_204 = tpu.vector_load_idx %arg10[%parallel_loop3A_170, %parallel_loop3A_202] : memref<80x64xi32, #tpu.memory_space<vmem>>[vector<16xi32>, vector<16xi32>], vector<16xi32>,
          %parallel_loop3A_205 = vector.bitcast %parallel_loop3A_203 : vector<16xi32> to vector<32xbf16>
          %parallel_loop3A_206 = vector.bitcast %parallel_loop3A_204 : vector<16xi32> to vector<32xbf16>
          %parallel_loop3A_207 = arith.subf %parallel_loop3A_205, %parallel_loop3A_206 : vector<32xbf16>
          %parallel_loop3A_208 = arith.mulf %parallel_loop3A_207, %parallel_loop3A_207 : vector<32xbf16>
          %parallel_loop3A_209 = tpu.unpack_subelements %parallel_loop3A_208, 0 {pack_format = #tpu.pack_format<interleaved>} : vector<32xbf16> -> vector<16xf32>
          %parallel_loop3A_210 = tpu.unpack_subelements %parallel_loop3A_208, 1 {pack_format = #tpu.pack_format<interleaved>} : vector<32xbf16> -> vector<16xf32>
          %parallel_loop3A_211 = arith.addf %parallel_loop3A_189, %parallel_loop3A_209 : vector<16xf32>
          %parallel_loop3A_212 = arith.addf %parallel_loop3A_190, %parallel_loop3A_210 : vector<16xf32>
          %parallel_loop3A_213 = arith.constant 1 : i32
          %parallel_loop3A_214 = vector.broadcast %parallel_loop3A_213 : i32 to vector<16xi32>
          %parallel_loop3A_215 = arith.addi %parallel_loop3A_171, %parallel_loop3A_214 : vector<16xi32>
          %parallel_loop3A_216 = arith.constant 15 : i32
          %parallel_loop3A_217 = vector.broadcast %parallel_loop3A_216 : i32 to vector<16xi32>
          %parallel_loop3A_218 = arith.andi %parallel_loop3A_215, %parallel_loop3A_217 : vector<16xi32>
          %parallel_loop3A_219 = vector.broadcast %parallel_loop3A_194 : i32 to vector<16xi32>
          %parallel_loop3A_220 = arith.addi %parallel_loop3A_218, %parallel_loop3A_219 : vector<16xi32>
          %parallel_loop3A_221 = tpu.vector_load_idx %arg9[%parallel_loop3A_170, %parallel_loop3A_220] : memref<80x64xi32, #tpu.memory_space<vmem>>[vector<16xi32>, vector<16xi32>], vector<16xi32>,
          %parallel_loop3A_222 = tpu.vector_load_idx %arg10[%parallel_loop3A_170, %parallel_loop3A_220] : memref<80x64xi32, #tpu.memory_space<vmem>>[vector<16xi32>, vector<16xi32>], vector<16xi32>,
          %parallel_loop3A_223 = vector.bitcast %parallel_loop3A_221 : vector<16xi32> to vector<32xbf16>
          %parallel_loop3A_224 = vector.bitcast %parallel_loop3A_222 : vector<16xi32> to vector<32xbf16>
          %parallel_loop3A_225 = arith.subf %parallel_loop3A_223, %parallel_loop3A_224 : vector<32xbf16>
          %parallel_loop3A_226 = arith.mulf %parallel_loop3A_225, %parallel_loop3A_225 : vector<32xbf16>
          %parallel_loop3A_227 = tpu.unpack_subelements %parallel_loop3A_226, 0 {pack_format = #tpu.pack_format<interleaved>} : vector<32xbf16> -> vector<16xf32>
          %parallel_loop3A_228 = tpu.unpack_subelements %parallel_loop3A_226, 1 {pack_format = #tpu.pack_format<interleaved>} : vector<32xbf16> -> vector<16xf32>
          %parallel_loop3A_229 = arith.addf %parallel_loop3A_191, %parallel_loop3A_227 : vector<16xf32>
          %parallel_loop3A_230 = arith.addf %parallel_loop3A_192, %parallel_loop3A_228 : vector<16xf32>
          %parallel_loop3A_231 = arith.constant 2 : i32
          %parallel_loop3A_232 = vector.broadcast %parallel_loop3A_231 : i32 to vector<16xi32>
          %parallel_loop3A_233 = arith.addi %parallel_loop3A_171, %parallel_loop3A_232 : vector<16xi32>
          %parallel_loop3A_234 = arith.constant 15 : i32
          %parallel_loop3A_235 = vector.broadcast %parallel_loop3A_234 : i32 to vector<16xi32>
          %parallel_loop3A_236 = arith.andi %parallel_loop3A_233, %parallel_loop3A_235 : vector<16xi32>
          %parallel_loop3A_237 = vector.broadcast %parallel_loop3A_194 : i32 to vector<16xi32>
          %parallel_loop3A_238 = arith.addi %parallel_loop3A_236, %parallel_loop3A_237 : vector<16xi32>
          %parallel_loop3A_239 = tpu.vector_load_idx %arg9[%parallel_loop3A_170, %parallel_loop3A_238] : memref<80x64xi32, #tpu.memory_space<vmem>>[vector<16xi32>, vector<16xi32>], vector<16xi32>,
          %parallel_loop3A_240 = tpu.vector_load_idx %arg10[%parallel_loop3A_170, %parallel_loop3A_238] : memref<80x64xi32, #tpu.memory_space<vmem>>[vector<16xi32>, vector<16xi32>], vector<16xi32>,
          %parallel_loop3A_241 = vector.bitcast %parallel_loop3A_239 : vector<16xi32> to vector<32xbf16>
          %parallel_loop3A_242 = vector.bitcast %parallel_loop3A_240 : vector<16xi32> to vector<32xbf16>
          %parallel_loop3A_243 = arith.subf %parallel_loop3A_241, %parallel_loop3A_242 : vector<32xbf16>
          %parallel_loop3A_244 = arith.mulf %parallel_loop3A_243, %parallel_loop3A_243 : vector<32xbf16>
          %parallel_loop3A_245 = tpu.unpack_subelements %parallel_loop3A_244, 0 {pack_format = #tpu.pack_format<interleaved>} : vector<32xbf16> -> vector<16xf32>
          %parallel_loop3A_246 = tpu.unpack_subelements %parallel_loop3A_244, 1 {pack_format = #tpu.pack_format<interleaved>} : vector<32xbf16> -> vector<16xf32>
          %parallel_loop3A_247 = arith.addf %parallel_loop3A_211, %parallel_loop3A_245 : vector<16xf32>
          %parallel_loop3A_248 = arith.addf %parallel_loop3A_212, %parallel_loop3A_246 : vector<16xf32>
          %parallel_loop3A_249 = arith.constant 3 : i32
          %parallel_loop3A_250 = vector.broadcast %parallel_loop3A_249 : i32 to vector<16xi32>
          %parallel_loop3A_251 = arith.addi %parallel_loop3A_171, %parallel_loop3A_250 : vector<16xi32>
          %parallel_loop3A_252 = arith.constant 15 : i32
          %parallel_loop3A_253 = vector.broadcast %parallel_loop3A_252 : i32 to vector<16xi32>
          %parallel_loop3A_254 = arith.andi %parallel_loop3A_251, %parallel_loop3A_253 : vector<16xi32>
          %parallel_loop3A_255 = vector.broadcast %parallel_loop3A_194 : i32 to vector<16xi32>
          %parallel_loop3A_256 = arith.addi %parallel_loop3A_254, %parallel_loop3A_255 : vector<16xi32>
          %parallel_loop3A_257 = tpu.vector_load_idx %arg9[%parallel_loop3A_170, %parallel_loop3A_256] : memref<80x64xi32, #tpu.memory_space<vmem>>[vector<16xi32>, vector<16xi32>], vector<16xi32>,
          %parallel_loop3A_258 = tpu.vector_load_idx %arg10[%parallel_loop3A_170, %parallel_loop3A_256] : memref<80x64xi32, #tpu.memory_space<vmem>>[vector<16xi32>, vector<16xi32>], vector<16xi32>,
          %parallel_loop3A_259 = vector.bitcast %parallel_loop3A_257 : vector<16xi32> to vector<32xbf16>
          %parallel_loop3A_260 = vector.bitcast %parallel_loop3A_258 : vector<16xi32> to vector<32xbf16>
          %parallel_loop3A_261 = arith.subf %parallel_loop3A_259, %parallel_loop3A_260 : vector<32xbf16>
          %parallel_loop3A_262 = arith.mulf %parallel_loop3A_261, %parallel_loop3A_261 : vector<32xbf16>
          %parallel_loop3A_263 = tpu.unpack_subelements %parallel_loop3A_262, 0 {pack_format = #tpu.pack_format<interleaved>} : vector<32xbf16> -> vector<16xf32>
          %parallel_loop3A_264 = tpu.unpack_subelements %parallel_loop3A_262, 1 {pack_format = #tpu.pack_format<interleaved>} : vector<32xbf16> -> vector<16xf32>
          %parallel_loop3A_265 = arith.addf %parallel_loop3A_229, %parallel_loop3A_263 : vector<16xf32>
          %parallel_loop3A_266 = arith.addf %parallel_loop3A_230, %parallel_loop3A_264 : vector<16xf32>
          %parallel_loop3A_267 = arith.constant 4 : i32
          %parallel_loop3A_268 = vector.broadcast %parallel_loop3A_267 : i32 to vector<16xi32>
          %parallel_loop3A_269 = arith.addi %parallel_loop3A_171, %parallel_loop3A_268 : vector<16xi32>
          %parallel_loop3A_270 = arith.constant 15 : i32
          %parallel_loop3A_271 = vector.broadcast %parallel_loop3A_270 : i32 to vector<16xi32>
          %parallel_loop3A_272 = arith.andi %parallel_loop3A_269, %parallel_loop3A_271 : vector<16xi32>
          %parallel_loop3A_273 = vector.broadcast %parallel_loop3A_194 : i32 to vector<16xi32>
          %parallel_loop3A_274 = arith.addi %parallel_loop3A_272, %parallel_loop3A_273 : vector<16xi32>
          %parallel_loop3A_275 = tpu.vector_load_idx %arg9[%parallel_loop3A_170, %parallel_loop3A_274] : memref<80x64xi32, #tpu.memory_space<vmem>>[vector<16xi32>, vector<16xi32>], vector<16xi32>,
          %parallel_loop3A_276 = tpu.vector_load_idx %arg10[%parallel_loop3A_170, %parallel_loop3A_274] : memref<80x64xi32, #tpu.memory_space<vmem>>[vector<16xi32>, vector<16xi32>], vector<16xi32>,
          %parallel_loop3A_277 = vector.bitcast %parallel_loop3A_275 : vector<16xi32> to vector<32xbf16>
          %parallel_loop3A_278 = vector.bitcast %parallel_loop3A_276 : vector<16xi32> to vector<32xbf16>
          %parallel_loop3A_279 = arith.subf %parallel_loop3A_277, %parallel_loop3A_278 : vector<32xbf16>
          %parallel_loop3A_280 = arith.mulf %parallel_loop3A_279, %parallel_loop3A_279 : vector<32xbf16>
          %parallel_loop3A_281 = tpu.unpack_subelements %parallel_loop3A_280, 0 {pack_format = #tpu.pack_format<interleaved>} : vector<32xbf16> -> vector<16xf32>
          %parallel_loop3A_282 = tpu.unpack_subelements %parallel_loop3A_280, 1 {pack_format = #tpu.pack_format<interleaved>} : vector<32xbf16> -> vector<16xf32>
          %parallel_loop3A_283 = arith.addf %parallel_loop3A_247, %parallel_loop3A_281 : vector<16xf32>
          %parallel_loop3A_284 = arith.addf %parallel_loop3A_248, %parallel_loop3A_282 : vector<16xf32>
          %parallel_loop3A_285 = arith.constant 5 : i32
          %parallel_loop3A_286 = vector.broadcast %parallel_loop3A_285 : i32 to vector<16xi32>
          %parallel_loop3A_287 = arith.addi %parallel_loop3A_171, %parallel_loop3A_286 : vector<16xi32>
          %parallel_loop3A_288 = arith.constant 15 : i32
          %parallel_loop3A_289 = vector.broadcast %parallel_loop3A_288 : i32 to vector<16xi32>
          %parallel_loop3A_290 = arith.andi %parallel_loop3A_287, %parallel_loop3A_289 : vector<16xi32>
          %parallel_loop3A_291 = vector.broadcast %parallel_loop3A_194 : i32 to vector<16xi32>
          %parallel_loop3A_292 = arith.addi %parallel_loop3A_290, %parallel_loop3A_291 : vector<16xi32>
          %parallel_loop3A_293 = tpu.vector_load_idx %arg9[%parallel_loop3A_170, %parallel_loop3A_292] : memref<80x64xi32, #tpu.memory_space<vmem>>[vector<16xi32>, vector<16xi32>], vector<16xi32>,
          %parallel_loop3A_294 = tpu.vector_load_idx %arg10[%parallel_loop3A_170, %parallel_loop3A_292] : memref<80x64xi32, #tpu.memory_space<vmem>>[vector<16xi32>, vector<16xi32>], vector<16xi32>,
          %parallel_loop3A_295 = vector.bitcast %parallel_loop3A_293 : vector<16xi32> to vector<32xbf16>
          %parallel_loop3A_296 = vector.bitcast %parallel_loop3A_294 : vector<16xi32> to vector<32xbf16>
          %parallel_loop3A_297 = arith.subf %parallel_loop3A_295, %parallel_loop3A_296 : vector<32xbf16>
          %parallel_loop3A_298 = arith.mulf %parallel_loop3A_297, %parallel_loop3A_297 : vector<32xbf16>
          %parallel_loop3A_299 = tpu.unpack_subelements %parallel_loop3A_298, 0 {pack_format = #tpu.pack_format<interleaved>} : vector<32xbf16> -> vector<16xf32>
          %parallel_loop3A_300 = tpu.unpack_subelements %parallel_loop3A_298, 1 {pack_format = #tpu.pack_format<interleaved>} : vector<32xbf16> -> vector<16xf32>
          %parallel_loop3A_301 = arith.addf %parallel_loop3A_265, %parallel_loop3A_299 : vector<16xf32>
          %parallel_loop3A_302 = arith.addf %parallel_loop3A_266, %parallel_loop3A_300 : vector<16xf32>
          %parallel_loop3A_303 = arith.constant 6 : i32
          %parallel_loop3A_304 = vector.broadcast %parallel_loop3A_303 : i32 to vector<16xi32>
          %parallel_loop3A_305 = arith.addi %parallel_loop3A_171, %parallel_loop3A_304 : vector<16xi32>
          %parallel_loop3A_306 = arith.constant 15 : i32
          %parallel_loop3A_307 = vector.broadcast %parallel_loop3A_306 : i32 to vector<16xi32>
          %parallel_loop3A_308 = arith.andi %parallel_loop3A_305, %parallel_loop3A_307 : vector<16xi32>
          %parallel_loop3A_309 = vector.broadcast %parallel_loop3A_194 : i32 to vector<16xi32>
          %parallel_loop3A_310 = arith.addi %parallel_loop3A_308, %parallel_loop3A_309 : vector<16xi32>
          %parallel_loop3A_311 = tpu.vector_load_idx %arg9[%parallel_loop3A_170, %parallel_loop3A_310] : memref<80x64xi32, #tpu.memory_space<vmem>>[vector<16xi32>, vector<16xi32>], vector<16xi32>,
          %parallel_loop3A_312 = tpu.vector_load_idx %arg10[%parallel_loop3A_170, %parallel_loop3A_310] : memref<80x64xi32, #tpu.memory_space<vmem>>[vector<16xi32>, vector<16xi32>], vector<16xi32>,
          %parallel_loop3A_313 = vector.bitcast %parallel_loop3A_311 : vector<16xi32> to vector<32xbf16>
          %parallel_loop3A_314 = vector.bitcast %parallel_loop3A_312 : vector<16xi32> to vector<32xbf16>
          %parallel_loop3A_315 = arith.subf %parallel_loop3A_313, %parallel_loop3A_314 : vector<32xbf16>
          %parallel_loop3A_316 = arith.mulf %parallel_loop3A_315, %parallel_loop3A_315 : vector<32xbf16>
          %parallel_loop3A_317 = tpu.unpack_subelements %parallel_loop3A_316, 0 {pack_format = #tpu.pack_format<interleaved>} : vector<32xbf16> -> vector<16xf32>
          %parallel_loop3A_318 = tpu.unpack_subelements %parallel_loop3A_316, 1 {pack_format = #tpu.pack_format<interleaved>} : vector<32xbf16> -> vector<16xf32>
          %parallel_loop3A_319 = arith.addf %parallel_loop3A_283, %parallel_loop3A_317 : vector<16xf32>
          %parallel_loop3A_320 = arith.addf %parallel_loop3A_284, %parallel_loop3A_318 : vector<16xf32>
          %parallel_loop3A_321 = arith.constant 7 : i32
          %parallel_loop3A_322 = vector.broadcast %parallel_loop3A_321 : i32 to vector<16xi32>
          %parallel_loop3A_323 = arith.addi %parallel_loop3A_171, %parallel_loop3A_322 : vector<16xi32>
          %parallel_loop3A_324 = arith.constant 15 : i32
          %parallel_loop3A_325 = vector.broadcast %parallel_loop3A_324 : i32 to vector<16xi32>
          %parallel_loop3A_326 = arith.andi %parallel_loop3A_323, %parallel_loop3A_325 : vector<16xi32>
          %parallel_loop3A_327 = vector.broadcast %parallel_loop3A_194 : i32 to vector<16xi32>
          %parallel_loop3A_328 = arith.addi %parallel_loop3A_326, %parallel_loop3A_327 : vector<16xi32>
          %parallel_loop3A_329 = tpu.vector_load_idx %arg9[%parallel_loop3A_170, %parallel_loop3A_328] : memref<80x64xi32, #tpu.memory_space<vmem>>[vector<16xi32>, vector<16xi32>], vector<16xi32>,
          %parallel_loop3A_330 = tpu.vector_load_idx %arg10[%parallel_loop3A_170, %parallel_loop3A_328] : memref<80x64xi32, #tpu.memory_space<vmem>>[vector<16xi32>, vector<16xi32>], vector<16xi32>,
          %parallel_loop3A_331 = vector.bitcast %parallel_loop3A_329 : vector<16xi32> to vector<32xbf16>
          %parallel_loop3A_332 = vector.bitcast %parallel_loop3A_330 : vector<16xi32> to vector<32xbf16>
          %parallel_loop3A_333 = arith.subf %parallel_loop3A_331, %parallel_loop3A_332 : vector<32xbf16>
          %parallel_loop3A_334 = arith.mulf %parallel_loop3A_333, %parallel_loop3A_333 : vector<32xbf16>
          %parallel_loop3A_335 = tpu.unpack_subelements %parallel_loop3A_334, 0 {pack_format = #tpu.pack_format<interleaved>} : vector<32xbf16> -> vector<16xf32>
          %parallel_loop3A_336 = tpu.unpack_subelements %parallel_loop3A_334, 1 {pack_format = #tpu.pack_format<interleaved>} : vector<32xbf16> -> vector<16xf32>
          %parallel_loop3A_337 = arith.addf %parallel_loop3A_301, %parallel_loop3A_335 : vector<16xf32>
          %parallel_loop3A_338 = arith.addf %parallel_loop3A_302, %parallel_loop3A_336 : vector<16xf32>
          %parallel_loop3A_339 = arith.constant 8 : i32
          %parallel_loop3A_340 = vector.broadcast %parallel_loop3A_339 : i32 to vector<16xi32>
          %parallel_loop3A_341 = arith.addi %parallel_loop3A_171, %parallel_loop3A_340 : vector<16xi32>
          %parallel_loop3A_342 = arith.constant 15 : i32
          %parallel_loop3A_343 = vector.broadcast %parallel_loop3A_342 : i32 to vector<16xi32>
          %parallel_loop3A_344 = arith.andi %parallel_loop3A_341, %parallel_loop3A_343 : vector<16xi32>
          %parallel_loop3A_345 = vector.broadcast %parallel_loop3A_194 : i32 to vector<16xi32>
          %parallel_loop3A_346 = arith.addi %parallel_loop3A_344, %parallel_loop3A_345 : vector<16xi32>
          %parallel_loop3A_347 = tpu.vector_load_idx %arg9[%parallel_loop3A_170, %parallel_loop3A_346] : memref<80x64xi32, #tpu.memory_space<vmem>>[vector<16xi32>, vector<16xi32>], vector<16xi32>,
          %parallel_loop3A_348 = tpu.vector_load_idx %arg10[%parallel_loop3A_170, %parallel_loop3A_346] : memref<80x64xi32, #tpu.memory_space<vmem>>[vector<16xi32>, vector<16xi32>], vector<16xi32>,
          %parallel_loop3A_349 = vector.bitcast %parallel_loop3A_347 : vector<16xi32> to vector<32xbf16>
          %parallel_loop3A_350 = vector.bitcast %parallel_loop3A_348 : vector<16xi32> to vector<32xbf16>
          %parallel_loop3A_351 = arith.subf %parallel_loop3A_349, %parallel_loop3A_350 : vector<32xbf16>
          %parallel_loop3A_352 = arith.mulf %parallel_loop3A_351, %parallel_loop3A_351 : vector<32xbf16>
          %parallel_loop3A_353 = tpu.unpack_subelements %parallel_loop3A_352, 0 {pack_format = #tpu.pack_format<interleaved>} : vector<32xbf16> -> vector<16xf32>
          %parallel_loop3A_354 = tpu.unpack_subelements %parallel_loop3A_352, 1 {pack_format = #tpu.pack_format<interleaved>} : vector<32xbf16> -> vector<16xf32>
          %parallel_loop3A_355 = arith.addf %parallel_loop3A_319, %parallel_loop3A_353 : vector<16xf32>
          %parallel_loop3A_356 = arith.addf %parallel_loop3A_320, %parallel_loop3A_354 : vector<16xf32>
          %parallel_loop3A_357 = arith.constant 9 : i32
          %parallel_loop3A_358 = vector.broadcast %parallel_loop3A_357 : i32 to vector<16xi32>
          %parallel_loop3A_359 = arith.addi %parallel_loop3A_171, %parallel_loop3A_358 : vector<16xi32>
          %parallel_loop3A_360 = arith.constant 15 : i32
          %parallel_loop3A_361 = vector.broadcast %parallel_loop3A_360 : i32 to vector<16xi32>
          %parallel_loop3A_362 = arith.andi %parallel_loop3A_359, %parallel_loop3A_361 : vector<16xi32>
          %parallel_loop3A_363 = vector.broadcast %parallel_loop3A_194 : i32 to vector<16xi32>
          %parallel_loop3A_364 = arith.addi %parallel_loop3A_362, %parallel_loop3A_363 : vector<16xi32>
          %parallel_loop3A_365 = tpu.vector_load_idx %arg9[%parallel_loop3A_170, %parallel_loop3A_364] : memref<80x64xi32, #tpu.memory_space<vmem>>[vector<16xi32>, vector<16xi32>], vector<16xi32>,
          %parallel_loop3A_366 = tpu.vector_load_idx %arg10[%parallel_loop3A_170, %parallel_loop3A_364] : memref<80x64xi32, #tpu.memory_space<vmem>>[vector<16xi32>, vector<16xi32>], vector<16xi32>,
          %parallel_loop3A_367 = vector.bitcast %parallel_loop3A_365 : vector<16xi32> to vector<32xbf16>
          %parallel_loop3A_368 = vector.bitcast %parallel_loop3A_366 : vector<16xi32> to vector<32xbf16>
          %parallel_loop3A_369 = arith.subf %parallel_loop3A_367, %parallel_loop3A_368 : vector<32xbf16>
          %parallel_loop3A_370 = arith.mulf %parallel_loop3A_369, %parallel_loop3A_369 : vector<32xbf16>
          %parallel_loop3A_371 = tpu.unpack_subelements %parallel_loop3A_370, 0 {pack_format = #tpu.pack_format<interleaved>} : vector<32xbf16> -> vector<16xf32>
          %parallel_loop3A_372 = tpu.unpack_subelements %parallel_loop3A_370, 1 {pack_format = #tpu.pack_format<interleaved>} : vector<32xbf16> -> vector<16xf32>
          %parallel_loop3A_373 = arith.addf %parallel_loop3A_337, %parallel_loop3A_371 : vector<16xf32>
          %parallel_loop3A_374 = arith.addf %parallel_loop3A_338, %parallel_loop3A_372 : vector<16xf32>
          %parallel_loop3A_375 = arith.constant 10 : i32
          %parallel_loop3A_376 = vector.broadcast %parallel_loop3A_375 : i32 to vector<16xi32>
          %parallel_loop3A_377 = arith.addi %parallel_loop3A_171, %parallel_loop3A_376 : vector<16xi32>
          %parallel_loop3A_378 = arith.constant 15 : i32
          %parallel_loop3A_379 = vector.broadcast %parallel_loop3A_378 : i32 to vector<16xi32>
          %parallel_loop3A_380 = arith.andi %parallel_loop3A_377, %parallel_loop3A_379 : vector<16xi32>
          %parallel_loop3A_381 = vector.broadcast %parallel_loop3A_194 : i32 to vector<16xi32>
          %parallel_loop3A_382 = arith.addi %parallel_loop3A_380, %parallel_loop3A_381 : vector<16xi32>
          %parallel_loop3A_383 = tpu.vector_load_idx %arg9[%parallel_loop3A_170, %parallel_loop3A_382] : memref<80x64xi32, #tpu.memory_space<vmem>>[vector<16xi32>, vector<16xi32>], vector<16xi32>,
          %parallel_loop3A_384 = tpu.vector_load_idx %arg10[%parallel_loop3A_170, %parallel_loop3A_382] : memref<80x64xi32, #tpu.memory_space<vmem>>[vector<16xi32>, vector<16xi32>], vector<16xi32>,
          %parallel_loop3A_385 = vector.bitcast %parallel_loop3A_383 : vector<16xi32> to vector<32xbf16>
          %parallel_loop3A_386 = vector.bitcast %parallel_loop3A_384 : vector<16xi32> to vector<32xbf16>
          %parallel_loop3A_387 = arith.subf %parallel_loop3A_385, %parallel_loop3A_386 : vector<32xbf16>
          %parallel_loop3A_388 = arith.mulf %parallel_loop3A_387, %parallel_loop3A_387 : vector<32xbf16>
          %parallel_loop3A_389 = tpu.unpack_subelements %parallel_loop3A_388, 0 {pack_format = #tpu.pack_format<interleaved>} : vector<32xbf16> -> vector<16xf32>
          %parallel_loop3A_390 = tpu.unpack_subelements %parallel_loop3A_388, 1 {pack_format = #tpu.pack_format<interleaved>} : vector<32xbf16> -> vector<16xf32>
          %parallel_loop3A_391 = arith.addf %parallel_loop3A_355, %parallel_loop3A_389 : vector<16xf32>
          %parallel_loop3A_392 = arith.addf %parallel_loop3A_356, %parallel_loop3A_390 : vector<16xf32>
          %parallel_loop3A_393 = arith.constant 11 : i32
          %parallel_loop3A_394 = vector.broadcast %parallel_loop3A_393 : i32 to vector<16xi32>
          %parallel_loop3A_395 = arith.addi %parallel_loop3A_171, %parallel_loop3A_394 : vector<16xi32>
          %parallel_loop3A_396 = arith.constant 15 : i32
          %parallel_loop3A_397 = vector.broadcast %parallel_loop3A_396 : i32 to vector<16xi32>
          %parallel_loop3A_398 = arith.andi %parallel_loop3A_395, %parallel_loop3A_397 : vector<16xi32>
          %parallel_loop3A_399 = vector.broadcast %parallel_loop3A_194 : i32 to vector<16xi32>
          %parallel_loop3A_400 = arith.addi %parallel_loop3A_398, %parallel_loop3A_399 : vector<16xi32>
          %parallel_loop3A_401 = tpu.vector_load_idx %arg9[%parallel_loop3A_170, %parallel_loop3A_400] : memref<80x64xi32, #tpu.memory_space<vmem>>[vector<16xi32>, vector<16xi32>], vector<16xi32>,
          %parallel_loop3A_402 = tpu.vector_load_idx %arg10[%parallel_loop3A_170, %parallel_loop3A_400] : memref<80x64xi32, #tpu.memory_space<vmem>>[vector<16xi32>, vector<16xi32>], vector<16xi32>,
          %parallel_loop3A_403 = vector.bitcast %parallel_loop3A_401 : vector<16xi32> to vector<32xbf16>
          %parallel_loop3A_404 = vector.bitcast %parallel_loop3A_402 : vector<16xi32> to vector<32xbf16>
          %parallel_loop3A_405 = arith.subf %parallel_loop3A_403, %parallel_loop3A_404 : vector<32xbf16>
          %parallel_loop3A_406 = arith.mulf %parallel_loop3A_405, %parallel_loop3A_405 : vector<32xbf16>
          %parallel_loop3A_407 = tpu.unpack_subelements %parallel_loop3A_406, 0 {pack_format = #tpu.pack_format<interleaved>} : vector<32xbf16> -> vector<16xf32>
          %parallel_loop3A_408 = tpu.unpack_subelements %parallel_loop3A_406, 1 {pack_format = #tpu.pack_format<interleaved>} : vector<32xbf16> -> vector<16xf32>
          %parallel_loop3A_409 = arith.addf %parallel_loop3A_373, %parallel_loop3A_407 : vector<16xf32>
          %parallel_loop3A_410 = arith.addf %parallel_loop3A_374, %parallel_loop3A_408 : vector<16xf32>
          %parallel_loop3A_411 = arith.constant 12 : i32
          %parallel_loop3A_412 = vector.broadcast %parallel_loop3A_411 : i32 to vector<16xi32>
          %parallel_loop3A_413 = arith.addi %parallel_loop3A_171, %parallel_loop3A_412 : vector<16xi32>
          %parallel_loop3A_414 = arith.constant 15 : i32
          %parallel_loop3A_415 = vector.broadcast %parallel_loop3A_414 : i32 to vector<16xi32>
          %parallel_loop3A_416 = arith.andi %parallel_loop3A_413, %parallel_loop3A_415 : vector<16xi32>
          %parallel_loop3A_417 = vector.broadcast %parallel_loop3A_194 : i32 to vector<16xi32>
          %parallel_loop3A_418 = arith.addi %parallel_loop3A_416, %parallel_loop3A_417 : vector<16xi32>
          %parallel_loop3A_419 = tpu.vector_load_idx %arg9[%parallel_loop3A_170, %parallel_loop3A_418] : memref<80x64xi32, #tpu.memory_space<vmem>>[vector<16xi32>, vector<16xi32>], vector<16xi32>,
          %parallel_loop3A_420 = tpu.vector_load_idx %arg10[%parallel_loop3A_170, %parallel_loop3A_418] : memref<80x64xi32, #tpu.memory_space<vmem>>[vector<16xi32>, vector<16xi32>], vector<16xi32>,
          %parallel_loop3A_421 = vector.bitcast %parallel_loop3A_419 : vector<16xi32> to vector<32xbf16>
          %parallel_loop3A_422 = vector.bitcast %parallel_loop3A_420 : vector<16xi32> to vector<32xbf16>
          %parallel_loop3A_423 = arith.subf %parallel_loop3A_421, %parallel_loop3A_422 : vector<32xbf16>
          %parallel_loop3A_424 = arith.mulf %parallel_loop3A_423, %parallel_loop3A_423 : vector<32xbf16>
          %parallel_loop3A_425 = tpu.unpack_subelements %parallel_loop3A_424, 0 {pack_format = #tpu.pack_format<interleaved>} : vector<32xbf16> -> vector<16xf32>
          %parallel_loop3A_426 = tpu.unpack_subelements %parallel_loop3A_424, 1 {pack_format = #tpu.pack_format<interleaved>} : vector<32xbf16> -> vector<16xf32>
          %parallel_loop3A_427 = arith.addf %parallel_loop3A_391, %parallel_loop3A_425 : vector<16xf32>
          %parallel_loop3A_428 = arith.addf %parallel_loop3A_392, %parallel_loop3A_426 : vector<16xf32>
          %parallel_loop3A_429 = arith.constant 13 : i32
          %parallel_loop3A_430 = vector.broadcast %parallel_loop3A_429 : i32 to vector<16xi32>
          %parallel_loop3A_431 = arith.addi %parallel_loop3A_171, %parallel_loop3A_430 : vector<16xi32>
          %parallel_loop3A_432 = arith.constant 15 : i32
          %parallel_loop3A_433 = vector.broadcast %parallel_loop3A_432 : i32 to vector<16xi32>
          %parallel_loop3A_434 = arith.andi %parallel_loop3A_431, %parallel_loop3A_433 : vector<16xi32>
          %parallel_loop3A_435 = vector.broadcast %parallel_loop3A_194 : i32 to vector<16xi32>
          %parallel_loop3A_436 = arith.addi %parallel_loop3A_434, %parallel_loop3A_435 : vector<16xi32>
          %parallel_loop3A_437 = tpu.vector_load_idx %arg9[%parallel_loop3A_170, %parallel_loop3A_436] : memref<80x64xi32, #tpu.memory_space<vmem>>[vector<16xi32>, vector<16xi32>], vector<16xi32>,
          %parallel_loop3A_438 = tpu.vector_load_idx %arg10[%parallel_loop3A_170, %parallel_loop3A_436] : memref<80x64xi32, #tpu.memory_space<vmem>>[vector<16xi32>, vector<16xi32>], vector<16xi32>,
          %parallel_loop3A_439 = vector.bitcast %parallel_loop3A_437 : vector<16xi32> to vector<32xbf16>
          %parallel_loop3A_440 = vector.bitcast %parallel_loop3A_438 : vector<16xi32> to vector<32xbf16>
          %parallel_loop3A_441 = arith.subf %parallel_loop3A_439, %parallel_loop3A_440 : vector<32xbf16>
          %parallel_loop3A_442 = arith.mulf %parallel_loop3A_441, %parallel_loop3A_441 : vector<32xbf16>
          %parallel_loop3A_443 = tpu.unpack_subelements %parallel_loop3A_442, 0 {pack_format = #tpu.pack_format<interleaved>} : vector<32xbf16> -> vector<16xf32>
          %parallel_loop3A_444 = tpu.unpack_subelements %parallel_loop3A_442, 1 {pack_format = #tpu.pack_format<interleaved>} : vector<32xbf16> -> vector<16xf32>
          %parallel_loop3A_445 = arith.addf %parallel_loop3A_409, %parallel_loop3A_443 : vector<16xf32>
          %parallel_loop3A_446 = arith.addf %parallel_loop3A_410, %parallel_loop3A_444 : vector<16xf32>
          %parallel_loop3A_447 = arith.constant 14 : i32
          %parallel_loop3A_448 = vector.broadcast %parallel_loop3A_447 : i32 to vector<16xi32>
          %parallel_loop3A_449 = arith.addi %parallel_loop3A_171, %parallel_loop3A_448 : vector<16xi32>
          %parallel_loop3A_450 = arith.constant 15 : i32
          %parallel_loop3A_451 = vector.broadcast %parallel_loop3A_450 : i32 to vector<16xi32>
          %parallel_loop3A_452 = arith.andi %parallel_loop3A_449, %parallel_loop3A_451 : vector<16xi32>
          %parallel_loop3A_453 = vector.broadcast %parallel_loop3A_194 : i32 to vector<16xi32>
          %parallel_loop3A_454 = arith.addi %parallel_loop3A_452, %parallel_loop3A_453 : vector<16xi32>
          %parallel_loop3A_455 = tpu.vector_load_idx %arg9[%parallel_loop3A_170, %parallel_loop3A_454] : memref<80x64xi32, #tpu.memory_space<vmem>>[vector<16xi32>, vector<16xi32>], vector<16xi32>,
          %parallel_loop3A_456 = tpu.vector_load_idx %arg10[%parallel_loop3A_170, %parallel_loop3A_454] : memref<80x64xi32, #tpu.memory_space<vmem>>[vector<16xi32>, vector<16xi32>], vector<16xi32>,
          %parallel_loop3A_457 = vector.bitcast %parallel_loop3A_455 : vector<16xi32> to vector<32xbf16>
          %parallel_loop3A_458 = vector.bitcast %parallel_loop3A_456 : vector<16xi32> to vector<32xbf16>
          %parallel_loop3A_459 = arith.subf %parallel_loop3A_457, %parallel_loop3A_458 : vector<32xbf16>
          %parallel_loop3A_460 = arith.mulf %parallel_loop3A_459, %parallel_loop3A_459 : vector<32xbf16>
          %parallel_loop3A_461 = tpu.unpack_subelements %parallel_loop3A_460, 0 {pack_format = #tpu.pack_format<interleaved>} : vector<32xbf16> -> vector<16xf32>
          %parallel_loop3A_462 = tpu.unpack_subelements %parallel_loop3A_460, 1 {pack_format = #tpu.pack_format<interleaved>} : vector<32xbf16> -> vector<16xf32>
          %parallel_loop3A_463 = arith.addf %parallel_loop3A_427, %parallel_loop3A_461 : vector<16xf32>
          %parallel_loop3A_464 = arith.addf %parallel_loop3A_428, %parallel_loop3A_462 : vector<16xf32>
          %parallel_loop3A_465 = arith.constant 15 : i32
          %parallel_loop3A_466 = vector.broadcast %parallel_loop3A_465 : i32 to vector<16xi32>
          %parallel_loop3A_467 = arith.addi %parallel_loop3A_171, %parallel_loop3A_466 : vector<16xi32>
          %parallel_loop3A_468 = arith.constant 15 : i32
          %parallel_loop3A_469 = vector.broadcast %parallel_loop3A_468 : i32 to vector<16xi32>
          %parallel_loop3A_470 = arith.andi %parallel_loop3A_467, %parallel_loop3A_469 : vector<16xi32>
          %parallel_loop3A_471 = vector.broadcast %parallel_loop3A_194 : i32 to vector<16xi32>
          %parallel_loop3A_472 = arith.addi %parallel_loop3A_470, %parallel_loop3A_471 : vector<16xi32>
          %parallel_loop3A_473 = tpu.vector_load_idx %arg9[%parallel_loop3A_170, %parallel_loop3A_472] : memref<80x64xi32, #tpu.memory_space<vmem>>[vector<16xi32>, vector<16xi32>], vector<16xi32>,
          %parallel_loop3A_474 = tpu.vector_load_idx %arg10[%parallel_loop3A_170, %parallel_loop3A_472] : memref<80x64xi32, #tpu.memory_space<vmem>>[vector<16xi32>, vector<16xi32>], vector<16xi32>,
          %parallel_loop3A_475 = vector.bitcast %parallel_loop3A_473 : vector<16xi32> to vector<32xbf16>
          %parallel_loop3A_476 = vector.bitcast %parallel_loop3A_474 : vector<16xi32> to vector<32xbf16>
          %parallel_loop3A_477 = arith.subf %parallel_loop3A_475, %parallel_loop3A_476 : vector<32xbf16>
          %parallel_loop3A_478 = arith.mulf %parallel_loop3A_477, %parallel_loop3A_477 : vector<32xbf16>
          %parallel_loop3A_479 = tpu.unpack_subelements %parallel_loop3A_478, 0 {pack_format = #tpu.pack_format<interleaved>} : vector<32xbf16> -> vector<16xf32>
          %parallel_loop3A_480 = tpu.unpack_subelements %parallel_loop3A_478, 1 {pack_format = #tpu.pack_format<interleaved>} : vector<32xbf16> -> vector<16xf32>
          %parallel_loop3A_481 = arith.addf %parallel_loop3A_445, %parallel_loop3A_479 : vector<16xf32>
          %parallel_loop3A_482 = arith.addf %parallel_loop3A_446, %parallel_loop3A_480 : vector<16xf32>
          scf.yield %parallel_loop3A_463, %parallel_loop3A_464, %parallel_loop3A_481, %parallel_loop3A_482 : vector<16xf32>, vector<16xf32>, vector<16xf32>, vector<16xf32>
        } {sc.loop_unroll_factor = 1 : i64, sc.parallel_access}
        %parallel_loop3A_178 = arith.addf %parallel_loop3A_177#0, %parallel_loop3A_177#1 : vector<16xf32>
        %parallel_loop3A_179 = arith.addf %parallel_loop3A_177#2, %parallel_loop3A_177#3 : vector<16xf32>
        %parallel_loop3A_180 = arith.addf %parallel_loop3A_178, %parallel_loop3A_179 : vector<16xf32>
        %parallel_loop3A_181 = arith.constant 80 : i32
        %parallel_loop3A_182 = arith.muli %add3A_126, %parallel_loop3A_181 : i32
        %parallel_loop3A_183 = arith.constant 16 : i32
        %parallel_loop3A_184 = arith.muli %parallel_loop3A_165, %parallel_loop3A_183 : i32
        %parallel_loop3A_185 = arith.addi %parallel_loop3A_182, %parallel_loop3A_184 : i32
        %parallel_loop3A_186 = arith.index_cast %parallel_loop3A_185 : i32 to index
        %parallel_loop3A_187 = tpu.vector_load %arg13[%parallel_loop3A_186] {strides = array<i32>} : memref<10000xf32, #tpu.memory_space<vmem>>, vector<16xf32>,
        tpu.vector_store %arg13[%parallel_loop3A_186], %parallel_loop3A_180 {strides = array<i32>} : memref<10000xf32, #tpu.memory_space<vmem>>, vector<16xf32>,
      } {sc.loop_unroll_factor = 1 : i64, sc.parallel_access}
      %add3A_130 = arith.constant 2 : i32
      %add3A_131 = arith.addi %mul3A_59, %add3A_130 : i32
      %add3A_132 = arith.constant 2 : i32
      %add3A_133 = arith.addi %add3A_131, %add3A_132 : i32
      %mul3A_134 = arith.constant 80 : i32
      %mul3A_135 = arith.muli %add3A_133, %mul3A_134 : i32
      %dma_start3A_136 = tpu.memref_slice %arg5[%mul3A_135] : memref<10000xi32, #tpu.memory_space<vmem>> -> memref<80xi32, #tpu.memory_space<vmem>>
      %dma_start3A_137 = arith.constant 0 : i32
      %dma_start3A_138 = arith.constant 0 : i32
      %dma_start3A_139 = tpu.memref_slice %arg2[%dma_start3A_137, %dma_start3A_138] : memref<10000x64xi32, #tpu.memory_space<hbm>> -> memref<10000x64xi32, #tpu.memory_space<hbm>>
      tpu.enqueue_indirect_dma source(%dma_start3A_139 : memref<10000x64xi32, #tpu.memory_space<hbm>>) target(%arg9 : memref<80x64xi32, #tpu.memory_space<vmem>>) offsets(%dma_start3A_136 : memref<80xi32, #tpu.memory_space<vmem>>) semaphore(%arg16 : memref<!tpu.dma_semaphore, #tpu.memory_space<semaphore_mem>>)
      %mul3A_140 = arith.constant 80 : i32
      %mul3A_141 = arith.muli %add3A_133, %mul3A_140 : i32
      %dma_start3A_142 = tpu.memref_slice %arg6[%mul3A_141] : memref<10000xi32, #tpu.memory_space<vmem>> -> memref<80xi32, #tpu.memory_space<vmem>>
      %dma_start3A_143 = arith.constant 0 : i32
      %dma_start3A_144 = arith.constant 0 : i32
      %dma_start3A_145 = tpu.memref_slice %arg2[%dma_start3A_143, %dma_start3A_144] : memref<10000x64xi32, #tpu.memory_space<hbm>> -> memref<10000x64xi32, #tpu.memory_space<hbm>>
      tpu.enqueue_indirect_dma source(%dma_start3A_145 : memref<10000x64xi32, #tpu.memory_space<hbm>>) target(%arg10 : memref<80x64xi32, #tpu.memory_space<vmem>>) offsets(%dma_start3A_142 : memref<80xi32, #tpu.memory_space<vmem>>) semaphore(%arg17 : memref<!tpu.dma_semaphore, #tpu.memory_space<semaphore_mem>>)
      %add3A_146 = arith.constant 2 : i32
      %add3A_147 = arith.addi %mul3A_59, %add3A_146 : i32
      %mul3A_148 = arith.constant 80 : i32
      %mul3A_149 = arith.muli %add3A_147, %mul3A_148 : i32
      %dma_wait3A_150 = tpu.memref_slice %arg5[%mul3A_149] : memref<10000xi32, #tpu.memory_space<vmem>> -> memref<80xi32, #tpu.memory_space<vmem>>
      %dma_wait3A_151 = arith.constant 0 : i32
      %dma_wait3A_152 = arith.constant 0 : i32
      %dma_wait3A_153 = tpu.memref_slice %arg2[%dma_wait3A_151, %dma_wait3A_152] : memref<10000x64xi32, #tpu.memory_space<hbm>> -> memref<10000x64xi32, #tpu.memory_space<hbm>>
      tpu.wait_indirect_dma semaphore(%arg18 : memref<!tpu.dma_semaphore, #tpu.memory_space<semaphore_mem>>) src(%dma_wait3A_153 : memref<10000x64xi32, #tpu.memory_space<hbm>>) dst(%arg11 : memref<80x64xi32, #tpu.memory_space<vmem>>)
      %mul3A_154 = arith.constant 80 : i32
      %mul3A_155 = arith.muli %add3A_147, %mul3A_154 : i32
      %dma_wait3A_156 = tpu.memref_slice %arg6[%mul3A_155] : memref<10000xi32, #tpu.memory_space<vmem>> -> memref<80xi32, #tpu.memory_space<vmem>>
      %dma_wait3A_157 = arith.constant 0 : i32
      %dma_wait3A_158 = arith.constant 0 : i32
      %dma_wait3A_159 = tpu.memref_slice %arg2[%dma_wait3A_157, %dma_wait3A_158] : memref<10000x64xi32, #tpu.memory_space<hbm>> -> memref<10000x64xi32, #tpu.memory_space<hbm>>
      tpu.wait_indirect_dma semaphore(%arg19 : memref<!tpu.dma_semaphore, #tpu.memory_space<semaphore_mem>>) src(%dma_wait3A_159 : memref<10000x64xi32, #tpu.memory_space<hbm>>) dst(%arg12 : memref<80x64xi32, #tpu.memory_space<vmem>>)
      %add3A_160 = arith.constant 2 : i32
      %add3A_161 = arith.addi %mul3A_59, %add3A_160 : i32
      %parallel_loop3A_162 = arith.constant 0 : i32
      %parallel_loop3A_163 = arith.constant 5 : i32
      %parallel_loop3A_164 = arith.constant 1 : i32
      scf.for %parallel_loop3A_165 = %parallel_loop3A_162 to %parallel_loop3A_163 step %parallel_loop3A_164  : i32 {
        %parallel_loop3A_166 = tpu.iota {dimensions = array<i32: 0>} : vector<16xi32>
        %parallel_loop3A_167 = arith.constant 16 : i32
        %parallel_loop3A_168 = arith.muli %parallel_loop3A_165, %parallel_loop3A_167 : i32
        %parallel_loop3A_169 = vector.broadcast %parallel_loop3A_168 : i32 to vector<16xi32>
        %parallel_loop3A_170 = arith.addi %parallel_loop3A_166, %parallel_loop3A_169 : vector<16xi32>
        %parallel_loop3A_171 = tpu.iota {dimensions = array<i32: 0>} : vector<16xi32>
        %parallel_loop3A_172 = arith.constant 0.000000e+00 : f32
        %parallel_loop3A_173 = vector.broadcast %parallel_loop3A_172 : f32 to vector<16xf32>
        %parallel_loop3A_174 = arith.constant 0 : i32
        %parallel_loop3A_175 = arith.constant 4 : i32
        %parallel_loop3A_176 = arith.constant 1 : i32
        %parallel_loop3A_177:4 = scf.for %parallel_loop3A_188 = %parallel_loop3A_174 to %parallel_loop3A_175 step %parallel_loop3A_176 iter_args(%parallel_loop3A_189 = %parallel_loop3A_173, %parallel_loop3A_190 = %parallel_loop3A_173, %parallel_loop3A_191 = %parallel_loop3A_173, %parallel_loop3A_192 = %parallel_loop3A_173) -> (vector<16xf32>, vector<16xf32>, vector<16xf32>, vector<16xf32>)  : i32 {
          %parallel_loop3A_193 = arith.constant 16 : i32
          %parallel_loop3A_194 = arith.muli %parallel_loop3A_188, %parallel_loop3A_193 : i32
          %parallel_loop3A_195 = arith.constant 0 : i32
          %parallel_loop3A_196 = vector.broadcast %parallel_loop3A_195 : i32 to vector<16xi32>
          %parallel_loop3A_197 = arith.addi %parallel_loop3A_171, %parallel_loop3A_196 : vector<16xi32>
          %parallel_loop3A_198 = arith.constant 15 : i32
          %parallel_loop3A_199 = vector.broadcast %parallel_loop3A_198 : i32 to vector<16xi32>
          %parallel_loop3A_200 = arith.andi %parallel_loop3A_197, %parallel_loop3A_199 : vector<16xi32>
          %parallel_loop3A_201 = vector.broadcast %parallel_loop3A_194 : i32 to vector<16xi32>
          %parallel_loop3A_202 = arith.addi %parallel_loop3A_200, %parallel_loop3A_201 : vector<16xi32>
          %parallel_loop3A_203 = tpu.vector_load_idx %arg11[%parallel_loop3A_170, %parallel_loop3A_202] : memref<80x64xi32, #tpu.memory_space<vmem>>[vector<16xi32>, vector<16xi32>], vector<16xi32>,
          %parallel_loop3A_204 = tpu.vector_load_idx %arg12[%parallel_loop3A_170, %parallel_loop3A_202] : memref<80x64xi32, #tpu.memory_space<vmem>>[vector<16xi32>, vector<16xi32>], vector<16xi32>,
          %parallel_loop3A_205 = vector.bitcast %parallel_loop3A_203 : vector<16xi32> to vector<32xbf16>
          %parallel_loop3A_206 = vector.bitcast %parallel_loop3A_204 : vector<16xi32> to vector<32xbf16>
          %parallel_loop3A_207 = arith.subf %parallel_loop3A_205, %parallel_loop3A_206 : vector<32xbf16>
          %parallel_loop3A_208 = arith.mulf %parallel_loop3A_207, %parallel_loop3A_207 : vector<32xbf16>
          %parallel_loop3A_209 = tpu.unpack_subelements %parallel_loop3A_208, 0 {pack_format = #tpu.pack_format<interleaved>} : vector<32xbf16> -> vector<16xf32>
          %parallel_loop3A_210 = tpu.unpack_subelements %parallel_loop3A_208, 1 {pack_format = #tpu.pack_format<interleaved>} : vector<32xbf16> -> vector<16xf32>
          %parallel_loop3A_211 = arith.addf %parallel_loop3A_189, %parallel_loop3A_209 : vector<16xf32>
          %parallel_loop3A_212 = arith.addf %parallel_loop3A_190, %parallel_loop3A_210 : vector<16xf32>
          %parallel_loop3A_213 = arith.constant 1 : i32
          %parallel_loop3A_214 = vector.broadcast %parallel_loop3A_213 : i32 to vector<16xi32>
          %parallel_loop3A_215 = arith.addi %parallel_loop3A_171, %parallel_loop3A_214 : vector<16xi32>
          %parallel_loop3A_216 = arith.constant 15 : i32
          %parallel_loop3A_217 = vector.broadcast %parallel_loop3A_216 : i32 to vector<16xi32>
          %parallel_loop3A_218 = arith.andi %parallel_loop3A_215, %parallel_loop3A_217 : vector<16xi32>
          %parallel_loop3A_219 = vector.broadcast %parallel_loop3A_194 : i32 to vector<16xi32>
          %parallel_loop3A_220 = arith.addi %parallel_loop3A_218, %parallel_loop3A_219 : vector<16xi32>
          %parallel_loop3A_221 = tpu.vector_load_idx %arg11[%parallel_loop3A_170, %parallel_loop3A_220] : memref<80x64xi32, #tpu.memory_space<vmem>>[vector<16xi32>, vector<16xi32>], vector<16xi32>,
          %parallel_loop3A_222 = tpu.vector_load_idx %arg12[%parallel_loop3A_170, %parallel_loop3A_220] : memref<80x64xi32, #tpu.memory_space<vmem>>[vector<16xi32>, vector<16xi32>], vector<16xi32>,
          %parallel_loop3A_223 = vector.bitcast %parallel_loop3A_221 : vector<16xi32> to vector<32xbf16>
          %parallel_loop3A_224 = vector.bitcast %parallel_loop3A_222 : vector<16xi32> to vector<32xbf16>
          %parallel_loop3A_225 = arith.subf %parallel_loop3A_223, %parallel_loop3A_224 : vector<32xbf16>
          %parallel_loop3A_226 = arith.mulf %parallel_loop3A_225, %parallel_loop3A_225 : vector<32xbf16>
          %parallel_loop3A_227 = tpu.unpack_subelements %parallel_loop3A_226, 0 {pack_format = #tpu.pack_format<interleaved>} : vector<32xbf16> -> vector<16xf32>
          %parallel_loop3A_228 = tpu.unpack_subelements %parallel_loop3A_226, 1 {pack_format = #tpu.pack_format<interleaved>} : vector<32xbf16> -> vector<16xf32>
          %parallel_loop3A_229 = arith.addf %parallel_loop3A_191, %parallel_loop3A_227 : vector<16xf32>
          %parallel_loop3A_230 = arith.addf %parallel_loop3A_192, %parallel_loop3A_228 : vector<16xf32>
          %parallel_loop3A_231 = arith.constant 2 : i32
          %parallel_loop3A_232 = vector.broadcast %parallel_loop3A_231 : i32 to vector<16xi32>
          %parallel_loop3A_233 = arith.addi %parallel_loop3A_171, %parallel_loop3A_232 : vector<16xi32>
          %parallel_loop3A_234 = arith.constant 15 : i32
          %parallel_loop3A_235 = vector.broadcast %parallel_loop3A_234 : i32 to vector<16xi32>
          %parallel_loop3A_236 = arith.andi %parallel_loop3A_233, %parallel_loop3A_235 : vector<16xi32>
          %parallel_loop3A_237 = vector.broadcast %parallel_loop3A_194 : i32 to vector<16xi32>
          %parallel_loop3A_238 = arith.addi %parallel_loop3A_236, %parallel_loop3A_237 : vector<16xi32>
          %parallel_loop3A_239 = tpu.vector_load_idx %arg11[%parallel_loop3A_170, %parallel_loop3A_238] : memref<80x64xi32, #tpu.memory_space<vmem>>[vector<16xi32>, vector<16xi32>], vector<16xi32>,
          %parallel_loop3A_240 = tpu.vector_load_idx %arg12[%parallel_loop3A_170, %parallel_loop3A_238] : memref<80x64xi32, #tpu.memory_space<vmem>>[vector<16xi32>, vector<16xi32>], vector<16xi32>,
          %parallel_loop3A_241 = vector.bitcast %parallel_loop3A_239 : vector<16xi32> to vector<32xbf16>
          %parallel_loop3A_242 = vector.bitcast %parallel_loop3A_240 : vector<16xi32> to vector<32xbf16>
          %parallel_loop3A_243 = arith.subf %parallel_loop3A_241, %parallel_loop3A_242 : vector<32xbf16>
          %parallel_loop3A_244 = arith.mulf %parallel_loop3A_243, %parallel_loop3A_243 : vector<32xbf16>
          %parallel_loop3A_245 = tpu.unpack_subelements %parallel_loop3A_244, 0 {pack_format = #tpu.pack_format<interleaved>} : vector<32xbf16> -> vector<16xf32>
          %parallel_loop3A_246 = tpu.unpack_subelements %parallel_loop3A_244, 1 {pack_format = #tpu.pack_format<interleaved>} : vector<32xbf16> -> vector<16xf32>
          %parallel_loop3A_247 = arith.addf %parallel_loop3A_211, %parallel_loop3A_245 : vector<16xf32>
          %parallel_loop3A_248 = arith.addf %parallel_loop3A_212, %parallel_loop3A_246 : vector<16xf32>
          %parallel_loop3A_249 = arith.constant 3 : i32
          %parallel_loop3A_250 = vector.broadcast %parallel_loop3A_249 : i32 to vector<16xi32>
          %parallel_loop3A_251 = arith.addi %parallel_loop3A_171, %parallel_loop3A_250 : vector<16xi32>
          %parallel_loop3A_252 = arith.constant 15 : i32
          %parallel_loop3A_253 = vector.broadcast %parallel_loop3A_252 : i32 to vector<16xi32>
          %parallel_loop3A_254 = arith.andi %parallel_loop3A_251, %parallel_loop3A_253 : vector<16xi32>
          %parallel_loop3A_255 = vector.broadcast %parallel_loop3A_194 : i32 to vector<16xi32>
          %parallel_loop3A_256 = arith.addi %parallel_loop3A_254, %parallel_loop3A_255 : vector<16xi32>
          %parallel_loop3A_257 = tpu.vector_load_idx %arg11[%parallel_loop3A_170, %parallel_loop3A_256] : memref<80x64xi32, #tpu.memory_space<vmem>>[vector<16xi32>, vector<16xi32>], vector<16xi32>,
          %parallel_loop3A_258 = tpu.vector_load_idx %arg12[%parallel_loop3A_170, %parallel_loop3A_256] : memref<80x64xi32, #tpu.memory_space<vmem>>[vector<16xi32>, vector<16xi32>], vector<16xi32>,
          %parallel_loop3A_259 = vector.bitcast %parallel_loop3A_257 : vector<16xi32> to vector<32xbf16>
          %parallel_loop3A_260 = vector.bitcast %parallel_loop3A_258 : vector<16xi32> to vector<32xbf16>
          %parallel_loop3A_261 = arith.subf %parallel_loop3A_259, %parallel_loop3A_260 : vector<32xbf16>
          %parallel_loop3A_262 = arith.mulf %parallel_loop3A_261, %parallel_loop3A_261 : vector<32xbf16>
          %parallel_loop3A_263 = tpu.unpack_subelements %parallel_loop3A_262, 0 {pack_format = #tpu.pack_format<interleaved>} : vector<32xbf16> -> vector<16xf32>
          %parallel_loop3A_264 = tpu.unpack_subelements %parallel_loop3A_262, 1 {pack_format = #tpu.pack_format<interleaved>} : vector<32xbf16> -> vector<16xf32>
          %parallel_loop3A_265 = arith.addf %parallel_loop3A_229, %parallel_loop3A_263 : vector<16xf32>
          %parallel_loop3A_266 = arith.addf %parallel_loop3A_230, %parallel_loop3A_264 : vector<16xf32>
          %parallel_loop3A_267 = arith.constant 4 : i32
          %parallel_loop3A_268 = vector.broadcast %parallel_loop3A_267 : i32 to vector<16xi32>
          %parallel_loop3A_269 = arith.addi %parallel_loop3A_171, %parallel_loop3A_268 : vector<16xi32>
          %parallel_loop3A_270 = arith.constant 15 : i32
          %parallel_loop3A_271 = vector.broadcast %parallel_loop3A_270 : i32 to vector<16xi32>
          %parallel_loop3A_272 = arith.andi %parallel_loop3A_269, %parallel_loop3A_271 : vector<16xi32>
          %parallel_loop3A_273 = vector.broadcast %parallel_loop3A_194 : i32 to vector<16xi32>
          %parallel_loop3A_274 = arith.addi %parallel_loop3A_272, %parallel_loop3A_273 : vector<16xi32>
          %parallel_loop3A_275 = tpu.vector_load_idx %arg11[%parallel_loop3A_170, %parallel_loop3A_274] : memref<80x64xi32, #tpu.memory_space<vmem>>[vector<16xi32>, vector<16xi32>], vector<16xi32>,
          %parallel_loop3A_276 = tpu.vector_load_idx %arg12[%parallel_loop3A_170, %parallel_loop3A_274] : memref<80x64xi32, #tpu.memory_space<vmem>>[vector<16xi32>, vector<16xi32>], vector<16xi32>,
          %parallel_loop3A_277 = vector.bitcast %parallel_loop3A_275 : vector<16xi32> to vector<32xbf16>
          %parallel_loop3A_278 = vector.bitcast %parallel_loop3A_276 : vector<16xi32> to vector<32xbf16>
          %parallel_loop3A_279 = arith.subf %parallel_loop3A_277, %parallel_loop3A_278 : vector<32xbf16>
          %parallel_loop3A_280 = arith.mulf %parallel_loop3A_279, %parallel_loop3A_279 : vector<32xbf16>
          %parallel_loop3A_281 = tpu.unpack_subelements %parallel_loop3A_280, 0 {pack_format = #tpu.pack_format<interleaved>} : vector<32xbf16> -> vector<16xf32>
          %parallel_loop3A_282 = tpu.unpack_subelements %parallel_loop3A_280, 1 {pack_format = #tpu.pack_format<interleaved>} : vector<32xbf16> -> vector<16xf32>
          %parallel_loop3A_283 = arith.addf %parallel_loop3A_247, %parallel_loop3A_281 : vector<16xf32>
          %parallel_loop3A_284 = arith.addf %parallel_loop3A_248, %parallel_loop3A_282 : vector<16xf32>
          %parallel_loop3A_285 = arith.constant 5 : i32
          %parallel_loop3A_286 = vector.broadcast %parallel_loop3A_285 : i32 to vector<16xi32>
          %parallel_loop3A_287 = arith.addi %parallel_loop3A_171, %parallel_loop3A_286 : vector<16xi32>
          %parallel_loop3A_288 = arith.constant 15 : i32
          %parallel_loop3A_289 = vector.broadcast %parallel_loop3A_288 : i32 to vector<16xi32>
          %parallel_loop3A_290 = arith.andi %parallel_loop3A_287, %parallel_loop3A_289 : vector<16xi32>
          %parallel_loop3A_291 = vector.broadcast %parallel_loop3A_194 : i32 to vector<16xi32>
          %parallel_loop3A_292 = arith.addi %parallel_loop3A_290, %parallel_loop3A_291 : vector<16xi32>
          %parallel_loop3A_293 = tpu.vector_load_idx %arg11[%parallel_loop3A_170, %parallel_loop3A_292] : memref<80x64xi32, #tpu.memory_space<vmem>>[vector<16xi32>, vector<16xi32>], vector<16xi32>,
          %parallel_loop3A_294 = tpu.vector_load_idx %arg12[%parallel_loop3A_170, %parallel_loop3A_292] : memref<80x64xi32, #tpu.memory_space<vmem>>[vector<16xi32>, vector<16xi32>], vector<16xi32>,
          %parallel_loop3A_295 = vector.bitcast %parallel_loop3A_293 : vector<16xi32> to vector<32xbf16>
          %parallel_loop3A_296 = vector.bitcast %parallel_loop3A_294 : vector<16xi32> to vector<32xbf16>
          %parallel_loop3A_297 = arith.subf %parallel_loop3A_295, %parallel_loop3A_296 : vector<32xbf16>
          %parallel_loop3A_298 = arith.mulf %parallel_loop3A_297, %parallel_loop3A_297 : vector<32xbf16>
          %parallel_loop3A_299 = tpu.unpack_subelements %parallel_loop3A_298, 0 {pack_format = #tpu.pack_format<interleaved>} : vector<32xbf16> -> vector<16xf32>
          %parallel_loop3A_300 = tpu.unpack_subelements %parallel_loop3A_298, 1 {pack_format = #tpu.pack_format<interleaved>} : vector<32xbf16> -> vector<16xf32>
          %parallel_loop3A_301 = arith.addf %parallel_loop3A_265, %parallel_loop3A_299 : vector<16xf32>
          %parallel_loop3A_302 = arith.addf %parallel_loop3A_266, %parallel_loop3A_300 : vector<16xf32>
          %parallel_loop3A_303 = arith.constant 6 : i32
          %parallel_loop3A_304 = vector.broadcast %parallel_loop3A_303 : i32 to vector<16xi32>
          %parallel_loop3A_305 = arith.addi %parallel_loop3A_171, %parallel_loop3A_304 : vector<16xi32>
          %parallel_loop3A_306 = arith.constant 15 : i32
          %parallel_loop3A_307 = vector.broadcast %parallel_loop3A_306 : i32 to vector<16xi32>
          %parallel_loop3A_308 = arith.andi %parallel_loop3A_305, %parallel_loop3A_307 : vector<16xi32>
          %parallel_loop3A_309 = vector.broadcast %parallel_loop3A_194 : i32 to vector<16xi32>
          %parallel_loop3A_310 = arith.addi %parallel_loop3A_308, %parallel_loop3A_309 : vector<16xi32>
          %parallel_loop3A_311 = tpu.vector_load_idx %arg11[%parallel_loop3A_170, %parallel_loop3A_310] : memref<80x64xi32, #tpu.memory_space<vmem>>[vector<16xi32>, vector<16xi32>], vector<16xi32>,
          %parallel_loop3A_312 = tpu.vector_load_idx %arg12[%parallel_loop3A_170, %parallel_loop3A_310] : memref<80x64xi32, #tpu.memory_space<vmem>>[vector<16xi32>, vector<16xi32>], vector<16xi32>,
          %parallel_loop3A_313 = vector.bitcast %parallel_loop3A_311 : vector<16xi32> to vector<32xbf16>
          %parallel_loop3A_314 = vector.bitcast %parallel_loop3A_312 : vector<16xi32> to vector<32xbf16>
          %parallel_loop3A_315 = arith.subf %parallel_loop3A_313, %parallel_loop3A_314 : vector<32xbf16>
          %parallel_loop3A_316 = arith.mulf %parallel_loop3A_315, %parallel_loop3A_315 : vector<32xbf16>
          %parallel_loop3A_317 = tpu.unpack_subelements %parallel_loop3A_316, 0 {pack_format = #tpu.pack_format<interleaved>} : vector<32xbf16> -> vector<16xf32>
          %parallel_loop3A_318 = tpu.unpack_subelements %parallel_loop3A_316, 1 {pack_format = #tpu.pack_format<interleaved>} : vector<32xbf16> -> vector<16xf32>
          %parallel_loop3A_319 = arith.addf %parallel_loop3A_283, %parallel_loop3A_317 : vector<16xf32>
          %parallel_loop3A_320 = arith.addf %parallel_loop3A_284, %parallel_loop3A_318 : vector<16xf32>
          %parallel_loop3A_321 = arith.constant 7 : i32
          %parallel_loop3A_322 = vector.broadcast %parallel_loop3A_321 : i32 to vector<16xi32>
          %parallel_loop3A_323 = arith.addi %parallel_loop3A_171, %parallel_loop3A_322 : vector<16xi32>
          %parallel_loop3A_324 = arith.constant 15 : i32
          %parallel_loop3A_325 = vector.broadcast %parallel_loop3A_324 : i32 to vector<16xi32>
          %parallel_loop3A_326 = arith.andi %parallel_loop3A_323, %parallel_loop3A_325 : vector<16xi32>
          %parallel_loop3A_327 = vector.broadcast %parallel_loop3A_194 : i32 to vector<16xi32>
          %parallel_loop3A_328 = arith.addi %parallel_loop3A_326, %parallel_loop3A_327 : vector<16xi32>
          %parallel_loop3A_329 = tpu.vector_load_idx %arg11[%parallel_loop3A_170, %parallel_loop3A_328] : memref<80x64xi32, #tpu.memory_space<vmem>>[vector<16xi32>, vector<16xi32>], vector<16xi32>,
          %parallel_loop3A_330 = tpu.vector_load_idx %arg12[%parallel_loop3A_170, %parallel_loop3A_328] : memref<80x64xi32, #tpu.memory_space<vmem>>[vector<16xi32>, vector<16xi32>], vector<16xi32>,
          %parallel_loop3A_331 = vector.bitcast %parallel_loop3A_329 : vector<16xi32> to vector<32xbf16>
          %parallel_loop3A_332 = vector.bitcast %parallel_loop3A_330 : vector<16xi32> to vector<32xbf16>
          %parallel_loop3A_333 = arith.subf %parallel_loop3A_331, %parallel_loop3A_332 : vector<32xbf16>
          %parallel_loop3A_334 = arith.mulf %parallel_loop3A_333, %parallel_loop3A_333 : vector<32xbf16>
          %parallel_loop3A_335 = tpu.unpack_subelements %parallel_loop3A_334, 0 {pack_format = #tpu.pack_format<interleaved>} : vector<32xbf16> -> vector<16xf32>
          %parallel_loop3A_336 = tpu.unpack_subelements %parallel_loop3A_334, 1 {pack_format = #tpu.pack_format<interleaved>} : vector<32xbf16> -> vector<16xf32>
          %parallel_loop3A_337 = arith.addf %parallel_loop3A_301, %parallel_loop3A_335 : vector<16xf32>
          %parallel_loop3A_338 = arith.addf %parallel_loop3A_302, %parallel_loop3A_336 : vector<16xf32>
          %parallel_loop3A_339 = arith.constant 8 : i32
          %parallel_loop3A_340 = vector.broadcast %parallel_loop3A_339 : i32 to vector<16xi32>
          %parallel_loop3A_341 = arith.addi %parallel_loop3A_171, %parallel_loop3A_340 : vector<16xi32>
          %parallel_loop3A_342 = arith.constant 15 : i32
          %parallel_loop3A_343 = vector.broadcast %parallel_loop3A_342 : i32 to vector<16xi32>
          %parallel_loop3A_344 = arith.andi %parallel_loop3A_341, %parallel_loop3A_343 : vector<16xi32>
          %parallel_loop3A_345 = vector.broadcast %parallel_loop3A_194 : i32 to vector<16xi32>
          %parallel_loop3A_346 = arith.addi %parallel_loop3A_344, %parallel_loop3A_345 : vector<16xi32>
          %parallel_loop3A_347 = tpu.vector_load_idx %arg11[%parallel_loop3A_170, %parallel_loop3A_346] : memref<80x64xi32, #tpu.memory_space<vmem>>[vector<16xi32>, vector<16xi32>], vector<16xi32>,
          %parallel_loop3A_348 = tpu.vector_load_idx %arg12[%parallel_loop3A_170, %parallel_loop3A_346] : memref<80x64xi32, #tpu.memory_space<vmem>>[vector<16xi32>, vector<16xi32>], vector<16xi32>,
          %parallel_loop3A_349 = vector.bitcast %parallel_loop3A_347 : vector<16xi32> to vector<32xbf16>
          %parallel_loop3A_350 = vector.bitcast %parallel_loop3A_348 : vector<16xi32> to vector<32xbf16>
          %parallel_loop3A_351 = arith.subf %parallel_loop3A_349, %parallel_loop3A_350 : vector<32xbf16>
          %parallel_loop3A_352 = arith.mulf %parallel_loop3A_351, %parallel_loop3A_351 : vector<32xbf16>
          %parallel_loop3A_353 = tpu.unpack_subelements %parallel_loop3A_352, 0 {pack_format = #tpu.pack_format<interleaved>} : vector<32xbf16> -> vector<16xf32>
          %parallel_loop3A_354 = tpu.unpack_subelements %parallel_loop3A_352, 1 {pack_format = #tpu.pack_format<interleaved>} : vector<32xbf16> -> vector<16xf32>
          %parallel_loop3A_355 = arith.addf %parallel_loop3A_319, %parallel_loop3A_353 : vector<16xf32>
          %parallel_loop3A_356 = arith.addf %parallel_loop3A_320, %parallel_loop3A_354 : vector<16xf32>
          %parallel_loop3A_357 = arith.constant 9 : i32
          %parallel_loop3A_358 = vector.broadcast %parallel_loop3A_357 : i32 to vector<16xi32>
          %parallel_loop3A_359 = arith.addi %parallel_loop3A_171, %parallel_loop3A_358 : vector<16xi32>
          %parallel_loop3A_360 = arith.constant 15 : i32
          %parallel_loop3A_361 = vector.broadcast %parallel_loop3A_360 : i32 to vector<16xi32>
          %parallel_loop3A_362 = arith.andi %parallel_loop3A_359, %parallel_loop3A_361 : vector<16xi32>
          %parallel_loop3A_363 = vector.broadcast %parallel_loop3A_194 : i32 to vector<16xi32>
          %parallel_loop3A_364 = arith.addi %parallel_loop3A_362, %parallel_loop3A_363 : vector<16xi32>
          %parallel_loop3A_365 = tpu.vector_load_idx %arg11[%parallel_loop3A_170, %parallel_loop3A_364] : memref<80x64xi32, #tpu.memory_space<vmem>>[vector<16xi32>, vector<16xi32>], vector<16xi32>,
          %parallel_loop3A_366 = tpu.vector_load_idx %arg12[%parallel_loop3A_170, %parallel_loop3A_364] : memref<80x64xi32, #tpu.memory_space<vmem>>[vector<16xi32>, vector<16xi32>], vector<16xi32>,
          %parallel_loop3A_367 = vector.bitcast %parallel_loop3A_365 : vector<16xi32> to vector<32xbf16>
          %parallel_loop3A_368 = vector.bitcast %parallel_loop3A_366 : vector<16xi32> to vector<32xbf16>
          %parallel_loop3A_369 = arith.subf %parallel_loop3A_367, %parallel_loop3A_368 : vector<32xbf16>
          %parallel_loop3A_370 = arith.mulf %parallel_loop3A_369, %parallel_loop3A_369 : vector<32xbf16>
          %parallel_loop3A_371 = tpu.unpack_subelements %parallel_loop3A_370, 0 {pack_format = #tpu.pack_format<interleaved>} : vector<32xbf16> -> vector<16xf32>
          %parallel_loop3A_372 = tpu.unpack_subelements %parallel_loop3A_370, 1 {pack_format = #tpu.pack_format<interleaved>} : vector<32xbf16> -> vector<16xf32>
          %parallel_loop3A_373 = arith.addf %parallel_loop3A_337, %parallel_loop3A_371 : vector<16xf32>
          %parallel_loop3A_374 = arith.addf %parallel_loop3A_338, %parallel_loop3A_372 : vector<16xf32>
          %parallel_loop3A_375 = arith.constant 10 : i32
          %parallel_loop3A_376 = vector.broadcast %parallel_loop3A_375 : i32 to vector<16xi32>
          %parallel_loop3A_377 = arith.addi %parallel_loop3A_171, %parallel_loop3A_376 : vector<16xi32>
          %parallel_loop3A_378 = arith.constant 15 : i32
          %parallel_loop3A_379 = vector.broadcast %parallel_loop3A_378 : i32 to vector<16xi32>
          %parallel_loop3A_380 = arith.andi %parallel_loop3A_377, %parallel_loop3A_379 : vector<16xi32>
          %parallel_loop3A_381 = vector.broadcast %parallel_loop3A_194 : i32 to vector<16xi32>
          %parallel_loop3A_382 = arith.addi %parallel_loop3A_380, %parallel_loop3A_381 : vector<16xi32>
          %parallel_loop3A_383 = tpu.vector_load_idx %arg11[%parallel_loop3A_170, %parallel_loop3A_382] : memref<80x64xi32, #tpu.memory_space<vmem>>[vector<16xi32>, vector<16xi32>], vector<16xi32>,
          %parallel_loop3A_384 = tpu.vector_load_idx %arg12[%parallel_loop3A_170, %parallel_loop3A_382] : memref<80x64xi32, #tpu.memory_space<vmem>>[vector<16xi32>, vector<16xi32>], vector<16xi32>,
          %parallel_loop3A_385 = vector.bitcast %parallel_loop3A_383 : vector<16xi32> to vector<32xbf16>
          %parallel_loop3A_386 = vector.bitcast %parallel_loop3A_384 : vector<16xi32> to vector<32xbf16>
          %parallel_loop3A_387 = arith.subf %parallel_loop3A_385, %parallel_loop3A_386 : vector<32xbf16>
          %parallel_loop3A_388 = arith.mulf %parallel_loop3A_387, %parallel_loop3A_387 : vector<32xbf16>
          %parallel_loop3A_389 = tpu.unpack_subelements %parallel_loop3A_388, 0 {pack_format = #tpu.pack_format<interleaved>} : vector<32xbf16> -> vector<16xf32>
          %parallel_loop3A_390 = tpu.unpack_subelements %parallel_loop3A_388, 1 {pack_format = #tpu.pack_format<interleaved>} : vector<32xbf16> -> vector<16xf32>
          %parallel_loop3A_391 = arith.addf %parallel_loop3A_355, %parallel_loop3A_389 : vector<16xf32>
          %parallel_loop3A_392 = arith.addf %parallel_loop3A_356, %parallel_loop3A_390 : vector<16xf32>
          %parallel_loop3A_393 = arith.constant 11 : i32
          %parallel_loop3A_394 = vector.broadcast %parallel_loop3A_393 : i32 to vector<16xi32>
          %parallel_loop3A_395 = arith.addi %parallel_loop3A_171, %parallel_loop3A_394 : vector<16xi32>
          %parallel_loop3A_396 = arith.constant 15 : i32
          %parallel_loop3A_397 = vector.broadcast %parallel_loop3A_396 : i32 to vector<16xi32>
          %parallel_loop3A_398 = arith.andi %parallel_loop3A_395, %parallel_loop3A_397 : vector<16xi32>
          %parallel_loop3A_399 = vector.broadcast %parallel_loop3A_194 : i32 to vector<16xi32>
          %parallel_loop3A_400 = arith.addi %parallel_loop3A_398, %parallel_loop3A_399 : vector<16xi32>
          %parallel_loop3A_401 = tpu.vector_load_idx %arg11[%parallel_loop3A_170, %parallel_loop3A_400] : memref<80x64xi32, #tpu.memory_space<vmem>>[vector<16xi32>, vector<16xi32>], vector<16xi32>,
          %parallel_loop3A_402 = tpu.vector_load_idx %arg12[%parallel_loop3A_170, %parallel_loop3A_400] : memref<80x64xi32, #tpu.memory_space<vmem>>[vector<16xi32>, vector<16xi32>], vector<16xi32>,
          %parallel_loop3A_403 = vector.bitcast %parallel_loop3A_401 : vector<16xi32> to vector<32xbf16>
          %parallel_loop3A_404 = vector.bitcast %parallel_loop3A_402 : vector<16xi32> to vector<32xbf16>
          %parallel_loop3A_405 = arith.subf %parallel_loop3A_403, %parallel_loop3A_404 : vector<32xbf16>
          %parallel_loop3A_406 = arith.mulf %parallel_loop3A_405, %parallel_loop3A_405 : vector<32xbf16>
          %parallel_loop3A_407 = tpu.unpack_subelements %parallel_loop3A_406, 0 {pack_format = #tpu.pack_format<interleaved>} : vector<32xbf16> -> vector<16xf32>
          %parallel_loop3A_408 = tpu.unpack_subelements %parallel_loop3A_406, 1 {pack_format = #tpu.pack_format<interleaved>} : vector<32xbf16> -> vector<16xf32>
          %parallel_loop3A_409 = arith.addf %parallel_loop3A_373, %parallel_loop3A_407 : vector<16xf32>
          %parallel_loop3A_410 = arith.addf %parallel_loop3A_374, %parallel_loop3A_408 : vector<16xf32>
          %parallel_loop3A_411 = arith.constant 12 : i32
          %parallel_loop3A_412 = vector.broadcast %parallel_loop3A_411 : i32 to vector<16xi32>
          %parallel_loop3A_413 = arith.addi %parallel_loop3A_171, %parallel_loop3A_412 : vector<16xi32>
          %parallel_loop3A_414 = arith.constant 15 : i32
          %parallel_loop3A_415 = vector.broadcast %parallel_loop3A_414 : i32 to vector<16xi32>
          %parallel_loop3A_416 = arith.andi %parallel_loop3A_413, %parallel_loop3A_415 : vector<16xi32>
          %parallel_loop3A_417 = vector.broadcast %parallel_loop3A_194 : i32 to vector<16xi32>
          %parallel_loop3A_418 = arith.addi %parallel_loop3A_416, %parallel_loop3A_417 : vector<16xi32>
          %parallel_loop3A_419 = tpu.vector_load_idx %arg11[%parallel_loop3A_170, %parallel_loop3A_418] : memref<80x64xi32, #tpu.memory_space<vmem>>[vector<16xi32>, vector<16xi32>], vector<16xi32>,
          %parallel_loop3A_420 = tpu.vector_load_idx %arg12[%parallel_loop3A_170, %parallel_loop3A_418] : memref<80x64xi32, #tpu.memory_space<vmem>>[vector<16xi32>, vector<16xi32>], vector<16xi32>,
          %parallel_loop3A_421 = vector.bitcast %parallel_loop3A_419 : vector<16xi32> to vector<32xbf16>
          %parallel_loop3A_422 = vector.bitcast %parallel_loop3A_420 : vector<16xi32> to vector<32xbf16>
          %parallel_loop3A_423 = arith.subf %parallel_loop3A_421, %parallel_loop3A_422 : vector<32xbf16>
          %parallel_loop3A_424 = arith.mulf %parallel_loop3A_423, %parallel_loop3A_423 : vector<32xbf16>
          %parallel_loop3A_425 = tpu.unpack_subelements %parallel_loop3A_424, 0 {pack_format = #tpu.pack_format<interleaved>} : vector<32xbf16> -> vector<16xf32>
          %parallel_loop3A_426 = tpu.unpack_subelements %parallel_loop3A_424, 1 {pack_format = #tpu.pack_format<interleaved>} : vector<32xbf16> -> vector<16xf32>
          %parallel_loop3A_427 = arith.addf %parallel_loop3A_391, %parallel_loop3A_425 : vector<16xf32>
          %parallel_loop3A_428 = arith.addf %parallel_loop3A_392, %parallel_loop3A_426 : vector<16xf32>
          %parallel_loop3A_429 = arith.constant 13 : i32
          %parallel_loop3A_430 = vector.broadcast %parallel_loop3A_429 : i32 to vector<16xi32>
          %parallel_loop3A_431 = arith.addi %parallel_loop3A_171, %parallel_loop3A_430 : vector<16xi32>
          %parallel_loop3A_432 = arith.constant 15 : i32
          %parallel_loop3A_433 = vector.broadcast %parallel_loop3A_432 : i32 to vector<16xi32>
          %parallel_loop3A_434 = arith.andi %parallel_loop3A_431, %parallel_loop3A_433 : vector<16xi32>
          %parallel_loop3A_435 = vector.broadcast %parallel_loop3A_194 : i32 to vector<16xi32>
          %parallel_loop3A_436 = arith.addi %parallel_loop3A_434, %parallel_loop3A_435 : vector<16xi32>
          %parallel_loop3A_437 = tpu.vector_load_idx %arg11[%parallel_loop3A_170, %parallel_loop3A_436] : memref<80x64xi32, #tpu.memory_space<vmem>>[vector<16xi32>, vector<16xi32>], vector<16xi32>,
          %parallel_loop3A_438 = tpu.vector_load_idx %arg12[%parallel_loop3A_170, %parallel_loop3A_436] : memref<80x64xi32, #tpu.memory_space<vmem>>[vector<16xi32>, vector<16xi32>], vector<16xi32>,
          %parallel_loop3A_439 = vector.bitcast %parallel_loop3A_437 : vector<16xi32> to vector<32xbf16>
          %parallel_loop3A_440 = vector.bitcast %parallel_loop3A_438 : vector<16xi32> to vector<32xbf16>
          %parallel_loop3A_441 = arith.subf %parallel_loop3A_439, %parallel_loop3A_440 : vector<32xbf16>
          %parallel_loop3A_442 = arith.mulf %parallel_loop3A_441, %parallel_loop3A_441 : vector<32xbf16>
          %parallel_loop3A_443 = tpu.unpack_subelements %parallel_loop3A_442, 0 {pack_format = #tpu.pack_format<interleaved>} : vector<32xbf16> -> vector<16xf32>
          %parallel_loop3A_444 = tpu.unpack_subelements %parallel_loop3A_442, 1 {pack_format = #tpu.pack_format<interleaved>} : vector<32xbf16> -> vector<16xf32>
          %parallel_loop3A_445 = arith.addf %parallel_loop3A_409, %parallel_loop3A_443 : vector<16xf32>
          %parallel_loop3A_446 = arith.addf %parallel_loop3A_410, %parallel_loop3A_444 : vector<16xf32>
          %parallel_loop3A_447 = arith.constant 14 : i32
          %parallel_loop3A_448 = vector.broadcast %parallel_loop3A_447 : i32 to vector<16xi32>
          %parallel_loop3A_449 = arith.addi %parallel_loop3A_171, %parallel_loop3A_448 : vector<16xi32>
          %parallel_loop3A_450 = arith.constant 15 : i32
          %parallel_loop3A_451 = vector.broadcast %parallel_loop3A_450 : i32 to vector<16xi32>
          %parallel_loop3A_452 = arith.andi %parallel_loop3A_449, %parallel_loop3A_451 : vector<16xi32>
          %parallel_loop3A_453 = vector.broadcast %parallel_loop3A_194 : i32 to vector<16xi32>
          %parallel_loop3A_454 = arith.addi %parallel_loop3A_452, %parallel_loop3A_453 : vector<16xi32>
          %parallel_loop3A_455 = tpu.vector_load_idx %arg11[%parallel_loop3A_170, %parallel_loop3A_454] : memref<80x64xi32, #tpu.memory_space<vmem>>[vector<16xi32>, vector<16xi32>], vector<16xi32>,
          %parallel_loop3A_456 = tpu.vector_load_idx %arg12[%parallel_loop3A_170, %parallel_loop3A_454] : memref<80x64xi32, #tpu.memory_space<vmem>>[vector<16xi32>, vector<16xi32>], vector<16xi32>,
          %parallel_loop3A_457 = vector.bitcast %parallel_loop3A_455 : vector<16xi32> to vector<32xbf16>
          %parallel_loop3A_458 = vector.bitcast %parallel_loop3A_456 : vector<16xi32> to vector<32xbf16>
          %parallel_loop3A_459 = arith.subf %parallel_loop3A_457, %parallel_loop3A_458 : vector<32xbf16>
          %parallel_loop3A_460 = arith.mulf %parallel_loop3A_459, %parallel_loop3A_459 : vector<32xbf16>
          %parallel_loop3A_461 = tpu.unpack_subelements %parallel_loop3A_460, 0 {pack_format = #tpu.pack_format<interleaved>} : vector<32xbf16> -> vector<16xf32>
          %parallel_loop3A_462 = tpu.unpack_subelements %parallel_loop3A_460, 1 {pack_format = #tpu.pack_format<interleaved>} : vector<32xbf16> -> vector<16xf32>
          %parallel_loop3A_463 = arith.addf %parallel_loop3A_427, %parallel_loop3A_461 : vector<16xf32>
          %parallel_loop3A_464 = arith.addf %parallel_loop3A_428, %parallel_loop3A_462 : vector<16xf32>
          %parallel_loop3A_465 = arith.constant 15 : i32
          %parallel_loop3A_466 = vector.broadcast %parallel_loop3A_465 : i32 to vector<16xi32>
          %parallel_loop3A_467 = arith.addi %parallel_loop3A_171, %parallel_loop3A_466 : vector<16xi32>
          %parallel_loop3A_468 = arith.constant 15 : i32
          %parallel_loop3A_469 = vector.broadcast %parallel_loop3A_468 : i32 to vector<16xi32>
          %parallel_loop3A_470 = arith.andi %parallel_loop3A_467, %parallel_loop3A_469 : vector<16xi32>
          %parallel_loop3A_471 = vector.broadcast %parallel_loop3A_194 : i32 to vector<16xi32>
          %parallel_loop3A_472 = arith.addi %parallel_loop3A_470, %parallel_loop3A_471 : vector<16xi32>
          %parallel_loop3A_473 = tpu.vector_load_idx %arg11[%parallel_loop3A_170, %parallel_loop3A_472] : memref<80x64xi32, #tpu.memory_space<vmem>>[vector<16xi32>, vector<16xi32>], vector<16xi32>,
          %parallel_loop3A_474 = tpu.vector_load_idx %arg12[%parallel_loop3A_170, %parallel_loop3A_472] : memref<80x64xi32, #tpu.memory_space<vmem>>[vector<16xi32>, vector<16xi32>], vector<16xi32>,
          %parallel_loop3A_475 = vector.bitcast %parallel_loop3A_473 : vector<16xi32> to vector<32xbf16>
          %parallel_loop3A_476 = vector.bitcast %parallel_loop3A_474 : vector<16xi32> to vector<32xbf16>
          %parallel_loop3A_477 = arith.subf %parallel_loop3A_475, %parallel_loop3A_476 : vector<32xbf16>
          %parallel_loop3A_478 = arith.mulf %parallel_loop3A_477, %parallel_loop3A_477 : vector<32xbf16>
          %parallel_loop3A_479 = tpu.unpack_subelements %parallel_loop3A_478, 0 {pack_format = #tpu.pack_format<interleaved>} : vector<32xbf16> -> vector<16xf32>
          %parallel_loop3A_480 = tpu.unpack_subelements %parallel_loop3A_478, 1 {pack_format = #tpu.pack_format<interleaved>} : vector<32xbf16> -> vector<16xf32>
          %parallel_loop3A_481 = arith.addf %parallel_loop3A_445, %parallel_loop3A_479 : vector<16xf32>
          %parallel_loop3A_482 = arith.addf %parallel_loop3A_446, %parallel_loop3A_480 : vector<16xf32>
          scf.yield %parallel_loop3A_463, %parallel_loop3A_464, %parallel_loop3A_481, %parallel_loop3A_482 : vector<16xf32>, vector<16xf32>, vector<16xf32>, vector<16xf32>
        } {sc.loop_unroll_factor = 1 : i64, sc.parallel_access}
        %parallel_loop3A_178 = arith.addf %parallel_loop3A_177#0, %parallel_loop3A_177#1 : vector<16xf32>
        %parallel_loop3A_179 = arith.addf %parallel_loop3A_177#2, %parallel_loop3A_177#3 : vector<16xf32>
        %parallel_loop3A_180 = arith.addf %parallel_loop3A_178, %parallel_loop3A_179 : vector<16xf32>
        %parallel_loop3A_181 = arith.constant 80 : i32
        %parallel_loop3A_182 = arith.muli %add3A_161, %parallel_loop3A_181 : i32
        %parallel_loop3A_183 = arith.constant 16 : i32
        %parallel_loop3A_184 = arith.muli %parallel_loop3A_165, %parallel_loop3A_183 : i32
        %parallel_loop3A_185 = arith.addi %parallel_loop3A_182, %parallel_loop3A_184 : i32
        %parallel_loop3A_186 = arith.index_cast %parallel_loop3A_185 : i32 to index
        %parallel_loop3A_187 = tpu.vector_load %arg13[%parallel_loop3A_186] {strides = array<i32>} : memref<10000xf32, #tpu.memory_space<vmem>>, vector<16xf32>,
        tpu.vector_store %arg13[%parallel_loop3A_186], %parallel_loop3A_180 {strides = array<i32>} : memref<10000xf32, #tpu.memory_space<vmem>>, vector<16xf32>,
      } {sc.loop_unroll_factor = 1 : i64, sc.parallel_access}
    }
    %scan3A_30 = arith.constant 41 : i32
    %dma_wait3A = arith.constant 9840 : i32
    %dma_wait3A_31 = tpu.memref_slice %arg5[%dma_wait3A] : memref<10000xi32, #tpu.memory_space<vmem>> -> memref<80xi32, #tpu.memory_space<vmem>>
    %dma_wait3A_32 = arith.constant 0 : i32
    %dma_wait3A_33 = arith.constant 0 : i32
    %dma_wait3A_34 = tpu.memref_slice %arg2[%dma_wait3A_32, %dma_wait3A_33] : memref<10000x64xi32, #tpu.memory_space<hbm>> -> memref<10000x64xi32, #tpu.memory_space<hbm>>
    tpu.wait_indirect_dma semaphore(%arg14 : memref<!tpu.dma_semaphore, #tpu.memory_space<semaphore_mem>>) src(%dma_wait3A_34 : memref<10000x64xi32, #tpu.memory_space<hbm>>) dst(%arg7 : memref<80x64xi32, #tpu.memory_space<vmem>>)
    %dma_wait3A_35 = arith.constant 9840 : i32
    %dma_wait3A_36 = tpu.memref_slice %arg6[%dma_wait3A_35] : memref<10000xi32, #tpu.memory_space<vmem>> -> memref<80xi32, #tpu.memory_space<vmem>>
    %dma_wait3A_37 = arith.constant 0 : i32
    %dma_wait3A_38 = arith.constant 0 : i32
    %dma_wait3A_39 = tpu.memref_slice %arg2[%dma_wait3A_37, %dma_wait3A_38] : memref<10000x64xi32, #tpu.memory_space<hbm>> -> memref<10000x64xi32, #tpu.memory_space<hbm>>
    tpu.wait_indirect_dma semaphore(%arg15 : memref<!tpu.dma_semaphore, #tpu.memory_space<semaphore_mem>>) src(%dma_wait3A_39 : memref<10000x64xi32, #tpu.memory_space<hbm>>) dst(%arg8 : memref<80x64xi32, #tpu.memory_space<vmem>>)
    %parallel_loop3A = arith.constant 0 : i32
    %parallel_loop3A_40 = arith.constant 5 : i32
    %parallel_loop3A_41 = arith.constant 1 : i32
    scf.for %parallel_loop3A_57 = %parallel_loop3A to %parallel_loop3A_40 step %parallel_loop3A_41  : i32 {
      %parallel_loop3A_58 = tpu.iota {dimensions = array<i32: 0>} : vector<16xi32>
      %parallel_loop3A_59 = arith.constant 16 : i32
      %parallel_loop3A_60 = arith.muli %parallel_loop3A_57, %parallel_loop3A_59 : i32
      %parallel_loop3A_61 = vector.broadcast %parallel_loop3A_60 : i32 to vector<16xi32>
      %parallel_loop3A_62 = arith.addi %parallel_loop3A_58, %parallel_loop3A_61 : vector<16xi32>
      %parallel_loop3A_63 = tpu.iota {dimensions = array<i32: 0>} : vector<16xi32>
      %parallel_loop3A_64 = arith.constant 0.000000e+00 : f32
      %parallel_loop3A_65 = vector.broadcast %parallel_loop3A_64 : f32 to vector<16xf32>
      %parallel_loop3A_66 = arith.constant 0 : i32
      %parallel_loop3A_67 = arith.constant 4 : i32
      %parallel_loop3A_68 = arith.constant 1 : i32
      %parallel_loop3A_69:4 = scf.for %parallel_loop3A_79 = %parallel_loop3A_66 to %parallel_loop3A_67 step %parallel_loop3A_68 iter_args(%parallel_loop3A_80 = %parallel_loop3A_65, %parallel_loop3A_81 = %parallel_loop3A_65, %parallel_loop3A_82 = %parallel_loop3A_65, %parallel_loop3A_83 = %parallel_loop3A_65) -> (vector<16xf32>, vector<16xf32>, vector<16xf32>, vector<16xf32>)  : i32 {
        %parallel_loop3A_84 = arith.constant 16 : i32
        %parallel_loop3A_85 = arith.muli %parallel_loop3A_79, %parallel_loop3A_84 : i32
        %parallel_loop3A_86 = arith.constant 0 : i32
        %parallel_loop3A_87 = vector.broadcast %parallel_loop3A_86 : i32 to vector<16xi32>
        %parallel_loop3A_88 = arith.addi %parallel_loop3A_63, %parallel_loop3A_87 : vector<16xi32>
        %parallel_loop3A_89 = arith.constant 15 : i32
        %parallel_loop3A_90 = vector.broadcast %parallel_loop3A_89 : i32 to vector<16xi32>
        %parallel_loop3A_91 = arith.andi %parallel_loop3A_88, %parallel_loop3A_90 : vector<16xi32>
        %parallel_loop3A_92 = vector.broadcast %parallel_loop3A_85 : i32 to vector<16xi32>
        %parallel_loop3A_93 = arith.addi %parallel_loop3A_91, %parallel_loop3A_92 : vector<16xi32>
        %parallel_loop3A_94 = tpu.vector_load_idx %arg7[%parallel_loop3A_62, %parallel_loop3A_93] : memref<80x64xi32, #tpu.memory_space<vmem>>[vector<16xi32>, vector<16xi32>], vector<16xi32>,
        %parallel_loop3A_95 = tpu.vector_load_idx %arg8[%parallel_loop3A_62, %parallel_loop3A_93] : memref<80x64xi32, #tpu.memory_space<vmem>>[vector<16xi32>, vector<16xi32>], vector<16xi32>,
        %parallel_loop3A_96 = vector.bitcast %parallel_loop3A_94 : vector<16xi32> to vector<32xbf16>
        %parallel_loop3A_97 = vector.bitcast %parallel_loop3A_95 : vector<16xi32> to vector<32xbf16>
        %parallel_loop3A_98 = arith.subf %parallel_loop3A_96, %parallel_loop3A_97 : vector<32xbf16>
        %parallel_loop3A_99 = arith.mulf %parallel_loop3A_98, %parallel_loop3A_98 : vector<32xbf16>
        %parallel_loop3A_100 = tpu.unpack_subelements %parallel_loop3A_99, 0 {pack_format = #tpu.pack_format<interleaved>} : vector<32xbf16> -> vector<16xf32>
        %parallel_loop3A_101 = tpu.unpack_subelements %parallel_loop3A_99, 1 {pack_format = #tpu.pack_format<interleaved>} : vector<32xbf16> -> vector<16xf32>
        %parallel_loop3A_102 = arith.addf %parallel_loop3A_80, %parallel_loop3A_100 : vector<16xf32>
        %parallel_loop3A_103 = arith.addf %parallel_loop3A_81, %parallel_loop3A_101 : vector<16xf32>
        %parallel_loop3A_104 = arith.constant 1 : i32
        %parallel_loop3A_105 = vector.broadcast %parallel_loop3A_104 : i32 to vector<16xi32>
        %parallel_loop3A_106 = arith.addi %parallel_loop3A_63, %parallel_loop3A_105 : vector<16xi32>
        %parallel_loop3A_107 = arith.constant 15 : i32
        %parallel_loop3A_108 = vector.broadcast %parallel_loop3A_107 : i32 to vector<16xi32>
        %parallel_loop3A_109 = arith.andi %parallel_loop3A_106, %parallel_loop3A_108 : vector<16xi32>
        %parallel_loop3A_110 = vector.broadcast %parallel_loop3A_85 : i32 to vector<16xi32>
        %parallel_loop3A_111 = arith.addi %parallel_loop3A_109, %parallel_loop3A_110 : vector<16xi32>
        %parallel_loop3A_112 = tpu.vector_load_idx %arg7[%parallel_loop3A_62, %parallel_loop3A_111] : memref<80x64xi32, #tpu.memory_space<vmem>>[vector<16xi32>, vector<16xi32>], vector<16xi32>,
        %parallel_loop3A_113 = tpu.vector_load_idx %arg8[%parallel_loop3A_62, %parallel_loop3A_111] : memref<80x64xi32, #tpu.memory_space<vmem>>[vector<16xi32>, vector<16xi32>], vector<16xi32>,
        %parallel_loop3A_114 = vector.bitcast %parallel_loop3A_112 : vector<16xi32> to vector<32xbf16>
        %parallel_loop3A_115 = vector.bitcast %parallel_loop3A_113 : vector<16xi32> to vector<32xbf16>
        %parallel_loop3A_116 = arith.subf %parallel_loop3A_114, %parallel_loop3A_115 : vector<32xbf16>
        %parallel_loop3A_117 = arith.mulf %parallel_loop3A_116, %parallel_loop3A_116 : vector<32xbf16>
        %parallel_loop3A_118 = tpu.unpack_subelements %parallel_loop3A_117, 0 {pack_format = #tpu.pack_format<interleaved>} : vector<32xbf16> -> vector<16xf32>
        %parallel_loop3A_119 = tpu.unpack_subelements %parallel_loop3A_117, 1 {pack_format = #tpu.pack_format<interleaved>} : vector<32xbf16> -> vector<16xf32>
        %parallel_loop3A_120 = arith.addf %parallel_loop3A_82, %parallel_loop3A_118 : vector<16xf32>
        %parallel_loop3A_121 = arith.addf %parallel_loop3A_83, %parallel_loop3A_119 : vector<16xf32>
        %parallel_loop3A_122 = arith.constant 2 : i32
        %parallel_loop3A_123 = vector.broadcast %parallel_loop3A_122 : i32 to vector<16xi32>
        %parallel_loop3A_124 = arith.addi %parallel_loop3A_63, %parallel_loop3A_123 : vector<16xi32>
        %parallel_loop3A_125 = arith.constant 15 : i32
        %parallel_loop3A_126 = vector.broadcast %parallel_loop3A_125 : i32 to vector<16xi32>
        %parallel_loop3A_127 = arith.andi %parallel_loop3A_124, %parallel_loop3A_126 : vector<16xi32>
        %parallel_loop3A_128 = vector.broadcast %parallel_loop3A_85 : i32 to vector<16xi32>
        %parallel_loop3A_129 = arith.addi %parallel_loop3A_127, %parallel_loop3A_128 : vector<16xi32>
        %parallel_loop3A_130 = tpu.vector_load_idx %arg7[%parallel_loop3A_62, %parallel_loop3A_129] : memref<80x64xi32, #tpu.memory_space<vmem>>[vector<16xi32>, vector<16xi32>], vector<16xi32>,
        %parallel_loop3A_131 = tpu.vector_load_idx %arg8[%parallel_loop3A_62, %parallel_loop3A_129] : memref<80x64xi32, #tpu.memory_space<vmem>>[vector<16xi32>, vector<16xi32>], vector<16xi32>,
        %parallel_loop3A_132 = vector.bitcast %parallel_loop3A_130 : vector<16xi32> to vector<32xbf16>
        %parallel_loop3A_133 = vector.bitcast %parallel_loop3A_131 : vector<16xi32> to vector<32xbf16>
        %parallel_loop3A_134 = arith.subf %parallel_loop3A_132, %parallel_loop3A_133 : vector<32xbf16>
        %parallel_loop3A_135 = arith.mulf %parallel_loop3A_134, %parallel_loop3A_134 : vector<32xbf16>
        %parallel_loop3A_136 = tpu.unpack_subelements %parallel_loop3A_135, 0 {pack_format = #tpu.pack_format<interleaved>} : vector<32xbf16> -> vector<16xf32>
        %parallel_loop3A_137 = tpu.unpack_subelements %parallel_loop3A_135, 1 {pack_format = #tpu.pack_format<interleaved>} : vector<32xbf16> -> vector<16xf32>
        %parallel_loop3A_138 = arith.addf %parallel_loop3A_102, %parallel_loop3A_136 : vector<16xf32>
        %parallel_loop3A_139 = arith.addf %parallel_loop3A_103, %parallel_loop3A_137 : vector<16xf32>
        %parallel_loop3A_140 = arith.constant 3 : i32
        %parallel_loop3A_141 = vector.broadcast %parallel_loop3A_140 : i32 to vector<16xi32>
        %parallel_loop3A_142 = arith.addi %parallel_loop3A_63, %parallel_loop3A_141 : vector<16xi32>
        %parallel_loop3A_143 = arith.constant 15 : i32
        %parallel_loop3A_144 = vector.broadcast %parallel_loop3A_143 : i32 to vector<16xi32>
        %parallel_loop3A_145 = arith.andi %parallel_loop3A_142, %parallel_loop3A_144 : vector<16xi32>
        %parallel_loop3A_146 = vector.broadcast %parallel_loop3A_85 : i32 to vector<16xi32>
        %parallel_loop3A_147 = arith.addi %parallel_loop3A_145, %parallel_loop3A_146 : vector<16xi32>
        %parallel_loop3A_148 = tpu.vector_load_idx %arg7[%parallel_loop3A_62, %parallel_loop3A_147] : memref<80x64xi32, #tpu.memory_space<vmem>>[vector<16xi32>, vector<16xi32>], vector<16xi32>,
        %parallel_loop3A_149 = tpu.vector_load_idx %arg8[%parallel_loop3A_62, %parallel_loop3A_147] : memref<80x64xi32, #tpu.memory_space<vmem>>[vector<16xi32>, vector<16xi32>], vector<16xi32>,
        %parallel_loop3A_150 = vector.bitcast %parallel_loop3A_148 : vector<16xi32> to vector<32xbf16>
        %parallel_loop3A_151 = vector.bitcast %parallel_loop3A_149 : vector<16xi32> to vector<32xbf16>
        %parallel_loop3A_152 = arith.subf %parallel_loop3A_150, %parallel_loop3A_151 : vector<32xbf16>
        %parallel_loop3A_153 = arith.mulf %parallel_loop3A_152, %parallel_loop3A_152 : vector<32xbf16>
        %parallel_loop3A_154 = tpu.unpack_subelements %parallel_loop3A_153, 0 {pack_format = #tpu.pack_format<interleaved>} : vector<32xbf16> -> vector<16xf32>
        %parallel_loop3A_155 = tpu.unpack_subelements %parallel_loop3A_153, 1 {pack_format = #tpu.pack_format<interleaved>} : vector<32xbf16> -> vector<16xf32>
        %parallel_loop3A_156 = arith.addf %parallel_loop3A_120, %parallel_loop3A_154 : vector<16xf32>
        %parallel_loop3A_157 = arith.addf %parallel_loop3A_121, %parallel_loop3A_155 : vector<16xf32>
        %parallel_loop3A_158 = arith.constant 4 : i32
        %parallel_loop3A_159 = vector.broadcast %parallel_loop3A_158 : i32 to vector<16xi32>
        %parallel_loop3A_160 = arith.addi %parallel_loop3A_63, %parallel_loop3A_159 : vector<16xi32>
        %parallel_loop3A_161 = arith.constant 15 : i32
        %parallel_loop3A_162 = vector.broadcast %parallel_loop3A_161 : i32 to vector<16xi32>
        %parallel_loop3A_163 = arith.andi %parallel_loop3A_160, %parallel_loop3A_162 : vector<16xi32>
        %parallel_loop3A_164 = vector.broadcast %parallel_loop3A_85 : i32 to vector<16xi32>
        %parallel_loop3A_165 = arith.addi %parallel_loop3A_163, %parallel_loop3A_164 : vector<16xi32>
        %parallel_loop3A_166 = tpu.vector_load_idx %arg7[%parallel_loop3A_62, %parallel_loop3A_165] : memref<80x64xi32, #tpu.memory_space<vmem>>[vector<16xi32>, vector<16xi32>], vector<16xi32>,
        %parallel_loop3A_167 = tpu.vector_load_idx %arg8[%parallel_loop3A_62, %parallel_loop3A_165] : memref<80x64xi32, #tpu.memory_space<vmem>>[vector<16xi32>, vector<16xi32>], vector<16xi32>,
        %parallel_loop3A_168 = vector.bitcast %parallel_loop3A_166 : vector<16xi32> to vector<32xbf16>
        %parallel_loop3A_169 = vector.bitcast %parallel_loop3A_167 : vector<16xi32> to vector<32xbf16>
        %parallel_loop3A_170 = arith.subf %parallel_loop3A_168, %parallel_loop3A_169 : vector<32xbf16>
        %parallel_loop3A_171 = arith.mulf %parallel_loop3A_170, %parallel_loop3A_170 : vector<32xbf16>
        %parallel_loop3A_172 = tpu.unpack_subelements %parallel_loop3A_171, 0 {pack_format = #tpu.pack_format<interleaved>} : vector<32xbf16> -> vector<16xf32>
        %parallel_loop3A_173 = tpu.unpack_subelements %parallel_loop3A_171, 1 {pack_format = #tpu.pack_format<interleaved>} : vector<32xbf16> -> vector<16xf32>
        %parallel_loop3A_174 = arith.addf %parallel_loop3A_138, %parallel_loop3A_172 : vector<16xf32>
        %parallel_loop3A_175 = arith.addf %parallel_loop3A_139, %parallel_loop3A_173 : vector<16xf32>
        %parallel_loop3A_176 = arith.constant 5 : i32
        %parallel_loop3A_177 = vector.broadcast %parallel_loop3A_176 : i32 to vector<16xi32>
        %parallel_loop3A_178 = arith.addi %parallel_loop3A_63, %parallel_loop3A_177 : vector<16xi32>
        %parallel_loop3A_179 = arith.constant 15 : i32
        %parallel_loop3A_180 = vector.broadcast %parallel_loop3A_179 : i32 to vector<16xi32>
        %parallel_loop3A_181 = arith.andi %parallel_loop3A_178, %parallel_loop3A_180 : vector<16xi32>
        %parallel_loop3A_182 = vector.broadcast %parallel_loop3A_85 : i32 to vector<16xi32>
        %parallel_loop3A_183 = arith.addi %parallel_loop3A_181, %parallel_loop3A_182 : vector<16xi32>
        %parallel_loop3A_184 = tpu.vector_load_idx %arg7[%parallel_loop3A_62, %parallel_loop3A_183] : memref<80x64xi32, #tpu.memory_space<vmem>>[vector<16xi32>, vector<16xi32>], vector<16xi32>,
        %parallel_loop3A_185 = tpu.vector_load_idx %arg8[%parallel_loop3A_62, %parallel_loop3A_183] : memref<80x64xi32, #tpu.memory_space<vmem>>[vector<16xi32>, vector<16xi32>], vector<16xi32>,
        %parallel_loop3A_186 = vector.bitcast %parallel_loop3A_184 : vector<16xi32> to vector<32xbf16>
        %parallel_loop3A_187 = vector.bitcast %parallel_loop3A_185 : vector<16xi32> to vector<32xbf16>
        %parallel_loop3A_188 = arith.subf %parallel_loop3A_186, %parallel_loop3A_187 : vector<32xbf16>
        %parallel_loop3A_189 = arith.mulf %parallel_loop3A_188, %parallel_loop3A_188 : vector<32xbf16>
        %parallel_loop3A_190 = tpu.unpack_subelements %parallel_loop3A_189, 0 {pack_format = #tpu.pack_format<interleaved>} : vector<32xbf16> -> vector<16xf32>
        %parallel_loop3A_191 = tpu.unpack_subelements %parallel_loop3A_189, 1 {pack_format = #tpu.pack_format<interleaved>} : vector<32xbf16> -> vector<16xf32>
        %parallel_loop3A_192 = arith.addf %parallel_loop3A_156, %parallel_loop3A_190 : vector<16xf32>
        %parallel_loop3A_193 = arith.addf %parallel_loop3A_157, %parallel_loop3A_191 : vector<16xf32>
        %parallel_loop3A_194 = arith.constant 6 : i32
        %parallel_loop3A_195 = vector.broadcast %parallel_loop3A_194 : i32 to vector<16xi32>
        %parallel_loop3A_196 = arith.addi %parallel_loop3A_63, %parallel_loop3A_195 : vector<16xi32>
        %parallel_loop3A_197 = arith.constant 15 : i32
        %parallel_loop3A_198 = vector.broadcast %parallel_loop3A_197 : i32 to vector<16xi32>
        %parallel_loop3A_199 = arith.andi %parallel_loop3A_196, %parallel_loop3A_198 : vector<16xi32>
        %parallel_loop3A_200 = vector.broadcast %parallel_loop3A_85 : i32 to vector<16xi32>
        %parallel_loop3A_201 = arith.addi %parallel_loop3A_199, %parallel_loop3A_200 : vector<16xi32>
        %parallel_loop3A_202 = tpu.vector_load_idx %arg7[%parallel_loop3A_62, %parallel_loop3A_201] : memref<80x64xi32, #tpu.memory_space<vmem>>[vector<16xi32>, vector<16xi32>], vector<16xi32>,
        %parallel_loop3A_203 = tpu.vector_load_idx %arg8[%parallel_loop3A_62, %parallel_loop3A_201] : memref<80x64xi32, #tpu.memory_space<vmem>>[vector<16xi32>, vector<16xi32>], vector<16xi32>,
        %parallel_loop3A_204 = vector.bitcast %parallel_loop3A_202 : vector<16xi32> to vector<32xbf16>
        %parallel_loop3A_205 = vector.bitcast %parallel_loop3A_203 : vector<16xi32> to vector<32xbf16>
        %parallel_loop3A_206 = arith.subf %parallel_loop3A_204, %parallel_loop3A_205 : vector<32xbf16>
        %parallel_loop3A_207 = arith.mulf %parallel_loop3A_206, %parallel_loop3A_206 : vector<32xbf16>
        %parallel_loop3A_208 = tpu.unpack_subelements %parallel_loop3A_207, 0 {pack_format = #tpu.pack_format<interleaved>} : vector<32xbf16> -> vector<16xf32>
        %parallel_loop3A_209 = tpu.unpack_subelements %parallel_loop3A_207, 1 {pack_format = #tpu.pack_format<interleaved>} : vector<32xbf16> -> vector<16xf32>
        %parallel_loop3A_210 = arith.addf %parallel_loop3A_174, %parallel_loop3A_208 : vector<16xf32>
        %parallel_loop3A_211 = arith.addf %parallel_loop3A_175, %parallel_loop3A_209 : vector<16xf32>
        %parallel_loop3A_212 = arith.constant 7 : i32
        %parallel_loop3A_213 = vector.broadcast %parallel_loop3A_212 : i32 to vector<16xi32>
        %parallel_loop3A_214 = arith.addi %parallel_loop3A_63, %parallel_loop3A_213 : vector<16xi32>
        %parallel_loop3A_215 = arith.constant 15 : i32
        %parallel_loop3A_216 = vector.broadcast %parallel_loop3A_215 : i32 to vector<16xi32>
        %parallel_loop3A_217 = arith.andi %parallel_loop3A_214, %parallel_loop3A_216 : vector<16xi32>
        %parallel_loop3A_218 = vector.broadcast %parallel_loop3A_85 : i32 to vector<16xi32>
        %parallel_loop3A_219 = arith.addi %parallel_loop3A_217, %parallel_loop3A_218 : vector<16xi32>
        %parallel_loop3A_220 = tpu.vector_load_idx %arg7[%parallel_loop3A_62, %parallel_loop3A_219] : memref<80x64xi32, #tpu.memory_space<vmem>>[vector<16xi32>, vector<16xi32>], vector<16xi32>,
        %parallel_loop3A_221 = tpu.vector_load_idx %arg8[%parallel_loop3A_62, %parallel_loop3A_219] : memref<80x64xi32, #tpu.memory_space<vmem>>[vector<16xi32>, vector<16xi32>], vector<16xi32>,
        %parallel_loop3A_222 = vector.bitcast %parallel_loop3A_220 : vector<16xi32> to vector<32xbf16>
        %parallel_loop3A_223 = vector.bitcast %parallel_loop3A_221 : vector<16xi32> to vector<32xbf16>
        %parallel_loop3A_224 = arith.subf %parallel_loop3A_222, %parallel_loop3A_223 : vector<32xbf16>
        %parallel_loop3A_225 = arith.mulf %parallel_loop3A_224, %parallel_loop3A_224 : vector<32xbf16>
        %parallel_loop3A_226 = tpu.unpack_subelements %parallel_loop3A_225, 0 {pack_format = #tpu.pack_format<interleaved>} : vector<32xbf16> -> vector<16xf32>
        %parallel_loop3A_227 = tpu.unpack_subelements %parallel_loop3A_225, 1 {pack_format = #tpu.pack_format<interleaved>} : vector<32xbf16> -> vector<16xf32>
        %parallel_loop3A_228 = arith.addf %parallel_loop3A_192, %parallel_loop3A_226 : vector<16xf32>
        %parallel_loop3A_229 = arith.addf %parallel_loop3A_193, %parallel_loop3A_227 : vector<16xf32>
        %parallel_loop3A_230 = arith.constant 8 : i32
        %parallel_loop3A_231 = vector.broadcast %parallel_loop3A_230 : i32 to vector<16xi32>
        %parallel_loop3A_232 = arith.addi %parallel_loop3A_63, %parallel_loop3A_231 : vector<16xi32>
        %parallel_loop3A_233 = arith.constant 15 : i32
        %parallel_loop3A_234 = vector.broadcast %parallel_loop3A_233 : i32 to vector<16xi32>
        %parallel_loop3A_235 = arith.andi %parallel_loop3A_232, %parallel_loop3A_234 : vector<16xi32>
        %parallel_loop3A_236 = vector.broadcast %parallel_loop3A_85 : i32 to vector<16xi32>
        %parallel_loop3A_237 = arith.addi %parallel_loop3A_235, %parallel_loop3A_236 : vector<16xi32>
        %parallel_loop3A_238 = tpu.vector_load_idx %arg7[%parallel_loop3A_62, %parallel_loop3A_237] : memref<80x64xi32, #tpu.memory_space<vmem>>[vector<16xi32>, vector<16xi32>], vector<16xi32>,
        %parallel_loop3A_239 = tpu.vector_load_idx %arg8[%parallel_loop3A_62, %parallel_loop3A_237] : memref<80x64xi32, #tpu.memory_space<vmem>>[vector<16xi32>, vector<16xi32>], vector<16xi32>,
        %parallel_loop3A_240 = vector.bitcast %parallel_loop3A_238 : vector<16xi32> to vector<32xbf16>
        %parallel_loop3A_241 = vector.bitcast %parallel_loop3A_239 : vector<16xi32> to vector<32xbf16>
        %parallel_loop3A_242 = arith.subf %parallel_loop3A_240, %parallel_loop3A_241 : vector<32xbf16>
        %parallel_loop3A_243 = arith.mulf %parallel_loop3A_242, %parallel_loop3A_242 : vector<32xbf16>
        %parallel_loop3A_244 = tpu.unpack_subelements %parallel_loop3A_243, 0 {pack_format = #tpu.pack_format<interleaved>} : vector<32xbf16> -> vector<16xf32>
        %parallel_loop3A_245 = tpu.unpack_subelements %parallel_loop3A_243, 1 {pack_format = #tpu.pack_format<interleaved>} : vector<32xbf16> -> vector<16xf32>
        %parallel_loop3A_246 = arith.addf %parallel_loop3A_210, %parallel_loop3A_244 : vector<16xf32>
        %parallel_loop3A_247 = arith.addf %parallel_loop3A_211, %parallel_loop3A_245 : vector<16xf32>
        %parallel_loop3A_248 = arith.constant 9 : i32
        %parallel_loop3A_249 = vector.broadcast %parallel_loop3A_248 : i32 to vector<16xi32>
        %parallel_loop3A_250 = arith.addi %parallel_loop3A_63, %parallel_loop3A_249 : vector<16xi32>
        %parallel_loop3A_251 = arith.constant 15 : i32
        %parallel_loop3A_252 = vector.broadcast %parallel_loop3A_251 : i32 to vector<16xi32>
        %parallel_loop3A_253 = arith.andi %parallel_loop3A_250, %parallel_loop3A_252 : vector<16xi32>
        %parallel_loop3A_254 = vector.broadcast %parallel_loop3A_85 : i32 to vector<16xi32>
        %parallel_loop3A_255 = arith.addi %parallel_loop3A_253, %parallel_loop3A_254 : vector<16xi32>
        %parallel_loop3A_256 = tpu.vector_load_idx %arg7[%parallel_loop3A_62, %parallel_loop3A_255] : memref<80x64xi32, #tpu.memory_space<vmem>>[vector<16xi32>, vector<16xi32>], vector<16xi32>,
        %parallel_loop3A_257 = tpu.vector_load_idx %arg8[%parallel_loop3A_62, %parallel_loop3A_255] : memref<80x64xi32, #tpu.memory_space<vmem>>[vector<16xi32>, vector<16xi32>], vector<16xi32>,
        %parallel_loop3A_258 = vector.bitcast %parallel_loop3A_256 : vector<16xi32> to vector<32xbf16>
        %parallel_loop3A_259 = vector.bitcast %parallel_loop3A_257 : vector<16xi32> to vector<32xbf16>
        %parallel_loop3A_260 = arith.subf %parallel_loop3A_258, %parallel_loop3A_259 : vector<32xbf16>
        %parallel_loop3A_261 = arith.mulf %parallel_loop3A_260, %parallel_loop3A_260 : vector<32xbf16>
        %parallel_loop3A_262 = tpu.unpack_subelements %parallel_loop3A_261, 0 {pack_format = #tpu.pack_format<interleaved>} : vector<32xbf16> -> vector<16xf32>
        %parallel_loop3A_263 = tpu.unpack_subelements %parallel_loop3A_261, 1 {pack_format = #tpu.pack_format<interleaved>} : vector<32xbf16> -> vector<16xf32>
        %parallel_loop3A_264 = arith.addf %parallel_loop3A_228, %parallel_loop3A_262 : vector<16xf32>
        %parallel_loop3A_265 = arith.addf %parallel_loop3A_229, %parallel_loop3A_263 : vector<16xf32>
        %parallel_loop3A_266 = arith.constant 10 : i32
        %parallel_loop3A_267 = vector.broadcast %parallel_loop3A_266 : i32 to vector<16xi32>
        %parallel_loop3A_268 = arith.addi %parallel_loop3A_63, %parallel_loop3A_267 : vector<16xi32>
        %parallel_loop3A_269 = arith.constant 15 : i32
        %parallel_loop3A_270 = vector.broadcast %parallel_loop3A_269 : i32 to vector<16xi32>
        %parallel_loop3A_271 = arith.andi %parallel_loop3A_268, %parallel_loop3A_270 : vector<16xi32>
        %parallel_loop3A_272 = vector.broadcast %parallel_loop3A_85 : i32 to vector<16xi32>
        %parallel_loop3A_273 = arith.addi %parallel_loop3A_271, %parallel_loop3A_272 : vector<16xi32>
        %parallel_loop3A_274 = tpu.vector_load_idx %arg7[%parallel_loop3A_62, %parallel_loop3A_273] : memref<80x64xi32, #tpu.memory_space<vmem>>[vector<16xi32>, vector<16xi32>], vector<16xi32>,
        %parallel_loop3A_275 = tpu.vector_load_idx %arg8[%parallel_loop3A_62, %parallel_loop3A_273] : memref<80x64xi32, #tpu.memory_space<vmem>>[vector<16xi32>, vector<16xi32>], vector<16xi32>,
        %parallel_loop3A_276 = vector.bitcast %parallel_loop3A_274 : vector<16xi32> to vector<32xbf16>
        %parallel_loop3A_277 = vector.bitcast %parallel_loop3A_275 : vector<16xi32> to vector<32xbf16>
        %parallel_loop3A_278 = arith.subf %parallel_loop3A_276, %parallel_loop3A_277 : vector<32xbf16>
        %parallel_loop3A_279 = arith.mulf %parallel_loop3A_278, %parallel_loop3A_278 : vector<32xbf16>
        %parallel_loop3A_280 = tpu.unpack_subelements %parallel_loop3A_279, 0 {pack_format = #tpu.pack_format<interleaved>} : vector<32xbf16> -> vector<16xf32>
        %parallel_loop3A_281 = tpu.unpack_subelements %parallel_loop3A_279, 1 {pack_format = #tpu.pack_format<interleaved>} : vector<32xbf16> -> vector<16xf32>
        %parallel_loop3A_282 = arith.addf %parallel_loop3A_246, %parallel_loop3A_280 : vector<16xf32>
        %parallel_loop3A_283 = arith.addf %parallel_loop3A_247, %parallel_loop3A_281 : vector<16xf32>
        %parallel_loop3A_284 = arith.constant 11 : i32
        %parallel_loop3A_285 = vector.broadcast %parallel_loop3A_284 : i32 to vector<16xi32>
        %parallel_loop3A_286 = arith.addi %parallel_loop3A_63, %parallel_loop3A_285 : vector<16xi32>
        %parallel_loop3A_287 = arith.constant 15 : i32
        %parallel_loop3A_288 = vector.broadcast %parallel_loop3A_287 : i32 to vector<16xi32>
        %parallel_loop3A_289 = arith.andi %parallel_loop3A_286, %parallel_loop3A_288 : vector<16xi32>
        %parallel_loop3A_290 = vector.broadcast %parallel_loop3A_85 : i32 to vector<16xi32>
        %parallel_loop3A_291 = arith.addi %parallel_loop3A_289, %parallel_loop3A_290 : vector<16xi32>
        %parallel_loop3A_292 = tpu.vector_load_idx %arg7[%parallel_loop3A_62, %parallel_loop3A_291] : memref<80x64xi32, #tpu.memory_space<vmem>>[vector<16xi32>, vector<16xi32>], vector<16xi32>,
        %parallel_loop3A_293 = tpu.vector_load_idx %arg8[%parallel_loop3A_62, %parallel_loop3A_291] : memref<80x64xi32, #tpu.memory_space<vmem>>[vector<16xi32>, vector<16xi32>], vector<16xi32>,
        %parallel_loop3A_294 = vector.bitcast %parallel_loop3A_292 : vector<16xi32> to vector<32xbf16>
        %parallel_loop3A_295 = vector.bitcast %parallel_loop3A_293 : vector<16xi32> to vector<32xbf16>
        %parallel_loop3A_296 = arith.subf %parallel_loop3A_294, %parallel_loop3A_295 : vector<32xbf16>
        %parallel_loop3A_297 = arith.mulf %parallel_loop3A_296, %parallel_loop3A_296 : vector<32xbf16>
        %parallel_loop3A_298 = tpu.unpack_subelements %parallel_loop3A_297, 0 {pack_format = #tpu.pack_format<interleaved>} : vector<32xbf16> -> vector<16xf32>
        %parallel_loop3A_299 = tpu.unpack_subelements %parallel_loop3A_297, 1 {pack_format = #tpu.pack_format<interleaved>} : vector<32xbf16> -> vector<16xf32>
        %parallel_loop3A_300 = arith.addf %parallel_loop3A_264, %parallel_loop3A_298 : vector<16xf32>
        %parallel_loop3A_301 = arith.addf %parallel_loop3A_265, %parallel_loop3A_299 : vector<16xf32>
        %parallel_loop3A_302 = arith.constant 12 : i32
        %parallel_loop3A_303 = vector.broadcast %parallel_loop3A_302 : i32 to vector<16xi32>
        %parallel_loop3A_304 = arith.addi %parallel_loop3A_63, %parallel_loop3A_303 : vector<16xi32>
        %parallel_loop3A_305 = arith.constant 15 : i32
        %parallel_loop3A_306 = vector.broadcast %parallel_loop3A_305 : i32 to vector<16xi32>
        %parallel_loop3A_307 = arith.andi %parallel_loop3A_304, %parallel_loop3A_306 : vector<16xi32>
        %parallel_loop3A_308 = vector.broadcast %parallel_loop3A_85 : i32 to vector<16xi32>
        %parallel_loop3A_309 = arith.addi %parallel_loop3A_307, %parallel_loop3A_308 : vector<16xi32>
        %parallel_loop3A_310 = tpu.vector_load_idx %arg7[%parallel_loop3A_62, %parallel_loop3A_309] : memref<80x64xi32, #tpu.memory_space<vmem>>[vector<16xi32>, vector<16xi32>], vector<16xi32>,
        %parallel_loop3A_311 = tpu.vector_load_idx %arg8[%parallel_loop3A_62, %parallel_loop3A_309] : memref<80x64xi32, #tpu.memory_space<vmem>>[vector<16xi32>, vector<16xi32>], vector<16xi32>,
        %parallel_loop3A_312 = vector.bitcast %parallel_loop3A_310 : vector<16xi32> to vector<32xbf16>
        %parallel_loop3A_313 = vector.bitcast %parallel_loop3A_311 : vector<16xi32> to vector<32xbf16>
        %parallel_loop3A_314 = arith.subf %parallel_loop3A_312, %parallel_loop3A_313 : vector<32xbf16>
        %parallel_loop3A_315 = arith.mulf %parallel_loop3A_314, %parallel_loop3A_314 : vector<32xbf16>
        %parallel_loop3A_316 = tpu.unpack_subelements %parallel_loop3A_315, 0 {pack_format = #tpu.pack_format<interleaved>} : vector<32xbf16> -> vector<16xf32>
        %parallel_loop3A_317 = tpu.unpack_subelements %parallel_loop3A_315, 1 {pack_format = #tpu.pack_format<interleaved>} : vector<32xbf16> -> vector<16xf32>
        %parallel_loop3A_318 = arith.addf %parallel_loop3A_282, %parallel_loop3A_316 : vector<16xf32>
        %parallel_loop3A_319 = arith.addf %parallel_loop3A_283, %parallel_loop3A_317 : vector<16xf32>
        %parallel_loop3A_320 = arith.constant 13 : i32
        %parallel_loop3A_321 = vector.broadcast %parallel_loop3A_320 : i32 to vector<16xi32>
        %parallel_loop3A_322 = arith.addi %parallel_loop3A_63, %parallel_loop3A_321 : vector<16xi32>
        %parallel_loop3A_323 = arith.constant 15 : i32
        %parallel_loop3A_324 = vector.broadcast %parallel_loop3A_323 : i32 to vector<16xi32>
        %parallel_loop3A_325 = arith.andi %parallel_loop3A_322, %parallel_loop3A_324 : vector<16xi32>
        %parallel_loop3A_326 = vector.broadcast %parallel_loop3A_85 : i32 to vector<16xi32>
        %parallel_loop3A_327 = arith.addi %parallel_loop3A_325, %parallel_loop3A_326 : vector<16xi32>
        %parallel_loop3A_328 = tpu.vector_load_idx %arg7[%parallel_loop3A_62, %parallel_loop3A_327] : memref<80x64xi32, #tpu.memory_space<vmem>>[vector<16xi32>, vector<16xi32>], vector<16xi32>,
        %parallel_loop3A_329 = tpu.vector_load_idx %arg8[%parallel_loop3A_62, %parallel_loop3A_327] : memref<80x64xi32, #tpu.memory_space<vmem>>[vector<16xi32>, vector<16xi32>], vector<16xi32>,
        %parallel_loop3A_330 = vector.bitcast %parallel_loop3A_328 : vector<16xi32> to vector<32xbf16>
        %parallel_loop3A_331 = vector.bitcast %parallel_loop3A_329 : vector<16xi32> to vector<32xbf16>
        %parallel_loop3A_332 = arith.subf %parallel_loop3A_330, %parallel_loop3A_331 : vector<32xbf16>
        %parallel_loop3A_333 = arith.mulf %parallel_loop3A_332, %parallel_loop3A_332 : vector<32xbf16>
        %parallel_loop3A_334 = tpu.unpack_subelements %parallel_loop3A_333, 0 {pack_format = #tpu.pack_format<interleaved>} : vector<32xbf16> -> vector<16xf32>
        %parallel_loop3A_335 = tpu.unpack_subelements %parallel_loop3A_333, 1 {pack_format = #tpu.pack_format<interleaved>} : vector<32xbf16> -> vector<16xf32>
        %parallel_loop3A_336 = arith.addf %parallel_loop3A_300, %parallel_loop3A_334 : vector<16xf32>
        %parallel_loop3A_337 = arith.addf %parallel_loop3A_301, %parallel_loop3A_335 : vector<16xf32>
        %parallel_loop3A_338 = arith.constant 14 : i32
        %parallel_loop3A_339 = vector.broadcast %parallel_loop3A_338 : i32 to vector<16xi32>
        %parallel_loop3A_340 = arith.addi %parallel_loop3A_63, %parallel_loop3A_339 : vector<16xi32>
        %parallel_loop3A_341 = arith.constant 15 : i32
        %parallel_loop3A_342 = vector.broadcast %parallel_loop3A_341 : i32 to vector<16xi32>
        %parallel_loop3A_343 = arith.andi %parallel_loop3A_340, %parallel_loop3A_342 : vector<16xi32>
        %parallel_loop3A_344 = vector.broadcast %parallel_loop3A_85 : i32 to vector<16xi32>
        %parallel_loop3A_345 = arith.addi %parallel_loop3A_343, %parallel_loop3A_344 : vector<16xi32>
        %parallel_loop3A_346 = tpu.vector_load_idx %arg7[%parallel_loop3A_62, %parallel_loop3A_345] : memref<80x64xi32, #tpu.memory_space<vmem>>[vector<16xi32>, vector<16xi32>], vector<16xi32>,
        %parallel_loop3A_347 = tpu.vector_load_idx %arg8[%parallel_loop3A_62, %parallel_loop3A_345] : memref<80x64xi32, #tpu.memory_space<vmem>>[vector<16xi32>, vector<16xi32>], vector<16xi32>,
        %parallel_loop3A_348 = vector.bitcast %parallel_loop3A_346 : vector<16xi32> to vector<32xbf16>
        %parallel_loop3A_349 = vector.bitcast %parallel_loop3A_347 : vector<16xi32> to vector<32xbf16>
        %parallel_loop3A_350 = arith.subf %parallel_loop3A_348, %parallel_loop3A_349 : vector<32xbf16>
        %parallel_loop3A_351 = arith.mulf %parallel_loop3A_350, %parallel_loop3A_350 : vector<32xbf16>
        %parallel_loop3A_352 = tpu.unpack_subelements %parallel_loop3A_351, 0 {pack_format = #tpu.pack_format<interleaved>} : vector<32xbf16> -> vector<16xf32>
        %parallel_loop3A_353 = tpu.unpack_subelements %parallel_loop3A_351, 1 {pack_format = #tpu.pack_format<interleaved>} : vector<32xbf16> -> vector<16xf32>
        %parallel_loop3A_354 = arith.addf %parallel_loop3A_318, %parallel_loop3A_352 : vector<16xf32>
        %parallel_loop3A_355 = arith.addf %parallel_loop3A_319, %parallel_loop3A_353 : vector<16xf32>
        %parallel_loop3A_356 = arith.constant 15 : i32
        %parallel_loop3A_357 = vector.broadcast %parallel_loop3A_356 : i32 to vector<16xi32>
        %parallel_loop3A_358 = arith.addi %parallel_loop3A_63, %parallel_loop3A_357 : vector<16xi32>
        %parallel_loop3A_359 = arith.constant 15 : i32
        %parallel_loop3A_360 = vector.broadcast %parallel_loop3A_359 : i32 to vector<16xi32>
        %parallel_loop3A_361 = arith.andi %parallel_loop3A_358, %parallel_loop3A_360 : vector<16xi32>
        %parallel_loop3A_362 = vector.broadcast %parallel_loop3A_85 : i32 to vector<16xi32>
        %parallel_loop3A_363 = arith.addi %parallel_loop3A_361, %parallel_loop3A_362 : vector<16xi32>
        %parallel_loop3A_364 = tpu.vector_load_idx %arg7[%parallel_loop3A_62, %parallel_loop3A_363] : memref<80x64xi32, #tpu.memory_space<vmem>>[vector<16xi32>, vector<16xi32>], vector<16xi32>,
        %parallel_loop3A_365 = tpu.vector_load_idx %arg8[%parallel_loop3A_62, %parallel_loop3A_363] : memref<80x64xi32, #tpu.memory_space<vmem>>[vector<16xi32>, vector<16xi32>], vector<16xi32>,
        %parallel_loop3A_366 = vector.bitcast %parallel_loop3A_364 : vector<16xi32> to vector<32xbf16>
        %parallel_loop3A_367 = vector.bitcast %parallel_loop3A_365 : vector<16xi32> to vector<32xbf16>
        %parallel_loop3A_368 = arith.subf %parallel_loop3A_366, %parallel_loop3A_367 : vector<32xbf16>
        %parallel_loop3A_369 = arith.mulf %parallel_loop3A_368, %parallel_loop3A_368 : vector<32xbf16>
        %parallel_loop3A_370 = tpu.unpack_subelements %parallel_loop3A_369, 0 {pack_format = #tpu.pack_format<interleaved>} : vector<32xbf16> -> vector<16xf32>
        %parallel_loop3A_371 = tpu.unpack_subelements %parallel_loop3A_369, 1 {pack_format = #tpu.pack_format<interleaved>} : vector<32xbf16> -> vector<16xf32>
        %parallel_loop3A_372 = arith.addf %parallel_loop3A_336, %parallel_loop3A_370 : vector<16xf32>
        %parallel_loop3A_373 = arith.addf %parallel_loop3A_337, %parallel_loop3A_371 : vector<16xf32>
        scf.yield %parallel_loop3A_354, %parallel_loop3A_355, %parallel_loop3A_372, %parallel_loop3A_373 : vector<16xf32>, vector<16xf32>, vector<16xf32>, vector<16xf32>
      } {sc.loop_unroll_factor = 1 : i64, sc.parallel_access}
      %parallel_loop3A_70 = arith.addf %parallel_loop3A_69#0, %parallel_loop3A_69#1 : vector<16xf32>
      %parallel_loop3A_71 = arith.addf %parallel_loop3A_69#2, %parallel_loop3A_69#3 : vector<16xf32>
      %parallel_loop3A_72 = arith.addf %parallel_loop3A_70, %parallel_loop3A_71 : vector<16xf32>
      %parallel_loop3A_73 = arith.constant 16 : i32
      %parallel_loop3A_74 = arith.muli %parallel_loop3A_57, %parallel_loop3A_73 : i32
      %parallel_loop3A_75 = arith.constant 9840 : i32
      %parallel_loop3A_76 = arith.addi %parallel_loop3A_75, %parallel_loop3A_74 : i32
      %parallel_loop3A_77 = arith.index_cast %parallel_loop3A_76 : i32 to index
      %parallel_loop3A_78 = tpu.vector_load %arg13[%parallel_loop3A_77] {strides = array<i32>} : memref<10000xf32, #tpu.memory_space<vmem>>, vector<16xf32>,
      tpu.vector_store %arg13[%parallel_loop3A_77], %parallel_loop3A_72 {strides = array<i32>} : memref<10000xf32, #tpu.memory_space<vmem>>, vector<16xf32>,
    } {sc.loop_unroll_factor = 1 : i64, sc.parallel_access}
    %dma_wait3A_42 = arith.constant 9920 : i32
    %dma_wait3A_43 = tpu.memref_slice %arg5[%dma_wait3A_42] : memref<10000xi32, #tpu.memory_space<vmem>> -> memref<80xi32, #tpu.memory_space<vmem>>
    %dma_wait3A_44 = arith.constant 0 : i32
    %dma_wait3A_45 = arith.constant 0 : i32
    %dma_wait3A_46 = tpu.memref_slice %arg2[%dma_wait3A_44, %dma_wait3A_45] : memref<10000x64xi32, #tpu.memory_space<hbm>> -> memref<10000x64xi32, #tpu.memory_space<hbm>>
    tpu.wait_indirect_dma semaphore(%arg16 : memref<!tpu.dma_semaphore, #tpu.memory_space<semaphore_mem>>) src(%dma_wait3A_46 : memref<10000x64xi32, #tpu.memory_space<hbm>>) dst(%arg9 : memref<80x64xi32, #tpu.memory_space<vmem>>)
    %dma_wait3A_47 = arith.constant 9920 : i32
    %dma_wait3A_48 = tpu.memref_slice %arg6[%dma_wait3A_47] : memref<10000xi32, #tpu.memory_space<vmem>> -> memref<80xi32, #tpu.memory_space<vmem>>
    %dma_wait3A_49 = arith.constant 0 : i32
    %dma_wait3A_50 = arith.constant 0 : i32
    %dma_wait3A_51 = tpu.memref_slice %arg2[%dma_wait3A_49, %dma_wait3A_50] : memref<10000x64xi32, #tpu.memory_space<hbm>> -> memref<10000x64xi32, #tpu.memory_space<hbm>>
    tpu.wait_indirect_dma semaphore(%arg17 : memref<!tpu.dma_semaphore, #tpu.memory_space<semaphore_mem>>) src(%dma_wait3A_51 : memref<10000x64xi32, #tpu.memory_space<hbm>>) dst(%arg10 : memref<80x64xi32, #tpu.memory_space<vmem>>)
    %parallel_loop3A_52 = arith.constant 0 : i32
    %parallel_loop3A_53 = arith.constant 5 : i32
    %parallel_loop3A_54 = arith.constant 1 : i32
    scf.for %parallel_loop3A_57 = %parallel_loop3A_52 to %parallel_loop3A_53 step %parallel_loop3A_54  : i32 {
      %parallel_loop3A_58 = tpu.iota {dimensions = array<i32: 0>} : vector<16xi32>
      %parallel_loop3A_59 = arith.constant 16 : i32
      %parallel_loop3A_60 = arith.muli %parallel_loop3A_57, %parallel_loop3A_59 : i32
      %parallel_loop3A_61 = vector.broadcast %parallel_loop3A_60 : i32 to vector<16xi32>
      %parallel_loop3A_62 = arith.addi %parallel_loop3A_58, %parallel_loop3A_61 : vector<16xi32>
      %parallel_loop3A_63 = tpu.iota {dimensions = array<i32: 0>} : vector<16xi32>
      %parallel_loop3A_64 = arith.constant 0.000000e+00 : f32
      %parallel_loop3A_65 = vector.broadcast %parallel_loop3A_64 : f32 to vector<16xf32>
      %parallel_loop3A_66 = arith.constant 0 : i32
      %parallel_loop3A_67 = arith.constant 4 : i32
      %parallel_loop3A_68 = arith.constant 1 : i32
      %parallel_loop3A_69:4 = scf.for %parallel_loop3A_79 = %parallel_loop3A_66 to %parallel_loop3A_67 step %parallel_loop3A_68 iter_args(%parallel_loop3A_80 = %parallel_loop3A_65, %parallel_loop3A_81 = %parallel_loop3A_65, %parallel_loop3A_82 = %parallel_loop3A_65, %parallel_loop3A_83 = %parallel_loop3A_65) -> (vector<16xf32>, vector<16xf32>, vector<16xf32>, vector<16xf32>)  : i32 {
        %parallel_loop3A_84 = arith.constant 16 : i32
        %parallel_loop3A_85 = arith.muli %parallel_loop3A_79, %parallel_loop3A_84 : i32
        %parallel_loop3A_86 = arith.constant 0 : i32
        %parallel_loop3A_87 = vector.broadcast %parallel_loop3A_86 : i32 to vector<16xi32>
        %parallel_loop3A_88 = arith.addi %parallel_loop3A_63, %parallel_loop3A_87 : vector<16xi32>
        %parallel_loop3A_89 = arith.constant 15 : i32
        %parallel_loop3A_90 = vector.broadcast %parallel_loop3A_89 : i32 to vector<16xi32>
        %parallel_loop3A_91 = arith.andi %parallel_loop3A_88, %parallel_loop3A_90 : vector<16xi32>
        %parallel_loop3A_92 = vector.broadcast %parallel_loop3A_85 : i32 to vector<16xi32>
        %parallel_loop3A_93 = arith.addi %parallel_loop3A_91, %parallel_loop3A_92 : vector<16xi32>
        %parallel_loop3A_94 = tpu.vector_load_idx %arg9[%parallel_loop3A_62, %parallel_loop3A_93] : memref<80x64xi32, #tpu.memory_space<vmem>>[vector<16xi32>, vector<16xi32>], vector<16xi32>,
        %parallel_loop3A_95 = tpu.vector_load_idx %arg10[%parallel_loop3A_62, %parallel_loop3A_93] : memref<80x64xi32, #tpu.memory_space<vmem>>[vector<16xi32>, vector<16xi32>], vector<16xi32>,
        %parallel_loop3A_96 = vector.bitcast %parallel_loop3A_94 : vector<16xi32> to vector<32xbf16>
        %parallel_loop3A_97 = vector.bitcast %parallel_loop3A_95 : vector<16xi32> to vector<32xbf16>
        %parallel_loop3A_98 = arith.subf %parallel_loop3A_96, %parallel_loop3A_97 : vector<32xbf16>
        %parallel_loop3A_99 = arith.mulf %parallel_loop3A_98, %parallel_loop3A_98 : vector<32xbf16>
        %parallel_loop3A_100 = tpu.unpack_subelements %parallel_loop3A_99, 0 {pack_format = #tpu.pack_format<interleaved>} : vector<32xbf16> -> vector<16xf32>
        %parallel_loop3A_101 = tpu.unpack_subelements %parallel_loop3A_99, 1 {pack_format = #tpu.pack_format<interleaved>} : vector<32xbf16> -> vector<16xf32>
        %parallel_loop3A_102 = arith.addf %parallel_loop3A_80, %parallel_loop3A_100 : vector<16xf32>
        %parallel_loop3A_103 = arith.addf %parallel_loop3A_81, %parallel_loop3A_101 : vector<16xf32>
        %parallel_loop3A_104 = arith.constant 1 : i32
        %parallel_loop3A_105 = vector.broadcast %parallel_loop3A_104 : i32 to vector<16xi32>
        %parallel_loop3A_106 = arith.addi %parallel_loop3A_63, %parallel_loop3A_105 : vector<16xi32>
        %parallel_loop3A_107 = arith.constant 15 : i32
        %parallel_loop3A_108 = vector.broadcast %parallel_loop3A_107 : i32 to vector<16xi32>
        %parallel_loop3A_109 = arith.andi %parallel_loop3A_106, %parallel_loop3A_108 : vector<16xi32>
        %parallel_loop3A_110 = vector.broadcast %parallel_loop3A_85 : i32 to vector<16xi32>
        %parallel_loop3A_111 = arith.addi %parallel_loop3A_109, %parallel_loop3A_110 : vector<16xi32>
        %parallel_loop3A_112 = tpu.vector_load_idx %arg9[%parallel_loop3A_62, %parallel_loop3A_111] : memref<80x64xi32, #tpu.memory_space<vmem>>[vector<16xi32>, vector<16xi32>], vector<16xi32>,
        %parallel_loop3A_113 = tpu.vector_load_idx %arg10[%parallel_loop3A_62, %parallel_loop3A_111] : memref<80x64xi32, #tpu.memory_space<vmem>>[vector<16xi32>, vector<16xi32>], vector<16xi32>,
        %parallel_loop3A_114 = vector.bitcast %parallel_loop3A_112 : vector<16xi32> to vector<32xbf16>
        %parallel_loop3A_115 = vector.bitcast %parallel_loop3A_113 : vector<16xi32> to vector<32xbf16>
        %parallel_loop3A_116 = arith.subf %parallel_loop3A_114, %parallel_loop3A_115 : vector<32xbf16>
        %parallel_loop3A_117 = arith.mulf %parallel_loop3A_116, %parallel_loop3A_116 : vector<32xbf16>
        %parallel_loop3A_118 = tpu.unpack_subelements %parallel_loop3A_117, 0 {pack_format = #tpu.pack_format<interleaved>} : vector<32xbf16> -> vector<16xf32>
        %parallel_loop3A_119 = tpu.unpack_subelements %parallel_loop3A_117, 1 {pack_format = #tpu.pack_format<interleaved>} : vector<32xbf16> -> vector<16xf32>
        %parallel_loop3A_120 = arith.addf %parallel_loop3A_82, %parallel_loop3A_118 : vector<16xf32>
        %parallel_loop3A_121 = arith.addf %parallel_loop3A_83, %parallel_loop3A_119 : vector<16xf32>
        %parallel_loop3A_122 = arith.constant 2 : i32
        %parallel_loop3A_123 = vector.broadcast %parallel_loop3A_122 : i32 to vector<16xi32>
        %parallel_loop3A_124 = arith.addi %parallel_loop3A_63, %parallel_loop3A_123 : vector<16xi32>
        %parallel_loop3A_125 = arith.constant 15 : i32
        %parallel_loop3A_126 = vector.broadcast %parallel_loop3A_125 : i32 to vector<16xi32>
        %parallel_loop3A_127 = arith.andi %parallel_loop3A_124, %parallel_loop3A_126 : vector<16xi32>
        %parallel_loop3A_128 = vector.broadcast %parallel_loop3A_85 : i32 to vector<16xi32>
        %parallel_loop3A_129 = arith.addi %parallel_loop3A_127, %parallel_loop3A_128 : vector<16xi32>
        %parallel_loop3A_130 = tpu.vector_load_idx %arg9[%parallel_loop3A_62, %parallel_loop3A_129] : memref<80x64xi32, #tpu.memory_space<vmem>>[vector<16xi32>, vector<16xi32>], vector<16xi32>,
        %parallel_loop3A_131 = tpu.vector_load_idx %arg10[%parallel_loop3A_62, %parallel_loop3A_129] : memref<80x64xi32, #tpu.memory_space<vmem>>[vector<16xi32>, vector<16xi32>], vector<16xi32>,
        %parallel_loop3A_132 = vector.bitcast %parallel_loop3A_130 : vector<16xi32> to vector<32xbf16>
        %parallel_loop3A_133 = vector.bitcast %parallel_loop3A_131 : vector<16xi32> to vector<32xbf16>
        %parallel_loop3A_134 = arith.subf %parallel_loop3A_132, %parallel_loop3A_133 : vector<32xbf16>
        %parallel_loop3A_135 = arith.mulf %parallel_loop3A_134, %parallel_loop3A_134 : vector<32xbf16>
        %parallel_loop3A_136 = tpu.unpack_subelements %parallel_loop3A_135, 0 {pack_format = #tpu.pack_format<interleaved>} : vector<32xbf16> -> vector<16xf32>
        %parallel_loop3A_137 = tpu.unpack_subelements %parallel_loop3A_135, 1 {pack_format = #tpu.pack_format<interleaved>} : vector<32xbf16> -> vector<16xf32>
        %parallel_loop3A_138 = arith.addf %parallel_loop3A_102, %parallel_loop3A_136 : vector<16xf32>
        %parallel_loop3A_139 = arith.addf %parallel_loop3A_103, %parallel_loop3A_137 : vector<16xf32>
        %parallel_loop3A_140 = arith.constant 3 : i32
        %parallel_loop3A_141 = vector.broadcast %parallel_loop3A_140 : i32 to vector<16xi32>
        %parallel_loop3A_142 = arith.addi %parallel_loop3A_63, %parallel_loop3A_141 : vector<16xi32>
        %parallel_loop3A_143 = arith.constant 15 : i32
        %parallel_loop3A_144 = vector.broadcast %parallel_loop3A_143 : i32 to vector<16xi32>
        %parallel_loop3A_145 = arith.andi %parallel_loop3A_142, %parallel_loop3A_144 : vector<16xi32>
        %parallel_loop3A_146 = vector.broadcast %parallel_loop3A_85 : i32 to vector<16xi32>
        %parallel_loop3A_147 = arith.addi %parallel_loop3A_145, %parallel_loop3A_146 : vector<16xi32>
        %parallel_loop3A_148 = tpu.vector_load_idx %arg9[%parallel_loop3A_62, %parallel_loop3A_147] : memref<80x64xi32, #tpu.memory_space<vmem>>[vector<16xi32>, vector<16xi32>], vector<16xi32>,
        %parallel_loop3A_149 = tpu.vector_load_idx %arg10[%parallel_loop3A_62, %parallel_loop3A_147] : memref<80x64xi32, #tpu.memory_space<vmem>>[vector<16xi32>, vector<16xi32>], vector<16xi32>,
        %parallel_loop3A_150 = vector.bitcast %parallel_loop3A_148 : vector<16xi32> to vector<32xbf16>
        %parallel_loop3A_151 = vector.bitcast %parallel_loop3A_149 : vector<16xi32> to vector<32xbf16>
        %parallel_loop3A_152 = arith.subf %parallel_loop3A_150, %parallel_loop3A_151 : vector<32xbf16>
        %parallel_loop3A_153 = arith.mulf %parallel_loop3A_152, %parallel_loop3A_152 : vector<32xbf16>
        %parallel_loop3A_154 = tpu.unpack_subelements %parallel_loop3A_153, 0 {pack_format = #tpu.pack_format<interleaved>} : vector<32xbf16> -> vector<16xf32>
        %parallel_loop3A_155 = tpu.unpack_subelements %parallel_loop3A_153, 1 {pack_format = #tpu.pack_format<interleaved>} : vector<32xbf16> -> vector<16xf32>
        %parallel_loop3A_156 = arith.addf %parallel_loop3A_120, %parallel_loop3A_154 : vector<16xf32>
        %parallel_loop3A_157 = arith.addf %parallel_loop3A_121, %parallel_loop3A_155 : vector<16xf32>
        %parallel_loop3A_158 = arith.constant 4 : i32
        %parallel_loop3A_159 = vector.broadcast %parallel_loop3A_158 : i32 to vector<16xi32>
        %parallel_loop3A_160 = arith.addi %parallel_loop3A_63, %parallel_loop3A_159 : vector<16xi32>
        %parallel_loop3A_161 = arith.constant 15 : i32
        %parallel_loop3A_162 = vector.broadcast %parallel_loop3A_161 : i32 to vector<16xi32>
        %parallel_loop3A_163 = arith.andi %parallel_loop3A_160, %parallel_loop3A_162 : vector<16xi32>
        %parallel_loop3A_164 = vector.broadcast %parallel_loop3A_85 : i32 to vector<16xi32>
        %parallel_loop3A_165 = arith.addi %parallel_loop3A_163, %parallel_loop3A_164 : vector<16xi32>
        %parallel_loop3A_166 = tpu.vector_load_idx %arg9[%parallel_loop3A_62, %parallel_loop3A_165] : memref<80x64xi32, #tpu.memory_space<vmem>>[vector<16xi32>, vector<16xi32>], vector<16xi32>,
        %parallel_loop3A_167 = tpu.vector_load_idx %arg10[%parallel_loop3A_62, %parallel_loop3A_165] : memref<80x64xi32, #tpu.memory_space<vmem>>[vector<16xi32>, vector<16xi32>], vector<16xi32>,
        %parallel_loop3A_168 = vector.bitcast %parallel_loop3A_166 : vector<16xi32> to vector<32xbf16>
        %parallel_loop3A_169 = vector.bitcast %parallel_loop3A_167 : vector<16xi32> to vector<32xbf16>
        %parallel_loop3A_170 = arith.subf %parallel_loop3A_168, %parallel_loop3A_169 : vector<32xbf16>
        %parallel_loop3A_171 = arith.mulf %parallel_loop3A_170, %parallel_loop3A_170 : vector<32xbf16>
        %parallel_loop3A_172 = tpu.unpack_subelements %parallel_loop3A_171, 0 {pack_format = #tpu.pack_format<interleaved>} : vector<32xbf16> -> vector<16xf32>
        %parallel_loop3A_173 = tpu.unpack_subelements %parallel_loop3A_171, 1 {pack_format = #tpu.pack_format<interleaved>} : vector<32xbf16> -> vector<16xf32>
        %parallel_loop3A_174 = arith.addf %parallel_loop3A_138, %parallel_loop3A_172 : vector<16xf32>
        %parallel_loop3A_175 = arith.addf %parallel_loop3A_139, %parallel_loop3A_173 : vector<16xf32>
        %parallel_loop3A_176 = arith.constant 5 : i32
        %parallel_loop3A_177 = vector.broadcast %parallel_loop3A_176 : i32 to vector<16xi32>
        %parallel_loop3A_178 = arith.addi %parallel_loop3A_63, %parallel_loop3A_177 : vector<16xi32>
        %parallel_loop3A_179 = arith.constant 15 : i32
        %parallel_loop3A_180 = vector.broadcast %parallel_loop3A_179 : i32 to vector<16xi32>
        %parallel_loop3A_181 = arith.andi %parallel_loop3A_178, %parallel_loop3A_180 : vector<16xi32>
        %parallel_loop3A_182 = vector.broadcast %parallel_loop3A_85 : i32 to vector<16xi32>
        %parallel_loop3A_183 = arith.addi %parallel_loop3A_181, %parallel_loop3A_182 : vector<16xi32>
        %parallel_loop3A_184 = tpu.vector_load_idx %arg9[%parallel_loop3A_62, %parallel_loop3A_183] : memref<80x64xi32, #tpu.memory_space<vmem>>[vector<16xi32>, vector<16xi32>], vector<16xi32>,
        %parallel_loop3A_185 = tpu.vector_load_idx %arg10[%parallel_loop3A_62, %parallel_loop3A_183] : memref<80x64xi32, #tpu.memory_space<vmem>>[vector<16xi32>, vector<16xi32>], vector<16xi32>,
        %parallel_loop3A_186 = vector.bitcast %parallel_loop3A_184 : vector<16xi32> to vector<32xbf16>
        %parallel_loop3A_187 = vector.bitcast %parallel_loop3A_185 : vector<16xi32> to vector<32xbf16>
        %parallel_loop3A_188 = arith.subf %parallel_loop3A_186, %parallel_loop3A_187 : vector<32xbf16>
        %parallel_loop3A_189 = arith.mulf %parallel_loop3A_188, %parallel_loop3A_188 : vector<32xbf16>
        %parallel_loop3A_190 = tpu.unpack_subelements %parallel_loop3A_189, 0 {pack_format = #tpu.pack_format<interleaved>} : vector<32xbf16> -> vector<16xf32>
        %parallel_loop3A_191 = tpu.unpack_subelements %parallel_loop3A_189, 1 {pack_format = #tpu.pack_format<interleaved>} : vector<32xbf16> -> vector<16xf32>
        %parallel_loop3A_192 = arith.addf %parallel_loop3A_156, %parallel_loop3A_190 : vector<16xf32>
        %parallel_loop3A_193 = arith.addf %parallel_loop3A_157, %parallel_loop3A_191 : vector<16xf32>
        %parallel_loop3A_194 = arith.constant 6 : i32
        %parallel_loop3A_195 = vector.broadcast %parallel_loop3A_194 : i32 to vector<16xi32>
        %parallel_loop3A_196 = arith.addi %parallel_loop3A_63, %parallel_loop3A_195 : vector<16xi32>
        %parallel_loop3A_197 = arith.constant 15 : i32
        %parallel_loop3A_198 = vector.broadcast %parallel_loop3A_197 : i32 to vector<16xi32>
        %parallel_loop3A_199 = arith.andi %parallel_loop3A_196, %parallel_loop3A_198 : vector<16xi32>
        %parallel_loop3A_200 = vector.broadcast %parallel_loop3A_85 : i32 to vector<16xi32>
        %parallel_loop3A_201 = arith.addi %parallel_loop3A_199, %parallel_loop3A_200 : vector<16xi32>
        %parallel_loop3A_202 = tpu.vector_load_idx %arg9[%parallel_loop3A_62, %parallel_loop3A_201] : memref<80x64xi32, #tpu.memory_space<vmem>>[vector<16xi32>, vector<16xi32>], vector<16xi32>,
        %parallel_loop3A_203 = tpu.vector_load_idx %arg10[%parallel_loop3A_62, %parallel_loop3A_201] : memref<80x64xi32, #tpu.memory_space<vmem>>[vector<16xi32>, vector<16xi32>], vector<16xi32>,
        %parallel_loop3A_204 = vector.bitcast %parallel_loop3A_202 : vector<16xi32> to vector<32xbf16>
        %parallel_loop3A_205 = vector.bitcast %parallel_loop3A_203 : vector<16xi32> to vector<32xbf16>
        %parallel_loop3A_206 = arith.subf %parallel_loop3A_204, %parallel_loop3A_205 : vector<32xbf16>
        %parallel_loop3A_207 = arith.mulf %parallel_loop3A_206, %parallel_loop3A_206 : vector<32xbf16>
        %parallel_loop3A_208 = tpu.unpack_subelements %parallel_loop3A_207, 0 {pack_format = #tpu.pack_format<interleaved>} : vector<32xbf16> -> vector<16xf32>
        %parallel_loop3A_209 = tpu.unpack_subelements %parallel_loop3A_207, 1 {pack_format = #tpu.pack_format<interleaved>} : vector<32xbf16> -> vector<16xf32>
        %parallel_loop3A_210 = arith.addf %parallel_loop3A_174, %parallel_loop3A_208 : vector<16xf32>
        %parallel_loop3A_211 = arith.addf %parallel_loop3A_175, %parallel_loop3A_209 : vector<16xf32>
        %parallel_loop3A_212 = arith.constant 7 : i32
        %parallel_loop3A_213 = vector.broadcast %parallel_loop3A_212 : i32 to vector<16xi32>
        %parallel_loop3A_214 = arith.addi %parallel_loop3A_63, %parallel_loop3A_213 : vector<16xi32>
        %parallel_loop3A_215 = arith.constant 15 : i32
        %parallel_loop3A_216 = vector.broadcast %parallel_loop3A_215 : i32 to vector<16xi32>
        %parallel_loop3A_217 = arith.andi %parallel_loop3A_214, %parallel_loop3A_216 : vector<16xi32>
        %parallel_loop3A_218 = vector.broadcast %parallel_loop3A_85 : i32 to vector<16xi32>
        %parallel_loop3A_219 = arith.addi %parallel_loop3A_217, %parallel_loop3A_218 : vector<16xi32>
        %parallel_loop3A_220 = tpu.vector_load_idx %arg9[%parallel_loop3A_62, %parallel_loop3A_219] : memref<80x64xi32, #tpu.memory_space<vmem>>[vector<16xi32>, vector<16xi32>], vector<16xi32>,
        %parallel_loop3A_221 = tpu.vector_load_idx %arg10[%parallel_loop3A_62, %parallel_loop3A_219] : memref<80x64xi32, #tpu.memory_space<vmem>>[vector<16xi32>, vector<16xi32>], vector<16xi32>,
        %parallel_loop3A_222 = vector.bitcast %parallel_loop3A_220 : vector<16xi32> to vector<32xbf16>
        %parallel_loop3A_223 = vector.bitcast %parallel_loop3A_221 : vector<16xi32> to vector<32xbf16>
        %parallel_loop3A_224 = arith.subf %parallel_loop3A_222, %parallel_loop3A_223 : vector<32xbf16>
        %parallel_loop3A_225 = arith.mulf %parallel_loop3A_224, %parallel_loop3A_224 : vector<32xbf16>
        %parallel_loop3A_226 = tpu.unpack_subelements %parallel_loop3A_225, 0 {pack_format = #tpu.pack_format<interleaved>} : vector<32xbf16> -> vector<16xf32>
        %parallel_loop3A_227 = tpu.unpack_subelements %parallel_loop3A_225, 1 {pack_format = #tpu.pack_format<interleaved>} : vector<32xbf16> -> vector<16xf32>
        %parallel_loop3A_228 = arith.addf %parallel_loop3A_192, %parallel_loop3A_226 : vector<16xf32>
        %parallel_loop3A_229 = arith.addf %parallel_loop3A_193, %parallel_loop3A_227 : vector<16xf32>
        %parallel_loop3A_230 = arith.constant 8 : i32
        %parallel_loop3A_231 = vector.broadcast %parallel_loop3A_230 : i32 to vector<16xi32>
        %parallel_loop3A_232 = arith.addi %parallel_loop3A_63, %parallel_loop3A_231 : vector<16xi32>
        %parallel_loop3A_233 = arith.constant 15 : i32
        %parallel_loop3A_234 = vector.broadcast %parallel_loop3A_233 : i32 to vector<16xi32>
        %parallel_loop3A_235 = arith.andi %parallel_loop3A_232, %parallel_loop3A_234 : vector<16xi32>
        %parallel_loop3A_236 = vector.broadcast %parallel_loop3A_85 : i32 to vector<16xi32>
        %parallel_loop3A_237 = arith.addi %parallel_loop3A_235, %parallel_loop3A_236 : vector<16xi32>
        %parallel_loop3A_238 = tpu.vector_load_idx %arg9[%parallel_loop3A_62, %parallel_loop3A_237] : memref<80x64xi32, #tpu.memory_space<vmem>>[vector<16xi32>, vector<16xi32>], vector<16xi32>,
        %parallel_loop3A_239 = tpu.vector_load_idx %arg10[%parallel_loop3A_62, %parallel_loop3A_237] : memref<80x64xi32, #tpu.memory_space<vmem>>[vector<16xi32>, vector<16xi32>], vector<16xi32>,
        %parallel_loop3A_240 = vector.bitcast %parallel_loop3A_238 : vector<16xi32> to vector<32xbf16>
        %parallel_loop3A_241 = vector.bitcast %parallel_loop3A_239 : vector<16xi32> to vector<32xbf16>
        %parallel_loop3A_242 = arith.subf %parallel_loop3A_240, %parallel_loop3A_241 : vector<32xbf16>
        %parallel_loop3A_243 = arith.mulf %parallel_loop3A_242, %parallel_loop3A_242 : vector<32xbf16>
        %parallel_loop3A_244 = tpu.unpack_subelements %parallel_loop3A_243, 0 {pack_format = #tpu.pack_format<interleaved>} : vector<32xbf16> -> vector<16xf32>
        %parallel_loop3A_245 = tpu.unpack_subelements %parallel_loop3A_243, 1 {pack_format = #tpu.pack_format<interleaved>} : vector<32xbf16> -> vector<16xf32>
        %parallel_loop3A_246 = arith.addf %parallel_loop3A_210, %parallel_loop3A_244 : vector<16xf32>
        %parallel_loop3A_247 = arith.addf %parallel_loop3A_211, %parallel_loop3A_245 : vector<16xf32>
        %parallel_loop3A_248 = arith.constant 9 : i32
        %parallel_loop3A_249 = vector.broadcast %parallel_loop3A_248 : i32 to vector<16xi32>
        %parallel_loop3A_250 = arith.addi %parallel_loop3A_63, %parallel_loop3A_249 : vector<16xi32>
        %parallel_loop3A_251 = arith.constant 15 : i32
        %parallel_loop3A_252 = vector.broadcast %parallel_loop3A_251 : i32 to vector<16xi32>
        %parallel_loop3A_253 = arith.andi %parallel_loop3A_250, %parallel_loop3A_252 : vector<16xi32>
        %parallel_loop3A_254 = vector.broadcast %parallel_loop3A_85 : i32 to vector<16xi32>
        %parallel_loop3A_255 = arith.addi %parallel_loop3A_253, %parallel_loop3A_254 : vector<16xi32>
        %parallel_loop3A_256 = tpu.vector_load_idx %arg9[%parallel_loop3A_62, %parallel_loop3A_255] : memref<80x64xi32, #tpu.memory_space<vmem>>[vector<16xi32>, vector<16xi32>], vector<16xi32>,
        %parallel_loop3A_257 = tpu.vector_load_idx %arg10[%parallel_loop3A_62, %parallel_loop3A_255] : memref<80x64xi32, #tpu.memory_space<vmem>>[vector<16xi32>, vector<16xi32>], vector<16xi32>,
        %parallel_loop3A_258 = vector.bitcast %parallel_loop3A_256 : vector<16xi32> to vector<32xbf16>
        %parallel_loop3A_259 = vector.bitcast %parallel_loop3A_257 : vector<16xi32> to vector<32xbf16>
        %parallel_loop3A_260 = arith.subf %parallel_loop3A_258, %parallel_loop3A_259 : vector<32xbf16>
        %parallel_loop3A_261 = arith.mulf %parallel_loop3A_260, %parallel_loop3A_260 : vector<32xbf16>
        %parallel_loop3A_262 = tpu.unpack_subelements %parallel_loop3A_261, 0 {pack_format = #tpu.pack_format<interleaved>} : vector<32xbf16> -> vector<16xf32>
        %parallel_loop3A_263 = tpu.unpack_subelements %parallel_loop3A_261, 1 {pack_format = #tpu.pack_format<interleaved>} : vector<32xbf16> -> vector<16xf32>
        %parallel_loop3A_264 = arith.addf %parallel_loop3A_228, %parallel_loop3A_262 : vector<16xf32>
        %parallel_loop3A_265 = arith.addf %parallel_loop3A_229, %parallel_loop3A_263 : vector<16xf32>
        %parallel_loop3A_266 = arith.constant 10 : i32
        %parallel_loop3A_267 = vector.broadcast %parallel_loop3A_266 : i32 to vector<16xi32>
        %parallel_loop3A_268 = arith.addi %parallel_loop3A_63, %parallel_loop3A_267 : vector<16xi32>
        %parallel_loop3A_269 = arith.constant 15 : i32
        %parallel_loop3A_270 = vector.broadcast %parallel_loop3A_269 : i32 to vector<16xi32>
        %parallel_loop3A_271 = arith.andi %parallel_loop3A_268, %parallel_loop3A_270 : vector<16xi32>
        %parallel_loop3A_272 = vector.broadcast %parallel_loop3A_85 : i32 to vector<16xi32>
        %parallel_loop3A_273 = arith.addi %parallel_loop3A_271, %parallel_loop3A_272 : vector<16xi32>
        %parallel_loop3A_274 = tpu.vector_load_idx %arg9[%parallel_loop3A_62, %parallel_loop3A_273] : memref<80x64xi32, #tpu.memory_space<vmem>>[vector<16xi32>, vector<16xi32>], vector<16xi32>,
        %parallel_loop3A_275 = tpu.vector_load_idx %arg10[%parallel_loop3A_62, %parallel_loop3A_273] : memref<80x64xi32, #tpu.memory_space<vmem>>[vector<16xi32>, vector<16xi32>], vector<16xi32>,
        %parallel_loop3A_276 = vector.bitcast %parallel_loop3A_274 : vector<16xi32> to vector<32xbf16>
        %parallel_loop3A_277 = vector.bitcast %parallel_loop3A_275 : vector<16xi32> to vector<32xbf16>
        %parallel_loop3A_278 = arith.subf %parallel_loop3A_276, %parallel_loop3A_277 : vector<32xbf16>
        %parallel_loop3A_279 = arith.mulf %parallel_loop3A_278, %parallel_loop3A_278 : vector<32xbf16>
        %parallel_loop3A_280 = tpu.unpack_subelements %parallel_loop3A_279, 0 {pack_format = #tpu.pack_format<interleaved>} : vector<32xbf16> -> vector<16xf32>
        %parallel_loop3A_281 = tpu.unpack_subelements %parallel_loop3A_279, 1 {pack_format = #tpu.pack_format<interleaved>} : vector<32xbf16> -> vector<16xf32>
        %parallel_loop3A_282 = arith.addf %parallel_loop3A_246, %parallel_loop3A_280 : vector<16xf32>
        %parallel_loop3A_283 = arith.addf %parallel_loop3A_247, %parallel_loop3A_281 : vector<16xf32>
        %parallel_loop3A_284 = arith.constant 11 : i32
        %parallel_loop3A_285 = vector.broadcast %parallel_loop3A_284 : i32 to vector<16xi32>
        %parallel_loop3A_286 = arith.addi %parallel_loop3A_63, %parallel_loop3A_285 : vector<16xi32>
        %parallel_loop3A_287 = arith.constant 15 : i32
        %parallel_loop3A_288 = vector.broadcast %parallel_loop3A_287 : i32 to vector<16xi32>
        %parallel_loop3A_289 = arith.andi %parallel_loop3A_286, %parallel_loop3A_288 : vector<16xi32>
        %parallel_loop3A_290 = vector.broadcast %parallel_loop3A_85 : i32 to vector<16xi32>
        %parallel_loop3A_291 = arith.addi %parallel_loop3A_289, %parallel_loop3A_290 : vector<16xi32>
        %parallel_loop3A_292 = tpu.vector_load_idx %arg9[%parallel_loop3A_62, %parallel_loop3A_291] : memref<80x64xi32, #tpu.memory_space<vmem>>[vector<16xi32>, vector<16xi32>], vector<16xi32>,
        %parallel_loop3A_293 = tpu.vector_load_idx %arg10[%parallel_loop3A_62, %parallel_loop3A_291] : memref<80x64xi32, #tpu.memory_space<vmem>>[vector<16xi32>, vector<16xi32>], vector<16xi32>,
        %parallel_loop3A_294 = vector.bitcast %parallel_loop3A_292 : vector<16xi32> to vector<32xbf16>
        %parallel_loop3A_295 = vector.bitcast %parallel_loop3A_293 : vector<16xi32> to vector<32xbf16>
        %parallel_loop3A_296 = arith.subf %parallel_loop3A_294, %parallel_loop3A_295 : vector<32xbf16>
        %parallel_loop3A_297 = arith.mulf %parallel_loop3A_296, %parallel_loop3A_296 : vector<32xbf16>
        %parallel_loop3A_298 = tpu.unpack_subelements %parallel_loop3A_297, 0 {pack_format = #tpu.pack_format<interleaved>} : vector<32xbf16> -> vector<16xf32>
        %parallel_loop3A_299 = tpu.unpack_subelements %parallel_loop3A_297, 1 {pack_format = #tpu.pack_format<interleaved>} : vector<32xbf16> -> vector<16xf32>
        %parallel_loop3A_300 = arith.addf %parallel_loop3A_264, %parallel_loop3A_298 : vector<16xf32>
        %parallel_loop3A_301 = arith.addf %parallel_loop3A_265, %parallel_loop3A_299 : vector<16xf32>
        %parallel_loop3A_302 = arith.constant 12 : i32
        %parallel_loop3A_303 = vector.broadcast %parallel_loop3A_302 : i32 to vector<16xi32>
        %parallel_loop3A_304 = arith.addi %parallel_loop3A_63, %parallel_loop3A_303 : vector<16xi32>
        %parallel_loop3A_305 = arith.constant 15 : i32
        %parallel_loop3A_306 = vector.broadcast %parallel_loop3A_305 : i32 to vector<16xi32>
        %parallel_loop3A_307 = arith.andi %parallel_loop3A_304, %parallel_loop3A_306 : vector<16xi32>
        %parallel_loop3A_308 = vector.broadcast %parallel_loop3A_85 : i32 to vector<16xi32>
        %parallel_loop3A_309 = arith.addi %parallel_loop3A_307, %parallel_loop3A_308 : vector<16xi32>
        %parallel_loop3A_310 = tpu.vector_load_idx %arg9[%parallel_loop3A_62, %parallel_loop3A_309] : memref<80x64xi32, #tpu.memory_space<vmem>>[vector<16xi32>, vector<16xi32>], vector<16xi32>,
        %parallel_loop3A_311 = tpu.vector_load_idx %arg10[%parallel_loop3A_62, %parallel_loop3A_309] : memref<80x64xi32, #tpu.memory_space<vmem>>[vector<16xi32>, vector<16xi32>], vector<16xi32>,
        %parallel_loop3A_312 = vector.bitcast %parallel_loop3A_310 : vector<16xi32> to vector<32xbf16>
        %parallel_loop3A_313 = vector.bitcast %parallel_loop3A_311 : vector<16xi32> to vector<32xbf16>
        %parallel_loop3A_314 = arith.subf %parallel_loop3A_312, %parallel_loop3A_313 : vector<32xbf16>
        %parallel_loop3A_315 = arith.mulf %parallel_loop3A_314, %parallel_loop3A_314 : vector<32xbf16>
        %parallel_loop3A_316 = tpu.unpack_subelements %parallel_loop3A_315, 0 {pack_format = #tpu.pack_format<interleaved>} : vector<32xbf16> -> vector<16xf32>
        %parallel_loop3A_317 = tpu.unpack_subelements %parallel_loop3A_315, 1 {pack_format = #tpu.pack_format<interleaved>} : vector<32xbf16> -> vector<16xf32>
        %parallel_loop3A_318 = arith.addf %parallel_loop3A_282, %parallel_loop3A_316 : vector<16xf32>
        %parallel_loop3A_319 = arith.addf %parallel_loop3A_283, %parallel_loop3A_317 : vector<16xf32>
        %parallel_loop3A_320 = arith.constant 13 : i32
        %parallel_loop3A_321 = vector.broadcast %parallel_loop3A_320 : i32 to vector<16xi32>
        %parallel_loop3A_322 = arith.addi %parallel_loop3A_63, %parallel_loop3A_321 : vector<16xi32>
        %parallel_loop3A_323 = arith.constant 15 : i32
        %parallel_loop3A_324 = vector.broadcast %parallel_loop3A_323 : i32 to vector<16xi32>
        %parallel_loop3A_325 = arith.andi %parallel_loop3A_322, %parallel_loop3A_324 : vector<16xi32>
        %parallel_loop3A_326 = vector.broadcast %parallel_loop3A_85 : i32 to vector<16xi32>
        %parallel_loop3A_327 = arith.addi %parallel_loop3A_325, %parallel_loop3A_326 : vector<16xi32>
        %parallel_loop3A_328 = tpu.vector_load_idx %arg9[%parallel_loop3A_62, %parallel_loop3A_327] : memref<80x64xi32, #tpu.memory_space<vmem>>[vector<16xi32>, vector<16xi32>], vector<16xi32>,
        %parallel_loop3A_329 = tpu.vector_load_idx %arg10[%parallel_loop3A_62, %parallel_loop3A_327] : memref<80x64xi32, #tpu.memory_space<vmem>>[vector<16xi32>, vector<16xi32>], vector<16xi32>,
        %parallel_loop3A_330 = vector.bitcast %parallel_loop3A_328 : vector<16xi32> to vector<32xbf16>
        %parallel_loop3A_331 = vector.bitcast %parallel_loop3A_329 : vector<16xi32> to vector<32xbf16>
        %parallel_loop3A_332 = arith.subf %parallel_loop3A_330, %parallel_loop3A_331 : vector<32xbf16>
        %parallel_loop3A_333 = arith.mulf %parallel_loop3A_332, %parallel_loop3A_332 : vector<32xbf16>
        %parallel_loop3A_334 = tpu.unpack_subelements %parallel_loop3A_333, 0 {pack_format = #tpu.pack_format<interleaved>} : vector<32xbf16> -> vector<16xf32>
        %parallel_loop3A_335 = tpu.unpack_subelements %parallel_loop3A_333, 1 {pack_format = #tpu.pack_format<interleaved>} : vector<32xbf16> -> vector<16xf32>
        %parallel_loop3A_336 = arith.addf %parallel_loop3A_300, %parallel_loop3A_334 : vector<16xf32>
        %parallel_loop3A_337 = arith.addf %parallel_loop3A_301, %parallel_loop3A_335 : vector<16xf32>
        %parallel_loop3A_338 = arith.constant 14 : i32
        %parallel_loop3A_339 = vector.broadcast %parallel_loop3A_338 : i32 to vector<16xi32>
        %parallel_loop3A_340 = arith.addi %parallel_loop3A_63, %parallel_loop3A_339 : vector<16xi32>
        %parallel_loop3A_341 = arith.constant 15 : i32
        %parallel_loop3A_342 = vector.broadcast %parallel_loop3A_341 : i32 to vector<16xi32>
        %parallel_loop3A_343 = arith.andi %parallel_loop3A_340, %parallel_loop3A_342 : vector<16xi32>
        %parallel_loop3A_344 = vector.broadcast %parallel_loop3A_85 : i32 to vector<16xi32>
        %parallel_loop3A_345 = arith.addi %parallel_loop3A_343, %parallel_loop3A_344 : vector<16xi32>
        %parallel_loop3A_346 = tpu.vector_load_idx %arg9[%parallel_loop3A_62, %parallel_loop3A_345] : memref<80x64xi32, #tpu.memory_space<vmem>>[vector<16xi32>, vector<16xi32>], vector<16xi32>,
        %parallel_loop3A_347 = tpu.vector_load_idx %arg10[%parallel_loop3A_62, %parallel_loop3A_345] : memref<80x64xi32, #tpu.memory_space<vmem>>[vector<16xi32>, vector<16xi32>], vector<16xi32>,
        %parallel_loop3A_348 = vector.bitcast %parallel_loop3A_346 : vector<16xi32> to vector<32xbf16>
        %parallel_loop3A_349 = vector.bitcast %parallel_loop3A_347 : vector<16xi32> to vector<32xbf16>
        %parallel_loop3A_350 = arith.subf %parallel_loop3A_348, %parallel_loop3A_349 : vector<32xbf16>
        %parallel_loop3A_351 = arith.mulf %parallel_loop3A_350, %parallel_loop3A_350 : vector<32xbf16>
        %parallel_loop3A_352 = tpu.unpack_subelements %parallel_loop3A_351, 0 {pack_format = #tpu.pack_format<interleaved>} : vector<32xbf16> -> vector<16xf32>
        %parallel_loop3A_353 = tpu.unpack_subelements %parallel_loop3A_351, 1 {pack_format = #tpu.pack_format<interleaved>} : vector<32xbf16> -> vector<16xf32>
        %parallel_loop3A_354 = arith.addf %parallel_loop3A_318, %parallel_loop3A_352 : vector<16xf32>
        %parallel_loop3A_355 = arith.addf %parallel_loop3A_319, %parallel_loop3A_353 : vector<16xf32>
        %parallel_loop3A_356 = arith.constant 15 : i32
        %parallel_loop3A_357 = vector.broadcast %parallel_loop3A_356 : i32 to vector<16xi32>
        %parallel_loop3A_358 = arith.addi %parallel_loop3A_63, %parallel_loop3A_357 : vector<16xi32>
        %parallel_loop3A_359 = arith.constant 15 : i32
        %parallel_loop3A_360 = vector.broadcast %parallel_loop3A_359 : i32 to vector<16xi32>
        %parallel_loop3A_361 = arith.andi %parallel_loop3A_358, %parallel_loop3A_360 : vector<16xi32>
        %parallel_loop3A_362 = vector.broadcast %parallel_loop3A_85 : i32 to vector<16xi32>
        %parallel_loop3A_363 = arith.addi %parallel_loop3A_361, %parallel_loop3A_362 : vector<16xi32>
        %parallel_loop3A_364 = tpu.vector_load_idx %arg9[%parallel_loop3A_62, %parallel_loop3A_363] : memref<80x64xi32, #tpu.memory_space<vmem>>[vector<16xi32>, vector<16xi32>], vector<16xi32>,
        %parallel_loop3A_365 = tpu.vector_load_idx %arg10[%parallel_loop3A_62, %parallel_loop3A_363] : memref<80x64xi32, #tpu.memory_space<vmem>>[vector<16xi32>, vector<16xi32>], vector<16xi32>,
        %parallel_loop3A_366 = vector.bitcast %parallel_loop3A_364 : vector<16xi32> to vector<32xbf16>
        %parallel_loop3A_367 = vector.bitcast %parallel_loop3A_365 : vector<16xi32> to vector<32xbf16>
        %parallel_loop3A_368 = arith.subf %parallel_loop3A_366, %parallel_loop3A_367 : vector<32xbf16>
        %parallel_loop3A_369 = arith.mulf %parallel_loop3A_368, %parallel_loop3A_368 : vector<32xbf16>
        %parallel_loop3A_370 = tpu.unpack_subelements %parallel_loop3A_369, 0 {pack_format = #tpu.pack_format<interleaved>} : vector<32xbf16> -> vector<16xf32>
        %parallel_loop3A_371 = tpu.unpack_subelements %parallel_loop3A_369, 1 {pack_format = #tpu.pack_format<interleaved>} : vector<32xbf16> -> vector<16xf32>
        %parallel_loop3A_372 = arith.addf %parallel_loop3A_336, %parallel_loop3A_370 : vector<16xf32>
        %parallel_loop3A_373 = arith.addf %parallel_loop3A_337, %parallel_loop3A_371 : vector<16xf32>
        scf.yield %parallel_loop3A_354, %parallel_loop3A_355, %parallel_loop3A_372, %parallel_loop3A_373 : vector<16xf32>, vector<16xf32>, vector<16xf32>, vector<16xf32>
      } {sc.loop_unroll_factor = 1 : i64, sc.parallel_access}
      %parallel_loop3A_70 = arith.addf %parallel_loop3A_69#0, %parallel_loop3A_69#1 : vector<16xf32>
      %parallel_loop3A_71 = arith.addf %parallel_loop3A_69#2, %parallel_loop3A_69#3 : vector<16xf32>
      %parallel_loop3A_72 = arith.addf %parallel_loop3A_70, %parallel_loop3A_71 : vector<16xf32>
      %parallel_loop3A_73 = arith.constant 16 : i32
      %parallel_loop3A_74 = arith.muli %parallel_loop3A_57, %parallel_loop3A_73 : i32
      %parallel_loop3A_75 = arith.constant 9920 : i32
      %parallel_loop3A_76 = arith.addi %parallel_loop3A_75, %parallel_loop3A_74 : i32
      %parallel_loop3A_77 = arith.index_cast %parallel_loop3A_76 : i32 to index
      %parallel_loop3A_78 = tpu.vector_load %arg13[%parallel_loop3A_77] {strides = array<i32>} : memref<10000xf32, #tpu.memory_space<vmem>>, vector<16xf32>,
      tpu.vector_store %arg13[%parallel_loop3A_77], %parallel_loop3A_72 {strides = array<i32>} : memref<10000xf32, #tpu.memory_space<vmem>>, vector<16xf32>,
    } {sc.loop_unroll_factor = 1 : i64, sc.parallel_access}
    %mul3A_55 = arith.constant 10000 : i32
    %mul3A_56 = arith.muli %add3A, %mul3A_55 : i32
    "tpu.region"() ({
      %run_scoped3A = tpu.sem_alloc : memref<!tpu.dma_semaphore, #tpu.memory_space<semaphore_mem>>
      %dma_start3A_57 = tpu.memref_slice %arg4[%mul3A_56] : memref<320000xf32, #tpu.memory_space<hbm>> -> memref<10000xf32, #tpu.memory_space<hbm>>
      %dma_start3A_58 = tpu.memref_slice %arg4[%mul3A_56] : memref<320000xf32, #tpu.memory_space<hbm>> -> memref<10000xf32, #tpu.memory_space<hbm>>
      tpu.enqueue_dma source(%arg13 : memref<10000xf32, #tpu.memory_space<vmem>>) target(%dma_start3A_58 : memref<10000xf32, #tpu.memory_space<hbm>>) target_semaphore(%run_scoped3A : memref<!tpu.dma_semaphore, #tpu.memory_space<semaphore_mem>>)
      %dma_wait3A_59 = tpu.memref_slice %arg4[%mul3A_56] : memref<320000xf32, #tpu.memory_space<hbm>> -> memref<10000xf32, #tpu.memory_space<hbm>>
      %dma_wait3A_60 = tpu.memref_slice %arg4[%mul3A_56] : memref<320000xf32, #tpu.memory_space<hbm>> -> memref<10000xf32, #tpu.memory_space<hbm>>
      tpu.wait_dma2 semaphore(%run_scoped3A : memref<!tpu.dma_semaphore, #tpu.memory_space<semaphore_mem>>) src(%arg13 : memref<10000xf32, #tpu.memory_space<vmem>>) dst(%dma_wait3A_60 : memref<10000xf32, #tpu.memory_space<hbm>>)
      tpu.yield
    }) : () -> ()
    return
  }
}

module attributes {stable_mosaic.version = 14 : i64} {
  func.func @_mean_sqrt_body(%arg0: memref<2500x128xf32, #tpu.memory_space<vmem>>, %arg1: memref<1x1xf32, #tpu.memory_space<vmem>>) attributes {dimension_semantics = [], scalar_prefetch = 0 : i64, scratch_operands = 0 : i64, tpu.core_type = #tpu.core_type<tc>} {
    %get3A = arith.constant 0 : index
    %get3A_0 = arith.constant 0 : index
    %get3A_1 = vector.load %arg0[%get3A, %get3A_0] : memref<2500x128xf32, #tpu.memory_space<vmem>>, vector<2500x128xf32>
    %sqrt3A = math.sqrt %get3A_1 : vector<2500x128xf32>
    %reduce_sum3A = vector.shape_cast %sqrt3A : vector<2500x128xf32> to vector<1x2500x128xf32>
    %reduce_sum3A_2 = arith.constant dense<0.000000e+00> : vector<1xf32>
    %reduce_sum3A_3 = vector.multi_reduction <add>, %reduce_sum3A, %reduce_sum3A_2 [1, 2] : vector<1x2500x128xf32> to vector<1xf32>
    %reduce_sum3A_4 = vector.shape_cast %reduce_sum3A_3 : vector<1xf32> to vector<1x1x1xf32>
    %reduce_sum3A_5 = vector.extract %reduce_sum3A_4[0, 0, 0] : f32 from vector<1x1x1xf32>
    %mul3A = arith.constant 3.125000e-06 : f32
    %mul3A_6 = arith.mulf %reduce_sum3A_5, %mul3A : f32
    %broadcast_in_dim3A = vector.broadcast %mul3A_6 : f32 to vector<1x1xf32>
    %swap3A = arith.constant 0 : index
    %swap3A_7 = arith.constant 0 : index
    %swap3A_8 = vector.load %arg1[%swap3A, %swap3A_7] : memref<1x1xf32, #tpu.memory_space<vmem>>, vector<1x1xf32>
    tpu.vector_store %arg1[%swap3A, %swap3A_7], %broadcast_in_dim3A {strides = array<i32>} : memref<1x1xf32, #tpu.memory_space<vmem>>, vector<1x1xf32>,
    return
  }
}

</mosaic_0001>

<sc_bundles>
// kernel: kernel.4.cloned.1.call-start
scs
__scs_entry_jumppad:
0x0: {  	(pc) =	sbr.rel $0x88, $3  }
0x1: {  	(tag) =	ssettag $0x0;
	lr =	simm.s32 $0x1  }
0x2: {  	[smem:$0x3F9F] =	sst lr;
	_ =	strace $0xD0000000  }
0x3: {  	_ = 	snop  }
0x4: {  	_ = 	snop  }
0x5: {  	_ = 	snop  }
0x6: {  	_ = 	snop  }
0x7: {  	_ = 	snop  }
__scs_overlays_trampoline_lowered:
0x8: {  	[smem:$0x3FAE] =	sst s0  }
0x9: {  	[smem:$0x3FAF] =	sst s1  }
0xa: {  	[smem:$0x3FB0] =	sst s2  }
0xb: {  	[smem:$0x3FB1] =	sst s3  }
0xc: {  	[smem:$0x3FB2] =	sst s4  }
0xd: {  	[smem:$0x3FB3] =	sst s5  }
0xe: {  	[smem:$0x3FB4] =	sst s6  }
0xf: {  	[smem:$0x3FB5] =	sst s7  }
0x10: {  	[smem:$0x3FB6] =	sst s8  }
0x11: {  	[smem:$0x3FB7] =	sst s9;
	s0 =	simm.s32 @!p0 $0x0  }
0x12: {  	s1 =	sld [smem:$0x3F9D];
	s0 =	simm.s32 @p0 $0x1  }
0x13: {  	[smem:$0x3FB8] =	sst s0;
	s0 =	simm.s32 @!p1 $0x0  }
0x14: {  	s2 =	sld [smem:$0x3F9C];
	s0 =	simm.s32 @p1 $0x1  }
0x15: {  	[smem:$0x3FB9] =	sst s0;
	s0 =	simm.s32 @!p2 $0x0  }
0x16: {  	s3 =	sld [smem:$0x3FDB];
	s0 =	simm.s32 @p2 $0x1  }
0x17: {  	s4 =	simm.s32 $0x1BF5;
	[smem:$0x3FBB] =	sst s0  }
0x18: {  	s0 =	sld [smem:$0x3F9E];
	_ =	swait.ge [sflag:s4], $0x0  }
0x19: {  	s7 =	sld [smem:$0x3F9F]  }
0x1a: {  	s8 =	sadd.s32 $0xFFFFE003, lr  }
0x1b: {  	s9 =	sadd.s32 $0xFFFFFEF7, lr;
	s5 =	simm.s32 $0xFFFFFFFF;
	p2 =	slt.u32 s8, $0xFFFFF086  }
0x1c: {  	p1 =	slt.u32 s9, $0xF7A;
	s5 =	simm.s32 @!p2 $0x0  }
0x1d: {  	s5 =	simm.s32 @p1 $0x1;
	p0 =	seq.s32 s7, s2  }
0x1e: {  	s7 =	smul.u32 @!p0 $0xF7A, s2;
	p2 =	seq.s32 @!p0 s5, $0x0  }
0x1f: {  	s9 =	smul.u32 $0xF7A, s1;
	s8 =	simm.s32 @!p0 $0x1BF5;
	p2 =	por !p2, p0  }
0x20: {  	[sflag:s8] =	ssyncset.s32 @!p0 $0xFFFFF086;
	s6 =	sadd.s32 @!p0 s3, s7;
	s7 =	simm.s32 @!p0 $0x108  }
0x21: {  	s3 =	sadd.s32 s3, s9;
	s6 =	sadd.s32 @!p0 $0x88, s6;
	s7 =	simm.s32 @p2 $0x1082  }
0x22: {  	[simem:s7], [sflag:s8] =	dma.local @!p0 [hbm:s6], $0xF7A  }
0x23: {  	s9 =	sor.u32 $0xD0000000, s2;
	s6 =	simm.s32 $0x108;
	_ =	swait.ge @!p0 [sflag:s8], $0x0  }
0x24: {  	s3 =	sadd.s32 $0x88, s3;
	s6 =	simm.s32 @!p1 $0x1082;
	[sflag:s4] =	ssyncset.s32 $0xFFFFF086  }
0x25: {  	[simem:s6], [sflag:s4] =	dma.local [hbm:s3], $0xF7A  }
0x26: {  	[smem:$0x3F9F] =	sst s1;
	(tag) =	ssettag s2;
	_ =	strace s9  }
0x27: {  	s1 =	sld [smem:$0x3FAF]  }
0x28: {  	s2 =	sld [smem:$0x3FB0]  }
0x29: {  	s4 =	sld [smem:$0x3FB2]  }
0x2a: {  	p0 =	seq.s32 s5, $0x0;
	s5 =	sld [smem:$0x3FB3]  }
0x2b: {  	s6 =	sld [smem:$0x3FB4]  }
0x2c: {  	s7 =	sld [smem:$0x3FB5]  }
0x2d: {  	s3 =	simm.s32 $0x108;
	s8 =	sld [smem:$0x3FB6]  }
0x2e: {  	s3 =	simm.s32 @!p0 $0x1082;
	s9 =	sld [smem:$0x3FB7]  }
0x2f: {  	lr =	sadd.s32 s0, s3;
	s0 =	sld [smem:$0x3FAE]  }
0x30: {  	s3 =	sld [smem:$0x3FB1]  }
0x31: {  	[smem:$0x3FBA] =	sst s10  }
0x32: {  	s10 =	sld [smem:$0x3FB8];
	_ =	sdelay $0x3  }
0x33: {  	p0 =	seq.s32 s10, $0x1;
	s10 =	sld [smem:$0x3FBA];
	_ =	sdelay $0x3  }
0x34: {  	[smem:$0x3FBA] =	sst s10  }
0x35: {  	s10 =	sld [smem:$0x3FB9];
	_ =	sdelay $0x3  }
0x36: {  	p1 =	seq.s32 s10, $0x1;
	s10 =	sld [smem:$0x3FBA];
	_ =	sdelay $0x3  }
0x37: {  	[smem:$0x3FBA] =	sst s10  }
0x38: {  	s10 =	sld [smem:$0x3FBB]  }
0x39: {  	_ = 	snop;
	(pc) =	sbr.ind lr, $3  }
0x3a: {  	_ = 	snop  }
0x3b: {  	_ = 	snop  }
0x3c: {  	p2 =	seq.s32 s10, $0x1;
	s10 =	sld [smem:$0x3FBA]  }
0x3d: {  	_ =	shalt  }
0x3e: {  	_ =	shalt  }
0x3f: {  	_ =	shalt  }
0x40: {  	_ =	shalt  }
0x41: {  	_ =	shalt  }
0x42: {  	_ =	shalt  }
0x43: {  	_ =	shalt  }
0x44: {  	_ =	shalt  }
0x45: {  	_ =	shalt  }
0x46: {  	_ =	shalt  }
0x47: {  	_ =	shalt  }
0x48: {  	_ =	shalt  }
0x49: {  	_ =	shalt  }
0x4a: {  	_ =	shalt  }
0x4b: {  	_ =	shalt  }
0x4c: {  	_ =	shalt  }
0x4d: {  	_ =	shalt  }
0x4e: {  	_ =	shalt  }
0x4f: {  	_ =	shalt  }
0x50: {  	_ =	shalt  }
0x51: {  	_ =	shalt  }
0x52: {  	_ =	shalt  }
0x53: {  	_ =	shalt  }
0x54: {  	_ =	shalt  }
0x55: {  	_ =	shalt  }
0x56: {  	_ =	shalt  }
0x57: {  	_ =	shalt  }
0x58: {  	_ =	shalt  }
0x59: {  	_ =	shalt  }
0x5a: {  	_ =	shalt  }
0x5b: {  	_ =	shalt  }
0x5c: {  	_ =	shalt  }
0x5d: {  	_ =	shalt  }
0x5e: {  	_ =	shalt  }
0x5f: {  	_ =	shalt  }
0x60: {  	_ =	shalt  }
0x61: {  	_ =	shalt  }
0x62: {  	_ =	shalt  }
0x63: {  	_ =	shalt  }
0x64: {  	_ =	shalt  }
0x65: {  	_ =	shalt  }
0x66: {  	_ =	shalt  }
0x67: {  	_ =	shalt  }
0x68: {  	_ =	shalt  }
0x69: {  	_ =	shalt  }
0x6a: {  	_ =	shalt  }
0x6b: {  	_ =	shalt  }
0x6c: {  	_ =	shalt  }
0x6d: {  	_ =	shalt  }
0x6e: {  	_ =	shalt  }
0x6f: {  	_ =	shalt  }
0x70: {  	_ =	shalt  }
0x71: {  	_ =	shalt  }
0x72: {  	_ =	shalt  }
0x73: {  	_ =	shalt  }
0x74: {  	_ =	shalt  }
0x75: {  	_ =	shalt  }
0x76: {  	_ =	shalt  }
0x77: {  	_ =	shalt  }
0x78: {  	_ =	shalt  }
0x79: {  	_ =	shalt  }
0x7a: {  	_ =	shalt  }
0x7b: {  	_ =	shalt  }
0x7c: {  	_ =	shalt  }
0x7d: {  	_ =	shalt  }
0x7e: {  	_ =	shalt  }
0x7f: {  	_ =	shalt  }
0x80: {  	_ =	shalt  }
0x81: {  	_ =	shalt  }
0x82: {  	_ =	shalt  }
0x83: {  	_ =	shalt  }
0x84: {  	_ =	shalt  }
0x85: {  	_ =	shalt  }
0x86: {  	_ =	shalt  }
0x87: {  	_ =	shalt  }
.Lfunc_end0:
.L_simem_size_0:
called_computation_lowered:
.L_overlay_start_0:
0x88: {  	s2 =	sld [smem:$0x3FD9]  }
0x89: {  	s3 =	sld [smem:$0x3FFE];
	_ =	sdelay $0x1  }
0x8a: {  	s1 =	srdreg.scid  }
0x8b: {  	s0 =	sand.u32 $0x1, s1  }
0x8c: {  	s16 =	sshll.u32 s0, $0xA;
	s2 =	sadd.s32 s3, s2  }
0x8d: {  	s2 =	sadd.s32 s2, s16  }
0x8e: {  	[smem:$0x3FC6] =	sst s2  }
0x8f: {  	_ = 	snop  }
0x90: {  	(tm) =	ssettm $0x1  }
0x91: {  	s17 =	sld [smem:$0x3FFB];
	_ =	sdelay $0x3  }
0x92: {  	_ =	strace s17  }
0x93: {  	s2 =	sld [smem:$0x3FFC];
	_ =	sdelay $0x3  }
0x94: {  	_ =	strace s2  }
0x95: {  	s2 =	sld [smem:$0x3FFD];
	_ =	sdelay $0x3  }
0x96: {  	_ =	strace s2  }
0x97: {  	_ =	strace $0x8FFFFFFF  }
0x98: {  	s18 =	sld [smem:$0x3FDB];
	_ =	sdelay $0x1  }
0x99: {  	s19 =	simm.s32 $_scs_section_size  }
0x9a: {  	s4 =	simm.s32 $_size__tile_overlayer_lowered;
	s5 =	simm.s32 $_tile_overlayer_lowered  }
0x9b: {  	s22 =	simm.s32 $0x1BFF;
	s21 =	sshll.u32 s5, $0x1;
	s2 =	sadd.s32 s19, s18  }
0x9c: {  	s6 =	simm.s32 $0x0;
	s20 =	sshll.u32 s4, $0x1;
	s4 =	sadd.s32 s21, s2  }
0x9d: {  	[timem:s6], [sflag:s22] =	dma.local [hbm:s4], s20  }
0x9e: {  	_ =	swait.ge [sflag:s22], s20  }
0x9f: {  	s3 =	ssub.s32 $0x0, s20;
	[sflag:s22] =	ssyncset.done $0x0  }
0xa0: {  	[sflag:s22] =	ssyncadd.s32 s3;
	_ =	sdelay $0x1  }
0xa1: {  	s23 =	simm.s32 $0x1B8B  }
0xa2: {  	_ =	swait.ge [sflag:s23], $0x1  }
0xa3: {  	[sflag:s23] =	ssyncset.done $0x0  }
0xa4: {  	s25 =	simm.s32 $0x1B8E;
	s24 =	sld [smem:$0x3FFE];
	[sflag:s23] =	ssyncadd.s32 $0xFFFFFFFF  }
0xa5: {  	s26 =	simm.s32 $execute0_lowered;
	[smem:$0x3FD2] =	sst s25  }
0xa6: {  	s4 =	sshll.u32 s26, $0x1;
	_ =	strace $0x80000046;
	[dreg:$0x1] =	wrdreg $0xFFFFFFFF  }
0xa7: {  	s28 =	simm.s32 $_size_execute0_lowered;
	s2 =	sadd.s32 s2, s4;
	[dreg:$0x0] =	wrdreg $0x0  }
0xa8: {  	s4 =	sshll.u32 s28, $0x1;
	[dreg:$0x2] =	wrdreg s2  }
0xa9: {  	[dreg:$0x3] =	wrdreg s4  }
0xaa: {  	[dreg:$0x4] =	wrdreg $0xC0  }
0xab: {  	_ =	task [dreg:s6], $0x5FFFF  }
0xac: {  	[dreg:$0x1] =	wrdreg $0xFFFFFFFF  }
0xad: {  	[dreg:$0x0] =	wrdreg $0x60  }
0xae: {  	[dreg:$0x2] =	wrdreg s24  }
0xaf: {  	[dreg:$0x3] =	wrdreg $0x9  }
0xb0: {  	_ =	task.clear_ibuf [dreg:s6], $0x4FFFF;
	_ =	strace $0x90000046  }
0xb1: {  	s29 =	simm.s32 $0x9;
	_ =	strace $0x80000048  }
0xb2: {  	_ =	swait.ge [sflag:s29], $0x1  }
0xb3: {  	[sflag:s29] =	ssyncadd.s32 $0xFFFFFFFF  }
0xb4: {  	_ =	strace $0x90000048  }
0xb5: {  	_ =	sfence  }
0xb6: {  	s30 =	sld [smem:$0x0];
	_ =	sdelay $0x2  }
0xb7: {  	s31 =	sshll.u32 s1, $0xD;
	s1 =	sshrl.u32 s1, $0x2  }
0xb8: {  	s3 =	sand.u32 $0x4000, s31;
	s1 =	sadd.s32 s1, s30  }
0xb9: {  	s0 =	sor.u32 s3, s0;
	s1 =	sshll.u32 s1, $0x11  }
0xba: {  	s0 =	sor.u32 s1, s0  }
0xbb: {  	s0 =	sadd.s32 $0x8F2B, s0  }
0xbc: {  	[sflag:s0] =	ssyncadd.remote.s32 $0x1  }
0xbd: {  	_ =	sfence.sel $0xFFFF  }
0xbe: {  	[dreg:$0x0] =	wrdreg $0xFFFFFFFF;
	(pc) =	sbr.abs _section_cstart, $3  }
0xbf: {  	[dreg:$0x1] =	wrdreg $0xFFFFFFFF  }
0xc0: {  	_ =	task.clear_ibuf [dreg:s6], $0x2FFFF;
	_ =	strace $0x9FFFFFFF  }
0xc1: {  	(tm) =	ssettm $0x7FFFFFFF  }
tec
execute0_lowered:
.L_overlay_start_1:
0x0: {  	(tag) =	ssettag $0x1  }
0x1: {  	v1 =	vimm.s32 $0xFEDCBA9;
	v0 =	vlaneseq.u32  }
0x2: {  	v3 =	vimm.s32 $0x87654321;
	v4 =	vimm.s32 $0x98765432;
	v5 =	vimm.s32 $0x210FEDCB  }
0x3: {  	v6 =	vimm.s32 $0xA9876543;
	v16 =	vimm.s32 $0xCBA98765;
	v18 =	vimm.s32 $0x6543210F  }
0x4: {  	v19 =	vimm.s32 $0xEDCBA987;
	v20 =	vimm.s32 $0xFEDCBA98;
	v21 =	vimm.s32 $0x76543210  }
0x5: {  	v2 =	vunpack.c.l.s4.s8 v1;
	v1 =	vmul.u32 $0x40, v0;
	v4 =	vunpack.c.l.s4.s8 v4  }
0x6: {  	v5 =	vunpack.c.l.s4.s8 v5;
	v18 =	vunpack.c.l.s4.s8 v18;
	v19 =	vunpack.c.l.s4.s8 v19  }
0x7: {  	v20 =	vunpack.c.l.s4.s8 v20;
	v8 =	vunpack.c.0.s8.s32 v2;
	v2 =	vunpack.c.l.s4.s8 v3  }
0x8: {  	v3 =	vimm.s32 $0x10FEDCBA;
	v11 =	vunpack.c.0.s8.s32 v4;
	v12 =	vunpack.c.0.s8.s32 v5  }
0x9: {  	v18 =	vunpack.c.0.s8.s32 v18;
	v19 =	vunpack.c.0.s8.s32 v19;
	v3 =	vunpack.c.l.s4.s8 v3  }
0xa: {  	v20 =	vunpack.c.0.s8.s32 v20;
	v9 =	vunpack.c.0.s8.s32 v2;
	v2 =	vunpack.c.l.s4.s8 v6  }
0xb: {  	v24 =	vcombine.low v19, v18;
	v10 =	vunpack.c.0.s8.s32 v3;
	v3 =	vimm.s32 $0x3210FEDC  }
0xc: {  	v20 =	vand.u32 $0xF, v20;
	v13 =	vunpack.c.0.s8.s32 v2;
	v2 =	vunpack.c.l.s4.s8 v3  }
0xd: {  	v3 =	vimm.s32 $0xBA987654;
	v4 =	vcombine.low v9, v8;
	v63 =	vcombine.low v8, v9  }
0xe: {  	v9 =	vand.u32 $0xF, v24;
	v5 =	vcombine.low v11, v10;
	v3 =	vunpack.c.l.s4.s8 v3  }
0xf: {  	s0 =	srdreg.scid;
	v11 =	vcombine.low v10, v11;
	v6 =	vcombine.low v13, v12;
	v14 =	vunpack.c.0.s8.s32 v2  }
0x10: {  	s1 =	stileid.u32;
	s3 =	rddreg [dreg:$0x0];
	v2 =	vimm.s32 $0x43210FED;
	v12 =	vcombine.low v12, v13;
	v15 =	vunpack.c.0.s8.s32 v3  }
0x11: {  	s2 =	simm.s32 $0x0;
	s8 =	simm.s32 $0x7;
	s10 =	simm.s32 $0x50;
	v7 =	vunpack.c.l.s4.s8 v2;
	v3 =	vand.u32 $0xF, v5;
	v5 =	vunpack.c.l.s4.s8 v16  }
0x12: {  	s11 =	simm.s32 $0x4E20;
	s12 =	simm.s32 $0x6220;
	s13 =	simm.s32 $0x7620;
	v10 =	vand.u32 $0xF, v63;
	v2 =	vand.u32 $0xF, v4;
	v11 =	vand.u32 $0xF, v11  }
0x13: {  	s15 =	simm.s32 $0x8A20;
	s16 =	simm.s32 $0x9E20;
	s17 =	simm.s32 $0xB220;
	v4 =	vand.u32 $0xF, v6;
	v16 =	vunpack.c.0.s8.s32 v7;
	v17 =	vunpack.c.0.s8.s32 v5  }
0x14: {  	s18 =	simm.s32 $0x1;
	s19 =	simm.s32 $0x2;
	s20 =	simm.s32 $0x3;
	v5 =	vimm.s32 $0x543210FE;
	v7 =	vimm.s32 $0xDCBA9876;
	v13 =	vcombine.low v14, v15  }
0x15: {  	s21 =	simm.s32 $0x4;
	s0 =	sand.u32 $0x1, s0;
	s1 =	sshll.u32 s1, $0x1;
	v12 =	vand.u32 $0xF, v12;
	v5 =	vunpack.c.l.s4.s8 v5;
	v7 =	vunpack.c.l.s4.s8 v7  }
0x16: {  	s22 =	simm.s32 $0x5;
	s23 =	simm.s32 $0x6;
	s1 =	sor.u32 s0, s1;
	v6 =	vcombine.low v15, v14;
	v14 =	vcombine.low v16, v17;
	v13 =	vand.u32 $0xF, v13  }
0x17: {  	s25 =	simm.s32 $0x0;
	s0 =	ssub.s32 $0x2, s0;
	s1 =	smul.u32 $0x2710, s1;
	v22 =	vunpack.c.0.s8.s32 v5;
	v23 =	vunpack.c.0.s8.s32 v7;
	v7 =	vunpack.c.l.s4.s8 v21  }
0x18: {  	s31 =	simm.s32 $0x0;
	[smem:$0x7FF] =	sst s2;
	s4 =	sshrl.u32 s0, $0x1;
	v5 =	vand.u32 $0xF, v6;
	v6 =	vcombine.low v17, v16;
	v16 =	vcombine.low v18, v19  }
0x19: {  	_ =	strace $0x80000047;
	s0 =	ssub.s32 s0, s4;
	s1 =	sshrl.u32 s1, $0x3;
	v7 =	vunpack.c.0.s8.s32 v7;
	v62 =	vcombine.low v23, v22;
	v15 =	vcombine.low v22, v23  }
0x1a: {  	s7 =	smax.u32 s0, $0x1;
	s1 =	sadd.s32 s1, s3;
	s3 =	sadd.s32 $0x400, s3;
	v14 =	vand.u32 $0xF, v14;
	v6 =	vand.u32 $0xF, v6;
	v16 =	vand.u32 $0xF, v16  }
0x1b: {  	s4 =	sadd.s32 $0x13E00, s1;
	s5 =	sadd.s32 $0x1DA40, s1;
	s6 =	sadd.s32 $0x27800, s1;
	v7 =	vcombine.low v20, v7;
	v8 =	vand.u32 $0xF, v62;
	v15 =	vand.u32 $0xF, v15  }
.LBB2_1:
0x1c: {  	[tilespmem:s2], [sflag:$0x7] =	stream.linear.gather [hbm4b:s4+s2], $0x2710, $0x38;
	[tilespmem:$0xED30] =	vst v63  }
0x1d: {  	_ =	swait.ge [sflag:s8], $0x2710  }
0x1e: {  	[sflag:s8] =	ssyncset.done $0x0  }
0x1f: {  	s0 =	simm.s32 $0x2710;
	[sflag:s8] =	ssyncadd.s32 $0xFFFFD8F0  }
0x20: {  	[tilespmem:s0], [sflag:$0x7] =	stream.linear.gather [hbm4b:s5+s2], $0x2710, $0x38;
	[tilespmem:$0xED30] =	vst v63  }
0x21: {  	_ =	swait.ge [sflag:s8], $0x2710  }
0x22: {  	[sflag:s8] =	ssyncset.done $0x0  }
0x23: {  	[sflag:s8] =	ssyncadd.s32 $0xFFFFD8F0  }
0x24: {  	[tilespmem:s11], [sflag:$0x1] =	stream.indirect.gather [hbm4b:s3+s10], $0x40, s2, s10, $0xb8;
	[tilespmem:$0xED30] =	vst v63  }
0x25: {  	_ = 	snop  }
0x26: {  	[tilespmem:s12], [sflag:$0x2] =	stream.indirect.gather [hbm4b:s3+s10], $0x40, s0, s10, $0xb8;
	[tilespmem:$0xED30] =	vst v63  }
0x27: {  	_ = 	snop  }
0x28: {  	[tilespmem:s13], [sflag:$0x3] =	stream.indirect.gather [hbm4b:s3+s10], $0x40, s10, s10, $0xb8;
	[tilespmem:$0xED30] =	vst v63  }
0x29: {  	s30 =	simm.s32 $0x2760;
	s26 =	simm.s32 $0x0  }
0x2a: {  	[tilespmem:s15], [sflag:$0x4] =	stream.indirect.gather [hbm4b:s3+s10], $0x40, s30, s10, $0xb8;
	[tilespmem:$0xED30] =	vst v63  }
.LBB2_2:
0x2b: {  	s29 =	smul.u32 $0xF0, s26;
	_ =	sdelay $0x1  }
0x2c: {  	s28 =	sadd.s32 $0xA0, s29  }
0x2d: {  	[tilespmem:s16], [sflag:$0x5] =	stream.indirect.gather [hbm4b:s3+s10], $0x40, s28, s10, $0xb8;
	[tilespmem:$0xED30] =	vst v63  }
0x2e: {  	s0 =	sadd.s32 $0x27B0, s29  }
0x2f: {  	[tilespmem:s17], [sflag:$0x6] =	stream.indirect.gather [hbm4b:s3+s10], $0x40, s0, s10, $0xb8;
	[tilespmem:$0xED30] =	vst v63  }
0x30: {  	_ =	swait.ge [sflag:s18], $0x1400  }
0x31: {  	s24 =	smul.u32 $0x3C0, s26;
	[sflag:s18] =	ssyncset.done $0x0  }
0x32: {  	[sflag:s18] =	ssyncadd.s32 $0xFFFFEC00  }
0x33: {  	s30 =	sshra.s32 s24, $0x2;
	_ =	swait.ge [sflag:s19], $0x1400  }
0x34: {  	s0 =	sadd.s32 $0xC620, s30;
	[sflag:s19] =	ssyncset.done $0x0  }
0x35: {  	s1 =	simm.s32 $0x0;
	v17 =	vmov s0;
	[sflag:s19] =	ssyncadd.s32 $0xFFFFEC00  }
.LBB2_3:
0x36: {  	s0 =	sshll.u32 s1, $0x4  }
0x37: {  	v18 =	vmov s0  }
0x38: {  	v18 =	vshll.u32 v18, $0x6  }
0x39: {  	v25 =	vor.u32 v1, v18  }
0x3a: {  	v18 =	vor.u32 v2, v25  }
0x3b: {  	v19 =	vor.u32 v0, v25;
	v23 =	vor.u32 s31, v18  }
0x3c: {  	v24 =	vor.u32 s31, v19;
	_ =	sdelay $0x1  }
0x3d: {  	v20 =	vor.u32 v4, v25  }
0x3e: {  	v21 =	vor.u32 v3, v25;
	v27 =	vor.u32 s31, v20  }
0x3f: {  	v32 =	vor.u32 s31, v21;
	v33 =	vld.idx.msk [tilespmem:v23+s12+$0x0], $0xffff  }
0x40: {  	v34 =	vld.idx.msk [tilespmem:v24+s11+$0x0], $0xffff  }
0x41: {  	v22 =	vor.u32 v6, v25;
	v23 =	vld.idx.msk [tilespmem:v23+s11+$0x0], $0xffff  }
0x42: {  	v36 =	vor.u32 s31, v22;
	v35 =	vld.idx.msk [tilespmem:v24+s12+$0x0], $0xffff  }
0x43: {  	v28 =	vor.u32 v9, v25;
	v37 =	vld.idx.msk [tilespmem:v27+s11+$0x0], $0xffff  }
0x44: {  	v43 =	vor.u32 s31, v28;
	v41 =	vld.idx.msk [tilespmem:v32+s12+$0x0], $0xffff  }
0x45: {  	v24 =	vor.u32 v5, v25;
	v39 =	vld.idx.msk [tilespmem:v27+s12+$0x0], $0xffff  }
0x46: {  	v42 =	vld.idx.msk [tilespmem:v32+s11+$0x0], $0xffff;
	v38 =	vor.u32 s31, v24  }
0x47: {  	v49 =	vimm.f32 $0.0e+00;
	v45 =	vld.idx.msk [tilespmem:v36+s12+$0x0], $0xffff  }
0x48: {  	v26 =	vor.u32 v8, v25;
	v29 =	vor.u32 v7, v25;
	v30 =	vor.u32 v10, v25;
	v36 =	vld.idx.msk [tilespmem:v36+s11+$0x0], $0xffff  }
0x49: {  	v31 =	vor.u32 v11, v25;
	v44 =	vor.u32 s31, v26;
	v55 =	vor.u32 s31, v29;
	v53 =	vld.idx.msk [tilespmem:v43+s11+$0x0], $0xffff  }
0x4a: {  	v32 =	vor.u32 v12, v25;
	v27 =	vor.u32 v14, v25;
	v56 =	vld.idx.msk [tilespmem:v43+s12+$0x0], $0xffff;
	v40 =	vsub.bf16 v23, v33  }
0x4b: {  	v33 =	vor.u32 v13, v25;
	v23 =	vor.u32 v15, v25;
	v25 =	vor.u32 v16, v25;
	v46 =	vld.idx.msk [tilespmem:v38+s11+$0x0], $0xffff  }
0x4c: {  	v34 =	vsub.bf16 v34, v35;
	v47 =	vsub.bf16 v37, v39;
	v39 =	vor.u32 s31, v32;
	v48 =	vld.idx.msk [tilespmem:v38+s12+$0x0], $0xffff  }
0x4d: {  	v52 =	vsub.bf16 v36, v45;
	v41 =	vsub.bf16 v42, v41;
	v45 =	vor.u32 s31, v31  }
0x4e: {  	v63 =	vmul.bf16 v40, v40;
	v40 =	vor.u32 s31, v30;
	v34 =	vmul.bf16 v34, v34  }
0x4f: {  	v43 =	vld.idx.msk [tilespmem:v44+s11+$0x0], $0xffff;
	v53 =	vsub.bf16 v53, v56;
	v47 =	vmul.bf16 v47, v47;
	v42 =	vmul.bf16 v52, v52  }
0x50: {  	v38 =	vld.idx.msk [tilespmem:v44+s12+$0x0], $0xffff;
	v35 =	vunpack.i.l.bf16.f32 v63;
	v50 =	vunpack.i.u.bf16.f32 v34;
	v51 =	vunpack.i.l.bf16.f32 v34  }
0x51: {  	v34 =	vunpack.i.u.bf16.f32 v47;
	v54 =	vadd.f32 v35, v49;
	v35 =	vld.idx.msk [tilespmem:v39+s12+$0x0], $0xffff;
	v46 =	vsub.bf16 v46, v48  }
0x52: {  	v47 =	vunpack.i.l.bf16.f32 v47;
	v44 =	vadd.f32 v51, v49;
	v51 =	vmul.bf16 v41, v41;
	v48 =	vld.idx.msk [tilespmem:v55+s11+$0x0], $0xffff  }
0x53: {  	v37 =	vunpack.i.u.bf16.f32 v63;
	v36 =	vld.idx.msk [tilespmem:v40+s11+$0x0], $0xffff;
	v41 =	vadd.f32 v47, v54;
	v54 =	vmul.bf16 v46, v46  }
0x54: {  	s24 =	simm.s32 $0x10;
	s14 =	simm.s32 $0x0;
	v50 =	vadd.f32 v50, v49;
	v47 =	vld.idx.msk [tilespmem:v55+s12+$0x0], $0xffff;
	v52 =	vunpack.i.l.bf16.f32 v51;
	v46 =	vor.u32 s31, v33  }
.LBB2_4:
0x55: {  	p0 =	sne.s32 s24, $0x30;
	v37 =	vadd.f32 v37, v49;
	v49 =	vunpack.i.u.bf16.f32 v54;
	v54 =	vunpack.i.l.bf16.f32 v54;
	v40 =	vld.idx.msk [tilespmem:v40+s12+$0x0], $0xffff;
	s9 =	smov.u32 s24;
	s24 =	sadd.s32 $0x10, s24  }
0x56: {  	v51 =	vunpack.i.u.bf16.f32 v51;
	v55 =	vunpack.i.u.bf16.f32 v42;
	v53 =	vmul.bf16 v53, v53;
	v39 =	vld.idx.msk [tilespmem:v39+s11+$0x0], $0xffff  }
0x57: {  	v44 =	vadd.f32 v52, v44;
	v38 =	vsub.bf16 v43, v38;
	v52 =	vor.u32 s14, v27;
	v43 =	vld.idx.msk [tilespmem:v45+s11+$0x0], $0xffff  }
0x58: {  	v56 =	vor.u32 s14, v25;
	v50 =	vadd.f32 v51, v50;
	v51 =	vunpack.i.u.bf16.f32 v53;
	v45 =	vld.idx.msk [tilespmem:v45+s12+$0x0], $0xffff  }
0x59: {  	v44 =	vadd.f32 v54, v44;
	v38 =	vmul.bf16 v38, v38;
	v53 =	vunpack.i.l.bf16.f32 v53  }
0x5a: {  	v49 =	vadd.f32 v49, v50;
	v50 =	vor.u32 s14, v23;
	s14 =	smov.u32 s9;
	v47 =	vsub.bf16 v48, v47;
	v48 =	vld.idx.msk [tilespmem:v46+s12+$0x0], $0xffff  }
0x5b: {  	v42 =	vunpack.i.l.bf16.f32 v42;
	v54 =	vunpack.i.u.bf16.f32 v38;
	v38 =	vunpack.i.l.bf16.f32 v38;
	v46 =	vld.idx.msk [tilespmem:v46+s11+$0x0], $0xffff  }
0x5c: {  	v41 =	vadd.f32 v42, v41;
	v36 =	vsub.bf16 v36, v40;
	v42 =	vmul.bf16 v47, v47;
	v40 =	vld.idx.msk [tilespmem:v52+s11+$0x0], $0xffff  }
0x5d: {  	v34 =	vadd.f32 v34, v37;
	v57 =	vor.u32 s14, v18;
	v47 =	vor.u32 s14, v19;
	v37 =	vld.idx.msk [tilespmem:v56+s12+$0x0], $0xffff  }
0x5e: {  	v41 =	vadd.f32 v53, v41;
	v53 =	vunpack.i.l.bf16.f32 v42;
	v43 =	vsub.bf16 v43, v45;
	v45 =	vld.idx.msk [tilespmem:v52+s12+$0x0], $0xffff  }
0x5f: {  	v35 =	vsub.bf16 v39, v35;
	v36 =	vmul.bf16 v36, v36;
	v42 =	vunpack.i.u.bf16.f32 v42;
	v39 =	vld.idx.msk [tilespmem:v56+s11+$0x0], $0xffff  }
0x60: {  	v34 =	vadd.f32 v55, v34;
	v49 =	vadd.f32 v54, v49;
	v43 =	vmul.bf16 v43, v43;
	v52 =	vld.idx.msk [tilespmem:v50+s12+$0x0], $0xffff  }
0x61: {  	v54 =	vunpack.i.u.bf16.f32 v36;
	v36 =	vunpack.i.l.bf16.f32 v36;
	v46 =	vsub.bf16 v46, v48;
	v48 =	vld.idx.msk [tilespmem:v50+s11+$0x0], $0xffff  }
0x62: {  	v55 =	vor.u32 s14, v20;
	v38 =	vadd.f32 v38, v44;
	v36 =	vadd.f32 v36, v41;
	v50 =	vld.idx.msk [tilespmem:v57+s12+$0x0], $0xffff  }
0x63: {  	v44 =	vor.u32 s14, v21;
	v42 =	vadd.f32 v42, v49;
	v46 =	vmul.bf16 v46, v46;
	v41 =	vld.idx.msk [tilespmem:v47+s11+$0x0], $0xffff  }
0x64: {  	v34 =	vadd.f32 v51, v34;
	v35 =	vmul.bf16 v35, v35;
	v51 =	vunpack.i.u.bf16.f32 v43;
	v49 =	vld.idx.msk [tilespmem:v57+s11+$0x0], $0xffff  }
0x65: {  	v38 =	vadd.f32 v53, v38;
	v43 =	vunpack.i.l.bf16.f32 v43;
	v53 =	vunpack.i.l.bf16.f32 v46;
	v47 =	vld.idx.msk [tilespmem:v47+s12+$0x0], $0xffff  }
0x66: {  	v42 =	vadd.f32 v51, v42;
	v51 =	vunpack.i.u.bf16.f32 v35;
	v46 =	vunpack.i.u.bf16.f32 v46  }
0x67: {  	v58 =	vor.u32 s14, v22;
	v34 =	vadd.f32 v54, v34;
	v57 =	vor.u32 s14, v24;
	v56 =	vld.idx.msk [tilespmem:v55+s11+$0x0], $0xffff  }
0x68: {  	v35 =	vunpack.i.l.bf16.f32 v35;
	v40 =	vsub.bf16 v40, v45;
	v45 =	vsub.bf16 v48, v52;
	v54 =	vld.idx.msk [tilespmem:v44+s12+$0x0], $0xffff  }
0x69: {  	v38 =	vadd.f32 v43, v38;
	v42 =	vadd.f32 v46, v42;
	v48 =	vld.idx.msk [tilespmem:v55+s12+$0x0], $0xffff  }
0x6a: {  	v39 =	vsub.bf16 v39, v37;
	v43 =	vsub.bf16 v49, v50;
	v46 =	vld.idx.msk [tilespmem:v44+s11+$0x0], $0xffff;
	v44 =	vmul.bf16 v45, v45  }
0x6b: {  	v35 =	vadd.f32 v35, v36;
	v37 =	vsub.bf16 v41, v47;
	v41 =	vor.u32 s14, v26  }
0x6c: {  	v38 =	vadd.f32 v53, v38;
	v36 =	vmul.bf16 v43, v43;
	v43 =	vld.idx.msk [tilespmem:v58+s12+$0x0], $0xffff;
	v45 =	vunpack.i.u.bf16.f32 v44  }
0x6d: {  	v40 =	vmul.bf16 v40, v40;
	v50 =	vor.u32 s14, v28;
	v47 =	vmul.bf16 v37, v37;
	v49 =	vld.idx.msk [tilespmem:v57+s11+$0x0], $0xffff  }
0x6e: {  	v37 =	vunpack.i.u.bf16.f32 v36;
	v36 =	vunpack.i.l.bf16.f32 v36;
	v53 =	vadd.f32 v45, v42;
	v52 =	vld.idx.msk [tilespmem:v58+s11+$0x0], $0xffff  }
0x6f: {  	v55 =	vunpack.i.u.bf16.f32 v47;
	v42 =	vsub.bf16 v56, v48;
	v48 =	vunpack.i.l.bf16.f32 v40;
	v45 =	vld.idx.msk [tilespmem:v57+s12+$0x0], $0xffff  }
0x70: {  	v44 =	vunpack.i.l.bf16.f32 v44;
	v47 =	vunpack.i.l.bf16.f32 v47;
	v56 =	vmul.bf16 v39, v39  }
0x71: {  	v51 =	vadd.f32 v51, v34;
	v44 =	vadd.f32 v44, v38;
	v57 =	vunpack.i.u.bf16.f32 v40  }
0x72: {  	v40 =	vor.u32 s14, v30;
	v42 =	vmul.bf16 v42, v42;
	v59 =	vunpack.i.l.bf16.f32 v56;
	v58 =	vld.idx.msk [tilespmem:v50+s11+$0x0], $0xffff  }
0x73: {  	v60 =	vor.u32 s14, v29;
	v39 =	vor.u32 s14, v32;
	v35 =	vadd.f32 v48, v35;
	v38 =	vld.idx.msk [tilespmem:v41+s12+$0x0], $0xffff  }
0x74: {  	v34 =	vunpack.i.u.bf16.f32 v42;
	v48 =	vunpack.i.l.bf16.f32 v42;
	v61 =	vld.idx.msk [tilespmem:v50+s12+$0x0], $0xffff;
	v50 =	vadd.f32 v57, v51  }
0x75: {  	v35 =	vadd.f32 v59, v35;
	v42 =	vsub.bf16 v52, v43;
	v43 =	vld.idx.msk [tilespmem:v41+s11+$0x0], $0xffff  }
.Ltmp0:
0x76: {  	v44 =	vadd.f32 v47, v44;
	v41 =	vsub.bf16 v46, v54;
	v46 =	vunpack.i.u.bf16.f32 v56;
	(pc) =	sbr.rel @p0 .LBB2_4-.Ltmp0, $4  }
0x77: {  	v47 =	vadd.f32 v36, v35;
	v52 =	vsub.bf16 v49, v45;
	v45 =	vor.u32 s14, v31;
	v36 =	vld.idx.msk [tilespmem:v40+s11+$0x0], $0xffff  }
0x78: {  	v42 =	vmul.bf16 v42, v42;
	v49 =	vadd.f32 v46, v50;
	v51 =	vmul.bf16 v41, v41;
	v35 =	vld.idx.msk [tilespmem:v39+s12+$0x0], $0xffff  }
0x79: {  	v50 =	vadd.f32 v55, v53;
	v54 =	vmul.bf16 v52, v52;
	v41 =	vadd.f32 v48, v47;
	v47 =	vld.idx.msk [tilespmem:v60+s12+$0x0], $0xffff  }
0x7a: {  	v46 =	vor.u32 s14, v33;
	v52 =	vunpack.i.l.bf16.f32 v51;
	v53 =	vsub.bf16 v58, v61;
	v48 =	vld.idx.msk [tilespmem:v60+s11+$0x0], $0xffff  }
0x7b: {  	_ =	sdelay $0x3  }
0x7c: {  	v18 =	vadd.f32 v37, v49;
	v21 =	vld.idx.msk [tilespmem:v40+s12+$0x0], $0xffff  }
0x7d: {  	v19 =	vunpack.i.u.bf16.f32 v54;
	v20 =	vunpack.i.l.bf16.f32 v54;
	v22 =	vunpack.i.u.bf16.f32 v51;
	v28 =	vld.idx.msk [tilespmem:v39+s11+$0x0], $0xffff  }
0x7e: {  	v26 =	vunpack.i.u.bf16.f32 v42;
	v29 =	vadd.f32 v52, v44;
	v30 =	vsub.bf16 v43, v38;
	v31 =	vld.idx.msk [tilespmem:v45+s11+$0x0], $0xffff  }
0x7f: {  	v27 =	vor.u32 s14, v27;
	v33 =	vld.idx.msk [tilespmem:v45+s12+$0x0], $0xffff;
	v23 =	vor.u32 s14, v23;
	v43 =	vunpack.i.l.bf16.f32 v42  }
0x80: {  	v63 =	vld.idx.msk [tilespmem:v46+s12+$0x0], $0xffff;
	v24 =	vmul.bf16 v53, v53;
	v22 =	vadd.f32 v22, v50;
	v38 =	vadd.f32 v43, v41  }
0x81: {  	v44 =	vld.idx.msk [tilespmem:v46+s11+$0x0], $0xffff;
	v20 =	vadd.f32 v20, v29;
	v61 =	vmul.bf16 v30, v30;
	v18 =	vadd.f32 v34, v18  }
0x82: {  	v32 =	vunpack.i.u.bf16.f32 v24;
	v24 =	vunpack.i.l.bf16.f32 v24;
	v19 =	vadd.f32 v19, v22  }
0x83: {  	v25 =	vor.u32 s14, v25;
	v62 =	vsub.bf16 v48, v47;
	v24 =	vadd.f32 v24, v38  }
0x84: {  	v45 =	vunpack.i.u.bf16.f32 v61;
	v18 =	vadd.f32 v26, v18;
	v21 =	vsub.bf16 v36, v21;
	v46 =	vld.idx.msk [tilespmem:v27+s11+$0x0], $0xffff  }
0x85: {  	v29 =	vunpack.i.l.bf16.f32 v61;
	v31 =	vsub.bf16 v31, v33;
	v28 =	vsub.bf16 v28, v35;
	v48 =	vld.idx.msk [tilespmem:v23+s12+$0x0], $0xffff  }
0x86: {  	v19 =	vadd.f32 v45, v19;
	v22 =	vsub.bf16 v44, v63;
	v23 =	vld.idx.msk [tilespmem:v23+s11+$0x0], $0xffff;
	v30 =	vmul.bf16 v62, v62  }
0x87: {  	v27 =	vld.idx.msk [tilespmem:v27+s12+$0x0], $0xffff;
	v20 =	vadd.f32 v29, v20;
	v21 =	vmul.bf16 v21, v21;
	v31 =	vmul.bf16 v31, v31  }
0x88: {  	v50 =	vld.idx.msk [tilespmem:v25+s12+$0x0], $0xffff;
	v18 =	vadd.f32 v32, v18;
	v22 =	vmul.bf16 v22, v22;
	v28 =	vmul.bf16 v28, v28  }
0x89: {  	v51 =	vld.idx.msk [tilespmem:v25+s11+$0x0], $0xffff;
	v47 =	vunpack.i.l.bf16.f32 v30;
	v30 =	vunpack.i.u.bf16.f32 v30;
	v49 =	vunpack.i.u.bf16.f32 v21  }
0x8a: {  	v21 =	vunpack.i.l.bf16.f32 v21;
	v19 =	vadd.f32 v30, v19;
	v52 =	vunpack.i.u.bf16.f32 v31  }
0x8b: {  	v20 =	vadd.f32 v47, v20;
	v53 =	vunpack.i.l.bf16.f32 v31;
	v54 =	vunpack.i.l.bf16.f32 v22  }
0x8c: {  	v22 =	vunpack.i.u.bf16.f32 v22;
	v21 =	vadd.f32 v21, v24;
	v23 =	vsub.bf16 v23, v48  }
0x8d: {  	v55 =	vunpack.i.l.bf16.f32 v28;
	v18 =	vadd.f32 v49, v18;
	v56 =	vsub.bf16 v46, v27  }
0x8e: {  	v58 =	vunpack.i.u.bf16.f32 v28;
	v24 =	vsub.bf16 v51, v50;
	v19 =	vadd.f32 v52, v19  }
0x8f: {  	v20 =	vadd.f32 v53, v20;
	v57 =	vmul.bf16 v23, v23;
	v21 =	vadd.f32 v55, v21  }
0x90: {  	v26 =	vmul.bf16 v56, v56;
	v18 =	vadd.f32 v58, v18;
	v24 =	vmul.bf16 v24, v24  }
0x91: {  	v19 =	vadd.f32 v22, v19;
	v20 =	vadd.f32 v54, v20;
	v59 =	vunpack.i.u.bf16.f32 v57  }
0x92: {  	v60 =	vunpack.i.l.bf16.f32 v26;
	v61 =	vunpack.i.u.bf16.f32 v26;
	v22 =	vunpack.i.l.bf16.f32 v57  }
0x93: {  	v62 =	vunpack.i.l.bf16.f32 v24;
	v21 =	vadd.f32 v60, v21;
	v18 =	vadd.f32 v61, v18  }
0x94: {  	v63 =	vunpack.i.u.bf16.f32 v24;
	v19 =	vadd.f32 v59, v19;
	v20 =	vadd.f32 v22, v20  }
0x95: {  	s1 =	sadd.s32 $0x1, s1;
	v21 =	vadd.f32 v62, v21;
	v18 =	vadd.f32 v63, v18  }
0x96: {  	p0 =	sne.s32 s1, $0x5  }
.Ltmp1:
0x97: {  	v19 =	vadd.f32 v19, v20;
	v18 =	vadd.f32 v18, v21;
	(pc) =	sbr.rel @p0 .LBB2_3-.Ltmp1, $3  }
0x98: {  	_ = 	snop  }
0x99: {  	v18 =	vadd.f32 v18, v19;
	_ =	sdelay $0x1  }
0x9a: {  	[tilespmem:v17+s0+$0x0 ss:$0x1] =	vst.idx.msk $0xffff, v18  }
0x9b: {  	s0 =	sadd.s32 $0xF0, s29  }
0x9c: {  	[tilespmem:s11], [sflag:$0x1] =	stream.indirect.gather [hbm4b:s3+s10], $0x40, s0, s10, $0xb8;
	[tilespmem:$0xED30] =	vst v63  }
0x9d: {  	s14 =	sadd.s32 $0x2800, s29  }
0x9e: {  	[tilespmem:s12], [sflag:$0x2] =	stream.indirect.gather [hbm4b:s3+s10], $0x40, s14, s10, $0xb8;
	[tilespmem:$0xED30] =	vst v63  }
0x9f: {  	_ =	swait.ge [sflag:s20], $0x1400  }
0xa0: {  	[sflag:s20] =	ssyncset.done $0x0  }
0xa1: {  	[sflag:s20] =	ssyncadd.s32 $0xFFFFEC00  }
0xa2: {  	_ =	swait.ge [sflag:s21], $0x1400  }
0xa3: {  	s24 =	sadd.s32 $0xC670, s30;
	[sflag:s21] =	ssyncset.done $0x0  }
0xa4: {  	s30 =	simm.s32 $0x0;
	s1 =	simm.s32 $0x0;
	v17 =	vmov s24;
	[sflag:s21] =	ssyncadd.s32 $0xFFFFEC00  }
.LBB2_7:
0xa5: {  	s0 =	sshll.u32 s1, $0x4  }
0xa6: {  	v18 =	vmov s0  }
0xa7: {  	v18 =	vshll.u32 v18, $0x6  }
0xa8: {  	v25 =	vor.u32 v1, v18  }
0xa9: {  	v18 =	vor.u32 v2, v25  }
0xaa: {  	v19 =	vor.u32 v0, v25;
	v23 =	vor.u32 s30, v18  }
0xab: {  	v24 =	vor.u32 s30, v19;
	_ =	sdelay $0x1  }
0xac: {  	v20 =	vor.u32 v4, v25  }
0xad: {  	v21 =	vor.u32 v3, v25;
	v27 =	vor.u32 s30, v20  }
0xae: {  	v32 =	vor.u32 s30, v21;
	v33 =	vld.idx.msk [tilespmem:v23+s15+$0x0], $0xffff  }
0xaf: {  	v34 =	vld.idx.msk [tilespmem:v24+s13+$0x0], $0xffff  }
0xb0: {  	v22 =	vor.u32 v6, v25;
	v23 =	vld.idx.msk [tilespmem:v23+s13+$0x0], $0xffff  }
0xb1: {  	v36 =	vor.u32 s30, v22;
	v35 =	vld.idx.msk [tilespmem:v24+s15+$0x0], $0xffff  }
0xb2: {  	v28 =	vor.u32 v9, v25;
	v37 =	vld.idx.msk [tilespmem:v27+s13+$0x0], $0xffff  }
0xb3: {  	v43 =	vor.u32 s30, v28;
	v41 =	vld.idx.msk [tilespmem:v32+s15+$0x0], $0xffff  }
0xb4: {  	v24 =	vor.u32 v5, v25;
	v39 =	vld.idx.msk [tilespmem:v27+s15+$0x0], $0xffff  }
0xb5: {  	v42 =	vld.idx.msk [tilespmem:v32+s13+$0x0], $0xffff;
	v38 =	vor.u32 s30, v24  }
0xb6: {  	v49 =	vimm.f32 $0.0e+00;
	v45 =	vld.idx.msk [tilespmem:v36+s15+$0x0], $0xffff  }
0xb7: {  	v26 =	vor.u32 v8, v25;
	v29 =	vor.u32 v7, v25;
	v30 =	vor.u32 v10, v25;
	v36 =	vld.idx.msk [tilespmem:v36+s13+$0x0], $0xffff  }
0xb8: {  	v31 =	vor.u32 v11, v25;
	v44 =	vor.u32 s30, v26;
	v55 =	vor.u32 s30, v29;
	v53 =	vld.idx.msk [tilespmem:v43+s13+$0x0], $0xffff  }
0xb9: {  	v32 =	vor.u32 v12, v25;
	v27 =	vor.u32 v14, v25;
	v56 =	vld.idx.msk [tilespmem:v43+s15+$0x0], $0xffff;
	v40 =	vsub.bf16 v23, v33  }
0xba: {  	v33 =	vor.u32 v13, v25;
	v23 =	vor.u32 v15, v25;
	v25 =	vor.u32 v16, v25;
	v46 =	vld.idx.msk [tilespmem:v38+s13+$0x0], $0xffff  }
0xbb: {  	v34 =	vsub.bf16 v34, v35;
	v47 =	vsub.bf16 v37, v39;
	v39 =	vor.u32 s30, v32;
	v48 =	vld.idx.msk [tilespmem:v38+s15+$0x0], $0xffff  }
0xbc: {  	v52 =	vsub.bf16 v36, v45;
	v41 =	vsub.bf16 v42, v41;
	v45 =	vor.u32 s30, v31  }
0xbd: {  	v63 =	vmul.bf16 v40, v40;
	v40 =	vor.u32 s30, v30;
	v34 =	vmul.bf16 v34, v34  }
0xbe: {  	v43 =	vld.idx.msk [tilespmem:v44+s13+$0x0], $0xffff;
	v53 =	vsub.bf16 v53, v56;
	v47 =	vmul.bf16 v47, v47;
	v42 =	vmul.bf16 v52, v52  }
0xbf: {  	v38 =	vld.idx.msk [tilespmem:v44+s15+$0x0], $0xffff;
	v35 =	vunpack.i.l.bf16.f32 v63;
	v50 =	vunpack.i.u.bf16.f32 v34;
	v51 =	vunpack.i.l.bf16.f32 v34  }
0xc0: {  	v34 =	vunpack.i.u.bf16.f32 v47;
	v54 =	vadd.f32 v35, v49;
	v35 =	vld.idx.msk [tilespmem:v39+s15+$0x0], $0xffff;
	v46 =	vsub.bf16 v46, v48  }
0xc1: {  	v47 =	vunpack.i.l.bf16.f32 v47;
	v44 =	vadd.f32 v51, v49;
	v51 =	vmul.bf16 v41, v41;
	v48 =	vld.idx.msk [tilespmem:v55+s13+$0x0], $0xffff  }
0xc2: {  	v37 =	vunpack.i.u.bf16.f32 v63;
	v36 =	vld.idx.msk [tilespmem:v40+s13+$0x0], $0xffff;
	v41 =	vadd.f32 v47, v54;
	v54 =	vmul.bf16 v46, v46  }
0xc3: {  	s24 =	simm.s32 $0x10;
	s14 =	simm.s32 $0x0;
	v50 =	vadd.f32 v50, v49;
	v47 =	vld.idx.msk [tilespmem:v55+s15+$0x0], $0xffff;
	v52 =	vunpack.i.l.bf16.f32 v51;
	v46 =	vor.u32 s30, v33  }
.LBB2_8:
0xc4: {  	p0 =	sne.s32 s24, $0x30;
	v37 =	vadd.f32 v37, v49;
	v49 =	vunpack.i.u.bf16.f32 v54;
	v54 =	vunpack.i.l.bf16.f32 v54;
	v40 =	vld.idx.msk [tilespmem:v40+s15+$0x0], $0xffff;
	s9 =	smov.u32 s24;
	s24 =	sadd.s32 $0x10, s24  }
0xc5: {  	v51 =	vunpack.i.u.bf16.f32 v51;
	v55 =	vunpack.i.u.bf16.f32 v42;
	v53 =	vmul.bf16 v53, v53;
	v39 =	vld.idx.msk [tilespmem:v39+s13+$0x0], $0xffff  }
0xc6: {  	v44 =	vadd.f32 v52, v44;
	v38 =	vsub.bf16 v43, v38;
	v52 =	vor.u32 s14, v27;
	v43 =	vld.idx.msk [tilespmem:v45+s13+$0x0], $0xffff  }
0xc7: {  	v56 =	vor.u32 s14, v25;
	v50 =	vadd.f32 v51, v50;
	v51 =	vunpack.i.u.bf16.f32 v53;
	v45 =	vld.idx.msk [tilespmem:v45+s15+$0x0], $0xffff  }
0xc8: {  	v44 =	vadd.f32 v54, v44;
	v38 =	vmul.bf16 v38, v38;
	v53 =	vunpack.i.l.bf16.f32 v53  }
0xc9: {  	v49 =	vadd.f32 v49, v50;
	v50 =	vor.u32 s14, v23;
	s14 =	smov.u32 s9;
	v47 =	vsub.bf16 v48, v47;
	v48 =	vld.idx.msk [tilespmem:v46+s15+$0x0], $0xffff  }
0xca: {  	v42 =	vunpack.i.l.bf16.f32 v42;
	v54 =	vunpack.i.u.bf16.f32 v38;
	v38 =	vunpack.i.l.bf16.f32 v38;
	v46 =	vld.idx.msk [tilespmem:v46+s13+$0x0], $0xffff  }
0xcb: {  	v41 =	vadd.f32 v42, v41;
	v36 =	vsub.bf16 v36, v40;
	v42 =	vmul.bf16 v47, v47;
	v40 =	vld.idx.msk [tilespmem:v52+s13+$0x0], $0xffff  }
0xcc: {  	v34 =	vadd.f32 v34, v37;
	v57 =	vor.u32 s14, v18;
	v47 =	vor.u32 s14, v19;
	v37 =	vld.idx.msk [tilespmem:v56+s15+$0x0], $0xffff  }
0xcd: {  	v41 =	vadd.f32 v53, v41;
	v53 =	vunpack.i.l.bf16.f32 v42;
	v43 =	vsub.bf16 v43, v45;
	v45 =	vld.idx.msk [tilespmem:v52+s15+$0x0], $0xffff  }
0xce: {  	v35 =	vsub.bf16 v39, v35;
	v36 =	vmul.bf16 v36, v36;
	v42 =	vunpack.i.u.bf16.f32 v42;
	v39 =	vld.idx.msk [tilespmem:v56+s13+$0x0], $0xffff  }
0xcf: {  	v34 =	vadd.f32 v55, v34;
	v49 =	vadd.f32 v54, v49;
	v43 =	vmul.bf16 v43, v43;
	v52 =	vld.idx.msk [tilespmem:v50+s15+$0x0], $0xffff  }
0xd0: {  	v54 =	vunpack.i.u.bf16.f32 v36;
	v36 =	vunpack.i.l.bf16.f32 v36;
	v46 =	vsub.bf16 v46, v48;
	v48 =	vld.idx.msk [tilespmem:v50+s13+$0x0], $0xffff  }
0xd1: {  	v55 =	vor.u32 s14, v20;
	v38 =	vadd.f32 v38, v44;
	v36 =	vadd.f32 v36, v41;
	v50 =	vld.idx.msk [tilespmem:v57+s15+$0x0], $0xffff  }
0xd2: {  	v44 =	vor.u32 s14, v21;
	v42 =	vadd.f32 v42, v49;
	v46 =	vmul.bf16 v46, v46;
	v41 =	vld.idx.msk [tilespmem:v47+s13+$0x0], $0xffff  }
0xd3: {  	v34 =	vadd.f32 v51, v34;
	v35 =	vmul.bf16 v35, v35;
	v51 =	vunpack.i.u.bf16.f32 v43;
	v49 =	vld.idx.msk [tilespmem:v57+s13+$0x0], $0xffff  }
0xd4: {  	v38 =	vadd.f32 v53, v38;
	v43 =	vunpack.i.l.bf16.f32 v43;
	v53 =	vunpack.i.l.bf16.f32 v46;
	v47 =	vld.idx.msk [tilespmem:v47+s15+$0x0], $0xffff  }
0xd5: {  	v42 =	vadd.f32 v51, v42;
	v51 =	vunpack.i.u.bf16.f32 v35;
	v46 =	vunpack.i.u.bf16.f32 v46  }
0xd6: {  	v58 =	vor.u32 s14, v22;
	v34 =	vadd.f32 v54, v34;
	v57 =	vor.u32 s14, v24;
	v56 =	vld.idx.msk [tilespmem:v55+s13+$0x0], $0xffff  }
0xd7: {  	v35 =	vunpack.i.l.bf16.f32 v35;
	v40 =	vsub.bf16 v40, v45;
	v45 =	vsub.bf16 v48, v52;
	v54 =	vld.idx.msk [tilespmem:v44+s15+$0x0], $0xffff  }
0xd8: {  	v38 =	vadd.f32 v43, v38;
	v42 =	vadd.f32 v46, v42;
	v48 =	vld.idx.msk [tilespmem:v55+s15+$0x0], $0xffff  }
0xd9: {  	v39 =	vsub.bf16 v39, v37;
	v43 =	vsub.bf16 v49, v50;
	v46 =	vld.idx.msk [tilespmem:v44+s13+$0x0], $0xffff;
	v44 =	vmul.bf16 v45, v45  }
0xda: {  	v35 =	vadd.f32 v35, v36;
	v37 =	vsub.bf16 v41, v47;
	v41 =	vor.u32 s14, v26  }
0xdb: {  	v38 =	vadd.f32 v53, v38;
	v36 =	vmul.bf16 v43, v43;
	v43 =	vld.idx.msk [tilespmem:v58+s15+$0x0], $0xffff;
	v45 =	vunpack.i.u.bf16.f32 v44  }
0xdc: {  	v40 =	vmul.bf16 v40, v40;
	v50 =	vor.u32 s14, v28;
	v47 =	vmul.bf16 v37, v37;
	v49 =	vld.idx.msk [tilespmem:v57+s13+$0x0], $0xffff  }
0xdd: {  	v37 =	vunpack.i.u.bf16.f32 v36;
	v36 =	vunpack.i.l.bf16.f32 v36;
	v53 =	vadd.f32 v45, v42;
	v52 =	vld.idx.msk [tilespmem:v58+s13+$0x0], $0xffff  }
0xde: {  	v55 =	vunpack.i.u.bf16.f32 v47;
	v42 =	vsub.bf16 v56, v48;
	v48 =	vunpack.i.l.bf16.f32 v40;
	v45 =	vld.idx.msk [tilespmem:v57+s15+$0x0], $0xffff  }
0xdf: {  	v44 =	vunpack.i.l.bf16.f32 v44;
	v47 =	vunpack.i.l.bf16.f32 v47;
	v56 =	vmul.bf16 v39, v39  }
0xe0: {  	v51 =	vadd.f32 v51, v34;
	v44 =	vadd.f32 v44, v38;
	v57 =	vunpack.i.u.bf16.f32 v40  }
0xe1: {  	v40 =	vor.u32 s14, v30;
	v42 =	vmul.bf16 v42, v42;
	v59 =	vunpack.i.l.bf16.f32 v56;
	v58 =	vld.idx.msk [tilespmem:v50+s13+$0x0], $0xffff  }
0xe2: {  	v60 =	vor.u32 s14, v29;
	v39 =	vor.u32 s14, v32;
	v35 =	vadd.f32 v48, v35;
	v38 =	vld.idx.msk [tilespmem:v41+s15+$0x0], $0xffff  }
0xe3: {  	v34 =	vunpack.i.u.bf16.f32 v42;
	v48 =	vunpack.i.l.bf16.f32 v42;
	v61 =	vld.idx.msk [tilespmem:v50+s15+$0x0], $0xffff;
	v50 =	vadd.f32 v57, v51  }
0xe4: {  	v35 =	vadd.f32 v59, v35;
	v42 =	vsub.bf16 v52, v43;
	v43 =	vld.idx.msk [tilespmem:v41+s13+$0x0], $0xffff  }
.Ltmp2:
0xe5: {  	v44 =	vadd.f32 v47, v44;
	v41 =	vsub.bf16 v46, v54;
	v46 =	vunpack.i.u.bf16.f32 v56;
	(pc) =	sbr.rel @p0 .LBB2_8-.Ltmp2, $4  }
0xe6: {  	v47 =	vadd.f32 v36, v35;
	v52 =	vsub.bf16 v49, v45;
	v45 =	vor.u32 s14, v31;
	v36 =	vld.idx.msk [tilespmem:v40+s13+$0x0], $0xffff  }
0xe7: {  	v42 =	vmul.bf16 v42, v42;
	v49 =	vadd.f32 v46, v50;
	v51 =	vmul.bf16 v41, v41;
	v35 =	vld.idx.msk [tilespmem:v39+s15+$0x0], $0xffff  }
0xe8: {  	v50 =	vadd.f32 v55, v53;
	v54 =	vmul.bf16 v52, v52;
	v41 =	vadd.f32 v48, v47;
	v47 =	vld.idx.msk [tilespmem:v60+s15+$0x0], $0xffff  }
0xe9: {  	v46 =	vor.u32 s14, v33;
	v52 =	vunpack.i.l.bf16.f32 v51;
	v53 =	vsub.bf16 v58, v61;
	v48 =	vld.idx.msk [tilespmem:v60+s13+$0x0], $0xffff  }
0xea: {  	_ =	sdelay $0x3  }
0xeb: {  	v18 =	vadd.f32 v37, v49;
	v21 =	vld.idx.msk [tilespmem:v40+s15+$0x0], $0xffff  }
0xec: {  	v19 =	vunpack.i.u.bf16.f32 v54;
	v20 =	vunpack.i.l.bf16.f32 v54;
	v22 =	vunpack.i.u.bf16.f32 v51;
	v28 =	vld.idx.msk [tilespmem:v39+s13+$0x0], $0xffff  }
0xed: {  	v26 =	vunpack.i.u.bf16.f32 v42;
	v29 =	vadd.f32 v52, v44;
	v30 =	vsub.bf16 v43, v38;
	v31 =	vld.idx.msk [tilespmem:v45+s13+$0x0], $0xffff  }
0xee: {  	v27 =	vor.u32 s14, v27;
	v33 =	vld.idx.msk [tilespmem:v45+s15+$0x0], $0xffff;
	v23 =	vor.u32 s14, v23;
	v43 =	vunpack.i.l.bf16.f32 v42  }
0xef: {  	v63 =	vld.idx.msk [tilespmem:v46+s15+$0x0], $0xffff;
	v24 =	vmul.bf16 v53, v53;
	v22 =	vadd.f32 v22, v50;
	v38 =	vadd.f32 v43, v41  }
0xf0: {  	v44 =	vld.idx.msk [tilespmem:v46+s13+$0x0], $0xffff;
	v20 =	vadd.f32 v20, v29;
	v61 =	vmul.bf16 v30, v30;
	v18 =	vadd.f32 v34, v18  }
0xf1: {  	v32 =	vunpack.i.u.bf16.f32 v24;
	v24 =	vunpack.i.l.bf16.f32 v24;
	v19 =	vadd.f32 v19, v22  }
0xf2: {  	v25 =	vor.u32 s14, v25;
	v62 =	vsub.bf16 v48, v47;
	v24 =	vadd.f32 v24, v38  }
0xf3: {  	v45 =	vunpack.i.u.bf16.f32 v61;
	v18 =	vadd.f32 v26, v18;
	v21 =	vsub.bf16 v36, v21;
	v46 =	vld.idx.msk [tilespmem:v27+s13+$0x0], $0xffff  }
0xf4: {  	v29 =	vunpack.i.l.bf16.f32 v61;
	v31 =	vsub.bf16 v31, v33;
	v28 =	vsub.bf16 v28, v35;
	v48 =	vld.idx.msk [tilespmem:v23+s15+$0x0], $0xffff  }
0xf5: {  	v19 =	vadd.f32 v45, v19;
	v22 =	vsub.bf16 v44, v63;
	v23 =	vld.idx.msk [tilespmem:v23+s13+$0x0], $0xffff;
	v30 =	vmul.bf16 v62, v62  }
0xf6: {  	v27 =	vld.idx.msk [tilespmem:v27+s15+$0x0], $0xffff;
	v20 =	vadd.f32 v29, v20;
	v21 =	vmul.bf16 v21, v21;
	v31 =	vmul.bf16 v31, v31  }
0xf7: {  	v50 =	vld.idx.msk [tilespmem:v25+s15+$0x0], $0xffff;
	v18 =	vadd.f32 v32, v18;
	v22 =	vmul.bf16 v22, v22;
	v28 =	vmul.bf16 v28, v28  }
0xf8: {  	v51 =	vld.idx.msk [tilespmem:v25+s13+$0x0], $0xffff;
	v47 =	vunpack.i.l.bf16.f32 v30;
	v30 =	vunpack.i.u.bf16.f32 v30;
	v49 =	vunpack.i.u.bf16.f32 v21  }
0xf9: {  	v21 =	vunpack.i.l.bf16.f32 v21;
	v19 =	vadd.f32 v30, v19;
	v52 =	vunpack.i.u.bf16.f32 v31  }
0xfa: {  	v20 =	vadd.f32 v47, v20;
	v53 =	vunpack.i.l.bf16.f32 v31;
	v54 =	vunpack.i.l.bf16.f32 v22  }
0xfb: {  	v22 =	vunpack.i.u.bf16.f32 v22;
	v21 =	vadd.f32 v21, v24;
	v23 =	vsub.bf16 v23, v48  }
0xfc: {  	v55 =	vunpack.i.l.bf16.f32 v28;
	v18 =	vadd.f32 v49, v18;
	v56 =	vsub.bf16 v46, v27  }
0xfd: {  	v58 =	vunpack.i.u.bf16.f32 v28;
	v24 =	vsub.bf16 v51, v50;
	v19 =	vadd.f32 v52, v19  }
0xfe: {  	v20 =	vadd.f32 v53, v20;
	v57 =	vmul.bf16 v23, v23;
	v21 =	vadd.f32 v55, v21  }
0xff: {  	v26 =	vmul.bf16 v56, v56;
	v18 =	vadd.f32 v58, v18;
	v24 =	vmul.bf16 v24, v24  }
0x100: {  	v19 =	vadd.f32 v22, v19;
	v20 =	vadd.f32 v54, v20;
	v59 =	vunpack.i.u.bf16.f32 v57  }
0x101: {  	v60 =	vunpack.i.l.bf16.f32 v26;
	v61 =	vunpack.i.u.bf16.f32 v26;
	v22 =	vunpack.i.l.bf16.f32 v57  }
0x102: {  	v62 =	vunpack.i.l.bf16.f32 v24;
	v21 =	vadd.f32 v60, v21;
	v18 =	vadd.f32 v61, v18  }
0x103: {  	v63 =	vunpack.i.u.bf16.f32 v24;
	v19 =	vadd.f32 v59, v19;
	v20 =	vadd.f32 v22, v20  }
0x104: {  	s1 =	sadd.s32 $0x1, s1;
	v21 =	vadd.f32 v62, v21;
	v18 =	vadd.f32 v63, v18  }
0x105: {  	p0 =	sne.s32 s1, $0x5  }
.Ltmp3:
0x106: {  	v19 =	vadd.f32 v19, v20;
	v18 =	vadd.f32 v18, v21;
	(pc) =	sbr.rel @p0 .LBB2_7-.Ltmp3, $3  }
0x107: {  	_ = 	snop  }
0x108: {  	v18 =	vadd.f32 v18, v19;
	_ =	sdelay $0x1  }
0x109: {  	[tilespmem:v17+s0+$0x0 ss:$0x1] =	vst.idx.msk $0xffff, v18  }
0x10a: {  	s0 =	sadd.s32 $0x140, s29  }
0x10b: {  	[tilespmem:s13], [sflag:$0x3] =	stream.indirect.gather [hbm4b:s3+s10], $0x40, s0, s10, $0xb8;
	[tilespmem:$0xED30] =	vst v63  }
0x10c: {  	s29 =	sadd.s32 $0x2850, s29  }
0x10d: {  	[tilespmem:s15], [sflag:$0x4] =	stream.indirect.gather [hbm4b:s3+s10], $0x40, s29, s10, $0xb8;
	[tilespmem:$0xED30] =	vst v63  }
0x10e: {  	_ =	swait.ge [sflag:s22], $0x1400  }
0x10f: {  	[sflag:s22] =	ssyncset.done $0x0  }
0x110: {  	[sflag:s22] =	ssyncadd.s32 $0xFFFFEC00  }
0x111: {  	_ =	swait.ge [sflag:s23], $0x1400  }
0x112: {  	s30 =	sadd.s32 $0xC620, s28;
	[sflag:s23] =	ssyncset.done $0x0  }
0x113: {  	s28 =	simm.s32 $0x0;
	s1 =	simm.s32 $0x0;
	v17 =	vmov s30;
	[sflag:s23] =	ssyncadd.s32 $0xFFFFEC00  }
.LBB2_11:
0x114: {  	s0 =	sshll.u32 s1, $0x4  }
0x115: {  	v18 =	vmov s0  }
0x116: {  	v18 =	vshll.u32 v18, $0x6  }
0x117: {  	v25 =	vor.u32 v1, v18  }
0x118: {  	v18 =	vor.u32 v2, v25  }
0x119: {  	v19 =	vor.u32 v0, v25;
	v23 =	vor.u32 s28, v18  }
0x11a: {  	v24 =	vor.u32 s28, v19;
	_ =	sdelay $0x1  }
0x11b: {  	v20 =	vor.u32 v4, v25  }
0x11c: {  	v21 =	vor.u32 v3, v25;
	v27 =	vor.u32 s28, v20  }
0x11d: {  	v32 =	vor.u32 s28, v21;
	v33 =	vld.idx.msk [tilespmem:v23+s17+$0x0], $0xffff  }
0x11e: {  	v34 =	vld.idx.msk [tilespmem:v24+s16+$0x0], $0xffff  }
0x11f: {  	v22 =	vor.u32 v6, v25;
	v23 =	vld.idx.msk [tilespmem:v23+s16+$0x0], $0xffff  }
0x120: {  	v36 =	vor.u32 s28, v22;
	v35 =	vld.idx.msk [tilespmem:v24+s17+$0x0], $0xffff  }
0x121: {  	v28 =	vor.u32 v9, v25;
	v37 =	vld.idx.msk [tilespmem:v27+s16+$0x0], $0xffff  }
0x122: {  	v43 =	vor.u32 s28, v28;
	v41 =	vld.idx.msk [tilespmem:v32+s17+$0x0], $0xffff  }
0x123: {  	v24 =	vor.u32 v5, v25;
	v39 =	vld.idx.msk [tilespmem:v27+s17+$0x0], $0xffff  }
0x124: {  	v42 =	vld.idx.msk [tilespmem:v32+s16+$0x0], $0xffff;
	v38 =	vor.u32 s28, v24  }
0x125: {  	v49 =	vimm.f32 $0.0e+00;
	v45 =	vld.idx.msk [tilespmem:v36+s17+$0x0], $0xffff  }
0x126: {  	v26 =	vor.u32 v8, v25;
	v29 =	vor.u32 v7, v25;
	v30 =	vor.u32 v10, v25;
	v36 =	vld.idx.msk [tilespmem:v36+s16+$0x0], $0xffff  }
0x127: {  	v31 =	vor.u32 v11, v25;
	v44 =	vor.u32 s28, v26;
	v55 =	vor.u32 s28, v29;
	v53 =	vld.idx.msk [tilespmem:v43+s16+$0x0], $0xffff  }
0x128: {  	v32 =	vor.u32 v12, v25;
	v27 =	vor.u32 v14, v25;
	v56 =	vld.idx.msk [tilespmem:v43+s17+$0x0], $0xffff;
	v40 =	vsub.bf16 v23, v33  }
0x129: {  	v33 =	vor.u32 v13, v25;
	v23 =	vor.u32 v15, v25;
	v25 =	vor.u32 v16, v25;
	v46 =	vld.idx.msk [tilespmem:v38+s16+$0x0], $0xffff  }
0x12a: {  	v34 =	vsub.bf16 v34, v35;
	v47 =	vsub.bf16 v37, v39;
	v39 =	vor.u32 s28, v32;
	v48 =	vld.idx.msk [tilespmem:v38+s17+$0x0], $0xffff  }
0x12b: {  	v52 =	vsub.bf16 v36, v45;
	v41 =	vsub.bf16 v42, v41;
	v45 =	vor.u32 s28, v31  }
0x12c: {  	v63 =	vmul.bf16 v40, v40;
	v40 =	vor.u32 s28, v30;
	v34 =	vmul.bf16 v34, v34  }
0x12d: {  	v43 =	vld.idx.msk [tilespmem:v44+s16+$0x0], $0xffff;
	v53 =	vsub.bf16 v53, v56;
	v47 =	vmul.bf16 v47, v47;
	v42 =	vmul.bf16 v52, v52  }
0x12e: {  	v38 =	vld.idx.msk [tilespmem:v44+s17+$0x0], $0xffff;
	v35 =	vunpack.i.l.bf16.f32 v63;
	v50 =	vunpack.i.u.bf16.f32 v34;
	v51 =	vunpack.i.l.bf16.f32 v34  }
0x12f: {  	v34 =	vunpack.i.u.bf16.f32 v47;
	v54 =	vadd.f32 v35, v49;
	v35 =	vld.idx.msk [tilespmem:v39+s17+$0x0], $0xffff;
	v46 =	vsub.bf16 v46, v48  }
0x130: {  	v47 =	vunpack.i.l.bf16.f32 v47;
	v44 =	vadd.f32 v51, v49;
	v51 =	vmul.bf16 v41, v41;
	v48 =	vld.idx.msk [tilespmem:v55+s16+$0x0], $0xffff  }
0x131: {  	v37 =	vunpack.i.u.bf16.f32 v63;
	v36 =	vld.idx.msk [tilespmem:v40+s16+$0x0], $0xffff;
	v41 =	vadd.f32 v47, v54;
	v54 =	vmul.bf16 v46, v46  }
0x132: {  	s24 =	simm.s32 $0x10;
	s14 =	simm.s32 $0x0;
	v50 =	vadd.f32 v50, v49;
	v47 =	vld.idx.msk [tilespmem:v55+s17+$0x0], $0xffff;
	v52 =	vunpack.i.l.bf16.f32 v51;
	v46 =	vor.u32 s28, v33  }
.LBB2_12:
0x133: {  	p0 =	sne.s32 s24, $0x30;
	v37 =	vadd.f32 v37, v49;
	v49 =	vunpack.i.u.bf16.f32 v54;
	v54 =	vunpack.i.l.bf16.f32 v54;
	v40 =	vld.idx.msk [tilespmem:v40+s17+$0x0], $0xffff;
	s9 =	smov.u32 s24;
	s24 =	sadd.s32 $0x10, s24  }
0x134: {  	v51 =	vunpack.i.u.bf16.f32 v51;
	v55 =	vunpack.i.u.bf16.f32 v42;
	v53 =	vmul.bf16 v53, v53;
	v39 =	vld.idx.msk [tilespmem:v39+s16+$0x0], $0xffff  }
0x135: {  	v44 =	vadd.f32 v52, v44;
	v38 =	vsub.bf16 v43, v38;
	v52 =	vor.u32 s14, v27;
	v43 =	vld.idx.msk [tilespmem:v45+s16+$0x0], $0xffff  }
0x136: {  	v56 =	vor.u32 s14, v25;
	v50 =	vadd.f32 v51, v50;
	v51 =	vunpack.i.u.bf16.f32 v53;
	v45 =	vld.idx.msk [tilespmem:v45+s17+$0x0], $0xffff  }
0x137: {  	v44 =	vadd.f32 v54, v44;
	v38 =	vmul.bf16 v38, v38;
	v53 =	vunpack.i.l.bf16.f32 v53  }
0x138: {  	v49 =	vadd.f32 v49, v50;
	v50 =	vor.u32 s14, v23;
	s14 =	smov.u32 s9;
	v47 =	vsub.bf16 v48, v47;
	v48 =	vld.idx.msk [tilespmem:v46+s17+$0x0], $0xffff  }
0x139: {  	v42 =	vunpack.i.l.bf16.f32 v42;
	v54 =	vunpack.i.u.bf16.f32 v38;
	v38 =	vunpack.i.l.bf16.f32 v38;
	v46 =	vld.idx.msk [tilespmem:v46+s16+$0x0], $0xffff  }
0x13a: {  	v41 =	vadd.f32 v42, v41;
	v36 =	vsub.bf16 v36, v40;
	v42 =	vmul.bf16 v47, v47;
	v40 =	vld.idx.msk [tilespmem:v52+s16+$0x0], $0xffff  }
0x13b: {  	v34 =	vadd.f32 v34, v37;
	v57 =	vor.u32 s14, v18;
	v47 =	vor.u32 s14, v19;
	v37 =	vld.idx.msk [tilespmem:v56+s17+$0x0], $0xffff  }
0x13c: {  	v41 =	vadd.f32 v53, v41;
	v53 =	vunpack.i.l.bf16.f32 v42;
	v43 =	vsub.bf16 v43, v45;
	v45 =	vld.idx.msk [tilespmem:v52+s17+$0x0], $0xffff  }
0x13d: {  	v35 =	vsub.bf16 v39, v35;
	v36 =	vmul.bf16 v36, v36;
	v42 =	vunpack.i.u.bf16.f32 v42;
	v39 =	vld.idx.msk [tilespmem:v56+s16+$0x0], $0xffff  }
0x13e: {  	v34 =	vadd.f32 v55, v34;
	v49 =	vadd.f32 v54, v49;
	v43 =	vmul.bf16 v43, v43;
	v52 =	vld.idx.msk [tilespmem:v50+s17+$0x0], $0xffff  }
0x13f: {  	v54 =	vunpack.i.u.bf16.f32 v36;
	v36 =	vunpack.i.l.bf16.f32 v36;
	v46 =	vsub.bf16 v46, v48;
	v48 =	vld.idx.msk [tilespmem:v50+s16+$0x0], $0xffff  }
0x140: {  	v55 =	vor.u32 s14, v20;
	v38 =	vadd.f32 v38, v44;
	v36 =	vadd.f32 v36, v41;
	v50 =	vld.idx.msk [tilespmem:v57+s17+$0x0], $0xffff  }
0x141: {  	v44 =	vor.u32 s14, v21;
	v42 =	vadd.f32 v42, v49;
	v46 =	vmul.bf16 v46, v46;
	v41 =	vld.idx.msk [tilespmem:v47+s16+$0x0], $0xffff  }
0x142: {  	v34 =	vadd.f32 v51, v34;
	v35 =	vmul.bf16 v35, v35;
	v51 =	vunpack.i.u.bf16.f32 v43;
	v49 =	vld.idx.msk [tilespmem:v57+s16+$0x0], $0xffff  }
0x143: {  	v38 =	vadd.f32 v53, v38;
	v43 =	vunpack.i.l.bf16.f32 v43;
	v53 =	vunpack.i.l.bf16.f32 v46;
	v47 =	vld.idx.msk [tilespmem:v47+s17+$0x0], $0xffff  }
0x144: {  	v42 =	vadd.f32 v51, v42;
	v51 =	vunpack.i.u.bf16.f32 v35;
	v46 =	vunpack.i.u.bf16.f32 v46  }
0x145: {  	v58 =	vor.u32 s14, v22;
	v34 =	vadd.f32 v54, v34;
	v57 =	vor.u32 s14, v24;
	v56 =	vld.idx.msk [tilespmem:v55+s16+$0x0], $0xffff  }
0x146: {  	v35 =	vunpack.i.l.bf16.f32 v35;
	v40 =	vsub.bf16 v40, v45;
	v45 =	vsub.bf16 v48, v52;
	v54 =	vld.idx.msk [tilespmem:v44+s17+$0x0], $0xffff  }
0x147: {  	v38 =	vadd.f32 v43, v38;
	v42 =	vadd.f32 v46, v42;
	v48 =	vld.idx.msk [tilespmem:v55+s17+$0x0], $0xffff  }
0x148: {  	v39 =	vsub.bf16 v39, v37;
	v43 =	vsub.bf16 v49, v50;
	v46 =	vld.idx.msk [tilespmem:v44+s16+$0x0], $0xffff;
	v44 =	vmul.bf16 v45, v45  }
0x149: {  	v35 =	vadd.f32 v35, v36;
	v37 =	vsub.bf16 v41, v47;
	v41 =	vor.u32 s14, v26  }
0x14a: {  	v38 =	vadd.f32 v53, v38;
	v36 =	vmul.bf16 v43, v43;
	v43 =	vld.idx.msk [tilespmem:v58+s17+$0x0], $0xffff;
	v45 =	vunpack.i.u.bf16.f32 v44  }
0x14b: {  	v40 =	vmul.bf16 v40, v40;
	v50 =	vor.u32 s14, v28;
	v47 =	vmul.bf16 v37, v37;
	v49 =	vld.idx.msk [tilespmem:v57+s16+$0x0], $0xffff  }
0x14c: {  	v37 =	vunpack.i.u.bf16.f32 v36;
	v36 =	vunpack.i.l.bf16.f32 v36;
	v53 =	vadd.f32 v45, v42;
	v52 =	vld.idx.msk [tilespmem:v58+s16+$0x0], $0xffff  }
0x14d: {  	v55 =	vunpack.i.u.bf16.f32 v47;
	v42 =	vsub.bf16 v56, v48;
	v48 =	vunpack.i.l.bf16.f32 v40;
	v45 =	vld.idx.msk [tilespmem:v57+s17+$0x0], $0xffff  }
0x14e: {  	v44 =	vunpack.i.l.bf16.f32 v44;
	v47 =	vunpack.i.l.bf16.f32 v47;
	v56 =	vmul.bf16 v39, v39  }
0x14f: {  	v51 =	vadd.f32 v51, v34;
	v44 =	vadd.f32 v44, v38;
	v57 =	vunpack.i.u.bf16.f32 v40  }
0x150: {  	v40 =	vor.u32 s14, v30;
	v42 =	vmul.bf16 v42, v42;
	v59 =	vunpack.i.l.bf16.f32 v56;
	v58 =	vld.idx.msk [tilespmem:v50+s16+$0x0], $0xffff  }
0x151: {  	v60 =	vor.u32 s14, v29;
	v39 =	vor.u32 s14, v32;
	v35 =	vadd.f32 v48, v35;
	v38 =	vld.idx.msk [tilespmem:v41+s17+$0x0], $0xffff  }
0x152: {  	v34 =	vunpack.i.u.bf16.f32 v42;
	v48 =	vunpack.i.l.bf16.f32 v42;
	v61 =	vld.idx.msk [tilespmem:v50+s17+$0x0], $0xffff;
	v50 =	vadd.f32 v57, v51  }
0x153: {  	v35 =	vadd.f32 v59, v35;
	v42 =	vsub.bf16 v52, v43;
	v43 =	vld.idx.msk [tilespmem:v41+s16+$0x0], $0xffff  }
.Ltmp4:
0x154: {  	v44 =	vadd.f32 v47, v44;
	v41 =	vsub.bf16 v46, v54;
	v46 =	vunpack.i.u.bf16.f32 v56;
	(pc) =	sbr.rel @p0 .LBB2_12-.Ltmp4, $4  }
0x155: {  	v47 =	vadd.f32 v36, v35;
	v52 =	vsub.bf16 v49, v45;
	v45 =	vor.u32 s14, v31;
	v36 =	vld.idx.msk [tilespmem:v40+s16+$0x0], $0xffff  }
0x156: {  	v42 =	vmul.bf16 v42, v42;
	v49 =	vadd.f32 v46, v50;
	v51 =	vmul.bf16 v41, v41;
	v35 =	vld.idx.msk [tilespmem:v39+s17+$0x0], $0xffff  }
0x157: {  	v50 =	vadd.f32 v55, v53;
	v54 =	vmul.bf16 v52, v52;
	v41 =	vadd.f32 v48, v47;
	v47 =	vld.idx.msk [tilespmem:v60+s17+$0x0], $0xffff  }
0x158: {  	v46 =	vor.u32 s14, v33;
	v52 =	vunpack.i.l.bf16.f32 v51;
	v53 =	vsub.bf16 v58, v61;
	v48 =	vld.idx.msk [tilespmem:v60+s16+$0x0], $0xffff  }
0x159: {  	_ =	sdelay $0x3  }
0x15a: {  	v18 =	vadd.f32 v37, v49;
	v21 =	vld.idx.msk [tilespmem:v40+s17+$0x0], $0xffff  }
0x15b: {  	v19 =	vunpack.i.u.bf16.f32 v54;
	v20 =	vunpack.i.l.bf16.f32 v54;
	v22 =	vunpack.i.u.bf16.f32 v51;
	v28 =	vld.idx.msk [tilespmem:v39+s16+$0x0], $0xffff  }
0x15c: {  	v26 =	vunpack.i.u.bf16.f32 v42;
	v29 =	vadd.f32 v52, v44;
	v30 =	vsub.bf16 v43, v38;
	v31 =	vld.idx.msk [tilespmem:v45+s16+$0x0], $0xffff  }
0x15d: {  	v27 =	vor.u32 s14, v27;
	v33 =	vld.idx.msk [tilespmem:v45+s17+$0x0], $0xffff;
	v23 =	vor.u32 s14, v23;
	v43 =	vunpack.i.l.bf16.f32 v42  }
0x15e: {  	v63 =	vld.idx.msk [tilespmem:v46+s17+$0x0], $0xffff;
	v24 =	vmul.bf16 v53, v53;
	v22 =	vadd.f32 v22, v50;
	v38 =	vadd.f32 v43, v41  }
0x15f: {  	v44 =	vld.idx.msk [tilespmem:v46+s16+$0x0], $0xffff;
	v20 =	vadd.f32 v20, v29;
	v61 =	vmul.bf16 v30, v30;
	v18 =	vadd.f32 v34, v18  }
0x160: {  	v32 =	vunpack.i.u.bf16.f32 v24;
	v24 =	vunpack.i.l.bf16.f32 v24;
	v19 =	vadd.f32 v19, v22  }
0x161: {  	v25 =	vor.u32 s14, v25;
	v62 =	vsub.bf16 v48, v47;
	v24 =	vadd.f32 v24, v38  }
0x162: {  	v45 =	vunpack.i.u.bf16.f32 v61;
	v18 =	vadd.f32 v26, v18;
	v21 =	vsub.bf16 v36, v21;
	v46 =	vld.idx.msk [tilespmem:v27+s16+$0x0], $0xffff  }
0x163: {  	v29 =	vunpack.i.l.bf16.f32 v61;
	v31 =	vsub.bf16 v31, v33;
	v28 =	vsub.bf16 v28, v35;
	v48 =	vld.idx.msk [tilespmem:v23+s17+$0x0], $0xffff  }
0x164: {  	v19 =	vadd.f32 v45, v19;
	v22 =	vsub.bf16 v44, v63;
	v23 =	vld.idx.msk [tilespmem:v23+s16+$0x0], $0xffff;
	v30 =	vmul.bf16 v62, v62  }
0x165: {  	v27 =	vld.idx.msk [tilespmem:v27+s17+$0x0], $0xffff;
	v20 =	vadd.f32 v29, v20;
	v21 =	vmul.bf16 v21, v21;
	v31 =	vmul.bf16 v31, v31  }
0x166: {  	v50 =	vld.idx.msk [tilespmem:v25+s17+$0x0], $0xffff;
	v18 =	vadd.f32 v32, v18;
	v22 =	vmul.bf16 v22, v22;
	v28 =	vmul.bf16 v28, v28  }
0x167: {  	v51 =	vld.idx.msk [tilespmem:v25+s16+$0x0], $0xffff;
	v47 =	vunpack.i.l.bf16.f32 v30;
	v30 =	vunpack.i.u.bf16.f32 v30;
	v49 =	vunpack.i.u.bf16.f32 v21  }
0x168: {  	v21 =	vunpack.i.l.bf16.f32 v21;
	v19 =	vadd.f32 v30, v19;
	v52 =	vunpack.i.u.bf16.f32 v31  }
0x169: {  	v20 =	vadd.f32 v47, v20;
	v53 =	vunpack.i.l.bf16.f32 v31;
	v54 =	vunpack.i.l.bf16.f32 v22  }
0x16a: {  	v22 =	vunpack.i.u.bf16.f32 v22;
	v21 =	vadd.f32 v21, v24;
	v23 =	vsub.bf16 v23, v48  }
0x16b: {  	v55 =	vunpack.i.l.bf16.f32 v28;
	v18 =	vadd.f32 v49, v18;
	v56 =	vsub.bf16 v46, v27  }
0x16c: {  	v58 =	vunpack.i.u.bf16.f32 v28;
	v24 =	vsub.bf16 v51, v50;
	v19 =	vadd.f32 v52, v19  }
0x16d: {  	v20 =	vadd.f32 v53, v20;
	v57 =	vmul.bf16 v23, v23;
	v21 =	vadd.f32 v55, v21  }
0x16e: {  	v26 =	vmul.bf16 v56, v56;
	v18 =	vadd.f32 v58, v18;
	v24 =	vmul.bf16 v24, v24  }
0x16f: {  	v19 =	vadd.f32 v22, v19;
	v20 =	vadd.f32 v54, v20;
	v59 =	vunpack.i.u.bf16.f32 v57  }
0x170: {  	v60 =	vunpack.i.l.bf16.f32 v26;
	v61 =	vunpack.i.u.bf16.f32 v26;
	v22 =	vunpack.i.l.bf16.f32 v57  }
0x171: {  	v62 =	vunpack.i.l.bf16.f32 v24;
	v21 =	vadd.f32 v60, v21;
	v18 =	vadd.f32 v61, v18  }
0x172: {  	v63 =	vunpack.i.u.bf16.f32 v24;
	v19 =	vadd.f32 v59, v19;
	v20 =	vadd.f32 v22, v20  }
0x173: {  	s1 =	sadd.s32 $0x1, s1;
	v21 =	vadd.f32 v62, v21;
	v18 =	vadd.f32 v63, v18  }
0x174: {  	p0 =	sne.s32 s1, $0x5  }
.Ltmp5:
0x175: {  	v19 =	vadd.f32 v19, v20;
	v18 =	vadd.f32 v18, v21;
	(pc) =	sbr.rel @p0 .LBB2_11-.Ltmp5, $3  }
0x176: {  	_ = 	snop  }
0x177: {  	v18 =	vadd.f32 v18, v19;
	_ =	sdelay $0x1  }
0x178: {  	[tilespmem:v17+s0+$0x0 ss:$0x1] =	vst.idx.msk $0xffff, v18  }
0x179: {  	s26 =	sadd.s32 $0x1, s26  }
0x17a: {  	p0 =	sne.s32 s26, $0x29  }
.Ltmp6:
0x17b: {  	_ = 	snop;
	(pc) =	sbr.rel @p0 .LBB2_2-.Ltmp6, $1  }
0x17c: {  	_ =	sdelay $0x3  }
0x17d: {  	_ =	swait.ge [sflag:s18], $0x1400  }
0x17e: {  	[sflag:s18] =	ssyncset.done $0x0  }
0x17f: {  	[sflag:s18] =	ssyncadd.s32 $0xFFFFEC00  }
0x180: {  	_ =	swait.ge [sflag:s19], $0x1400  }
0x181: {  	[sflag:s19] =	ssyncset.done $0x0  }
0x182: {  	s26 =	simm.s32 $0x0;
	s1 =	simm.s32 $0x0;
	[sflag:s19] =	ssyncadd.s32 $0xFFFFEC00  }
.LBB2_16:
0x183: {  	s0 =	sshll.u32 s1, $0x4  }
0x184: {  	v17 =	vmov s0  }
0x185: {  	v17 =	vshll.u32 v17, $0x6  }
0x186: {  	v24 =	vor.u32 v1, v17  }
0x187: {  	v17 =	vor.u32 v2, v24  }
0x188: {  	v18 =	vor.u32 v0, v24;
	v22 =	vor.u32 s26, v17  }
0x189: {  	v23 =	vor.u32 s26, v18;
	_ =	sdelay $0x1  }
0x18a: {  	v19 =	vor.u32 v4, v24  }
0x18b: {  	v20 =	vor.u32 v3, v24;
	v26 =	vor.u32 s26, v19  }
0x18c: {  	v31 =	vor.u32 s26, v20;
	v32 =	vld.idx.msk [tilespmem:v22+s12+$0x0], $0xffff  }
0x18d: {  	v33 =	vld.idx.msk [tilespmem:v23+s11+$0x0], $0xffff  }
0x18e: {  	v21 =	vor.u32 v6, v24;
	v22 =	vld.idx.msk [tilespmem:v22+s11+$0x0], $0xffff  }
0x18f: {  	v35 =	vor.u32 s26, v21;
	v34 =	vld.idx.msk [tilespmem:v23+s12+$0x0], $0xffff  }
0x190: {  	v27 =	vor.u32 v9, v24;
	v36 =	vld.idx.msk [tilespmem:v26+s11+$0x0], $0xffff  }
0x191: {  	v42 =	vor.u32 s26, v27;
	v40 =	vld.idx.msk [tilespmem:v31+s12+$0x0], $0xffff  }
0x192: {  	v23 =	vor.u32 v5, v24;
	v38 =	vld.idx.msk [tilespmem:v26+s12+$0x0], $0xffff  }
0x193: {  	v41 =	vld.idx.msk [tilespmem:v31+s11+$0x0], $0xffff;
	v37 =	vor.u32 s26, v23  }
0x194: {  	v48 =	vimm.f32 $0.0e+00;
	v44 =	vld.idx.msk [tilespmem:v35+s12+$0x0], $0xffff  }
0x195: {  	v25 =	vor.u32 v8, v24;
	v28 =	vor.u32 v7, v24;
	v29 =	vor.u32 v10, v24;
	v35 =	vld.idx.msk [tilespmem:v35+s11+$0x0], $0xffff  }
0x196: {  	v30 =	vor.u32 v11, v24;
	v43 =	vor.u32 s26, v25;
	v54 =	vor.u32 s26, v28;
	v52 =	vld.idx.msk [tilespmem:v42+s11+$0x0], $0xffff  }
0x197: {  	v31 =	vor.u32 v12, v24;
	v26 =	vor.u32 v14, v24;
	v55 =	vld.idx.msk [tilespmem:v42+s12+$0x0], $0xffff;
	v39 =	vsub.bf16 v22, v32  }
0x198: {  	v32 =	vor.u32 v13, v24;
	v22 =	vor.u32 v15, v24;
	v24 =	vor.u32 v16, v24;
	v45 =	vld.idx.msk [tilespmem:v37+s11+$0x0], $0xffff  }
0x199: {  	v33 =	vsub.bf16 v33, v34;
	v46 =	vsub.bf16 v36, v38;
	v38 =	vor.u32 s26, v31;
	v47 =	vld.idx.msk [tilespmem:v37+s12+$0x0], $0xffff  }
0x19a: {  	v51 =	vsub.bf16 v35, v44;
	v40 =	vsub.bf16 v41, v40;
	v44 =	vor.u32 s26, v30  }
0x19b: {  	v63 =	vmul.bf16 v39, v39;
	v39 =	vor.u32 s26, v29;
	v33 =	vmul.bf16 v33, v33  }
0x19c: {  	v42 =	vld.idx.msk [tilespmem:v43+s11+$0x0], $0xffff;
	v52 =	vsub.bf16 v52, v55;
	v46 =	vmul.bf16 v46, v46;
	v41 =	vmul.bf16 v51, v51  }
0x19d: {  	v37 =	vld.idx.msk [tilespmem:v43+s12+$0x0], $0xffff;
	v34 =	vunpack.i.l.bf16.f32 v63;
	v49 =	vunpack.i.u.bf16.f32 v33;
	v50 =	vunpack.i.l.bf16.f32 v33  }
0x19e: {  	v33 =	vunpack.i.u.bf16.f32 v46;
	v53 =	vadd.f32 v34, v48;
	v34 =	vld.idx.msk [tilespmem:v38+s12+$0x0], $0xffff;
	v45 =	vsub.bf16 v45, v47  }
0x19f: {  	v46 =	vunpack.i.l.bf16.f32 v46;
	v43 =	vadd.f32 v50, v48;
	v50 =	vmul.bf16 v40, v40;
	v47 =	vld.idx.msk [tilespmem:v54+s11+$0x0], $0xffff  }
0x1a0: {  	v36 =	vunpack.i.u.bf16.f32 v63;
	v35 =	vld.idx.msk [tilespmem:v39+s11+$0x0], $0xffff;
	v40 =	vadd.f32 v46, v53;
	v53 =	vmul.bf16 v45, v45  }
0x1a1: {  	s24 =	simm.s32 $0x10;
	s14 =	simm.s32 $0x0;
	v49 =	vadd.f32 v49, v48;
	v46 =	vld.idx.msk [tilespmem:v54+s12+$0x0], $0xffff;
	v51 =	vunpack.i.l.bf16.f32 v50;
	v45 =	vor.u32 s26, v32  }
.LBB2_17:
0x1a2: {  	p0 =	sne.s32 s24, $0x30;
	v36 =	vadd.f32 v36, v48;
	v48 =	vunpack.i.u.bf16.f32 v53;
	v53 =	vunpack.i.l.bf16.f32 v53;
	v39 =	vld.idx.msk [tilespmem:v39+s12+$0x0], $0xffff;
	s9 =	smov.u32 s24;
	s24 =	sadd.s32 $0x10, s24  }
0x1a3: {  	v50 =	vunpack.i.u.bf16.f32 v50;
	v54 =	vunpack.i.u.bf16.f32 v41;
	v52 =	vmul.bf16 v52, v52;
	v38 =	vld.idx.msk [tilespmem:v38+s11+$0x0], $0xffff  }
0x1a4: {  	v43 =	vadd.f32 v51, v43;
	v37 =	vsub.bf16 v42, v37;
	v51 =	vor.u32 s14, v26;
	v42 =	vld.idx.msk [tilespmem:v44+s11+$0x0], $0xffff  }
0x1a5: {  	v55 =	vor.u32 s14, v24;
	v49 =	vadd.f32 v50, v49;
	v50 =	vunpack.i.u.bf16.f32 v52;
	v44 =	vld.idx.msk [tilespmem:v44+s12+$0x0], $0xffff  }
0x1a6: {  	v43 =	vadd.f32 v53, v43;
	v37 =	vmul.bf16 v37, v37;
	v52 =	vunpack.i.l.bf16.f32 v52  }
0x1a7: {  	v48 =	vadd.f32 v48, v49;
	v49 =	vor.u32 s14, v22;
	s14 =	smov.u32 s9;
	v46 =	vsub.bf16 v47, v46;
	v47 =	vld.idx.msk [tilespmem:v45+s12+$0x0], $0xffff  }
0x1a8: {  	v41 =	vunpack.i.l.bf16.f32 v41;
	v53 =	vunpack.i.u.bf16.f32 v37;
	v37 =	vunpack.i.l.bf16.f32 v37;
	v45 =	vld.idx.msk [tilespmem:v45+s11+$0x0], $0xffff  }
0x1a9: {  	v40 =	vadd.f32 v41, v40;
	v35 =	vsub.bf16 v35, v39;
	v41 =	vmul.bf16 v46, v46;
	v39 =	vld.idx.msk [tilespmem:v51+s11+$0x0], $0xffff  }
0x1aa: {  	v33 =	vadd.f32 v33, v36;
	v56 =	vor.u32 s14, v17;
	v46 =	vor.u32 s14, v18;
	v36 =	vld.idx.msk [tilespmem:v55+s12+$0x0], $0xffff  }
0x1ab: {  	v40 =	vadd.f32 v52, v40;
	v52 =	vunpack.i.l.bf16.f32 v41;
	v42 =	vsub.bf16 v42, v44;
	v44 =	vld.idx.msk [tilespmem:v51+s12+$0x0], $0xffff  }
0x1ac: {  	v34 =	vsub.bf16 v38, v34;
	v35 =	vmul.bf16 v35, v35;
	v41 =	vunpack.i.u.bf16.f32 v41;
	v38 =	vld.idx.msk [tilespmem:v55+s11+$0x0], $0xffff  }
0x1ad: {  	v33 =	vadd.f32 v54, v33;
	v48 =	vadd.f32 v53, v48;
	v42 =	vmul.bf16 v42, v42;
	v51 =	vld.idx.msk [tilespmem:v49+s12+$0x0], $0xffff  }
0x1ae: {  	v53 =	vunpack.i.u.bf16.f32 v35;
	v35 =	vunpack.i.l.bf16.f32 v35;
	v45 =	vsub.bf16 v45, v47;
	v47 =	vld.idx.msk [tilespmem:v49+s11+$0x0], $0xffff  }
0x1af: {  	v54 =	vor.u32 s14, v19;
	v37 =	vadd.f32 v37, v43;
	v35 =	vadd.f32 v35, v40;
	v49 =	vld.idx.msk [tilespmem:v56+s12+$0x0], $0xffff  }
0x1b0: {  	v43 =	vor.u32 s14, v20;
	v41 =	vadd.f32 v41, v48;
	v45 =	vmul.bf16 v45, v45;
	v40 =	vld.idx.msk [tilespmem:v46+s11+$0x0], $0xffff  }
0x1b1: {  	v33 =	vadd.f32 v50, v33;
	v34 =	vmul.bf16 v34, v34;
	v50 =	vunpack.i.u.bf16.f32 v42;
	v48 =	vld.idx.msk [tilespmem:v56+s11+$0x0], $0xffff  }
0x1b2: {  	v37 =	vadd.f32 v52, v37;
	v42 =	vunpack.i.l.bf16.f32 v42;
	v52 =	vunpack.i.l.bf16.f32 v45;
	v46 =	vld.idx.msk [tilespmem:v46+s12+$0x0], $0xffff  }
0x1b3: {  	v41 =	vadd.f32 v50, v41;
	v50 =	vunpack.i.u.bf16.f32 v34;
	v45 =	vunpack.i.u.bf16.f32 v45  }
0x1b4: {  	v57 =	vor.u32 s14, v21;
	v33 =	vadd.f32 v53, v33;
	v56 =	vor.u32 s14, v23;
	v55 =	vld.idx.msk [tilespmem:v54+s11+$0x0], $0xffff  }
0x1b5: {  	v34 =	vunpack.i.l.bf16.f32 v34;
	v39 =	vsub.bf16 v39, v44;
	v44 =	vsub.bf16 v47, v51;
	v53 =	vld.idx.msk [tilespmem:v43+s12+$0x0], $0xffff  }
0x1b6: {  	v37 =	vadd.f32 v42, v37;
	v41 =	vadd.f32 v45, v41;
	v47 =	vld.idx.msk [tilespmem:v54+s12+$0x0], $0xffff  }
0x1b7: {  	v38 =	vsub.bf16 v38, v36;
	v42 =	vsub.bf16 v48, v49;
	v45 =	vld.idx.msk [tilespmem:v43+s11+$0x0], $0xffff;
	v43 =	vmul.bf16 v44, v44  }
0x1b8: {  	v34 =	vadd.f32 v34, v35;
	v36 =	vsub.bf16 v40, v46;
	v40 =	vor.u32 s14, v25  }
0x1b9: {  	v37 =	vadd.f32 v52, v37;
	v35 =	vmul.bf16 v42, v42;
	v42 =	vld.idx.msk [tilespmem:v57+s12+$0x0], $0xffff;
	v44 =	vunpack.i.u.bf16.f32 v43  }
0x1ba: {  	v39 =	vmul.bf16 v39, v39;
	v49 =	vor.u32 s14, v27;
	v46 =	vmul.bf16 v36, v36;
	v48 =	vld.idx.msk [tilespmem:v56+s11+$0x0], $0xffff  }
0x1bb: {  	v36 =	vunpack.i.u.bf16.f32 v35;
	v35 =	vunpack.i.l.bf16.f32 v35;
	v52 =	vadd.f32 v44, v41;
	v51 =	vld.idx.msk [tilespmem:v57+s11+$0x0], $0xffff  }
0x1bc: {  	v54 =	vunpack.i.u.bf16.f32 v46;
	v41 =	vsub.bf16 v55, v47;
	v47 =	vunpack.i.l.bf16.f32 v39;
	v44 =	vld.idx.msk [tilespmem:v56+s12+$0x0], $0xffff  }
0x1bd: {  	v43 =	vunpack.i.l.bf16.f32 v43;
	v46 =	vunpack.i.l.bf16.f32 v46;
	v55 =	vmul.bf16 v38, v38  }
0x1be: {  	v50 =	vadd.f32 v50, v33;
	v43 =	vadd.f32 v43, v37;
	v56 =	vunpack.i.u.bf16.f32 v39  }
0x1bf: {  	v39 =	vor.u32 s14, v29;
	v41 =	vmul.bf16 v41, v41;
	v58 =	vunpack.i.l.bf16.f32 v55;
	v57 =	vld.idx.msk [tilespmem:v49+s11+$0x0], $0xffff  }
0x1c0: {  	v59 =	vor.u32 s14, v28;
	v38 =	vor.u32 s14, v31;
	v34 =	vadd.f32 v47, v34;
	v37 =	vld.idx.msk [tilespmem:v40+s12+$0x0], $0xffff  }
0x1c1: {  	v33 =	vunpack.i.u.bf16.f32 v41;
	v47 =	vunpack.i.l.bf16.f32 v41;
	v60 =	vld.idx.msk [tilespmem:v49+s12+$0x0], $0xffff;
	v49 =	vadd.f32 v56, v50  }
0x1c2: {  	v34 =	vadd.f32 v58, v34;
	v41 =	vsub.bf16 v51, v42;
	v42 =	vld.idx.msk [tilespmem:v40+s11+$0x0], $0xffff  }
.Ltmp7:
0x1c3: {  	v43 =	vadd.f32 v46, v43;
	v40 =	vsub.bf16 v45, v53;
	v45 =	vunpack.i.u.bf16.f32 v55;
	(pc) =	sbr.rel @p0 .LBB2_17-.Ltmp7, $4  }
0x1c4: {  	v46 =	vadd.f32 v35, v34;
	v51 =	vsub.bf16 v48, v44;
	v44 =	vor.u32 s14, v30;
	v35 =	vld.idx.msk [tilespmem:v39+s11+$0x0], $0xffff  }
0x1c5: {  	v41 =	vmul.bf16 v41, v41;
	v48 =	vadd.f32 v45, v49;
	v50 =	vmul.bf16 v40, v40;
	v34 =	vld.idx.msk [tilespmem:v38+s12+$0x0], $0xffff  }
0x1c6: {  	v49 =	vadd.f32 v54, v52;
	v53 =	vmul.bf16 v51, v51;
	v40 =	vadd.f32 v47, v46;
	v46 =	vld.idx.msk [tilespmem:v59+s12+$0x0], $0xffff  }
0x1c7: {  	v45 =	vor.u32 s14, v32;
	v51 =	vunpack.i.l.bf16.f32 v50;
	v52 =	vsub.bf16 v57, v60;
	v47 =	vld.idx.msk [tilespmem:v59+s11+$0x0], $0xffff  }
0x1c8: {  	_ =	sdelay $0x3  }
0x1c9: {  	v17 =	vadd.f32 v36, v48;
	v20 =	vld.idx.msk [tilespmem:v39+s12+$0x0], $0xffff  }
0x1ca: {  	v18 =	vunpack.i.u.bf16.f32 v53;
	v19 =	vunpack.i.l.bf16.f32 v53;
	v21 =	vunpack.i.u.bf16.f32 v50;
	v27 =	vld.idx.msk [tilespmem:v38+s11+$0x0], $0xffff  }
0x1cb: {  	v25 =	vunpack.i.u.bf16.f32 v41;
	v28 =	vadd.f32 v51, v43;
	v29 =	vsub.bf16 v42, v37;
	v30 =	vld.idx.msk [tilespmem:v44+s11+$0x0], $0xffff  }
0x1cc: {  	v26 =	vor.u32 s14, v26;
	v32 =	vld.idx.msk [tilespmem:v44+s12+$0x0], $0xffff;
	v22 =	vor.u32 s14, v22;
	v43 =	vunpack.i.l.bf16.f32 v41  }
0x1cd: {  	v42 =	vld.idx.msk [tilespmem:v45+s12+$0x0], $0xffff;
	v23 =	vmul.bf16 v52, v52;
	v21 =	vadd.f32 v21, v49;
	v37 =	vadd.f32 v43, v40  }
0x1ce: {  	v44 =	vld.idx.msk [tilespmem:v45+s11+$0x0], $0xffff;
	v19 =	vadd.f32 v19, v28;
	v62 =	vmul.bf16 v29, v29;
	v17 =	vadd.f32 v33, v17  }
0x1cf: {  	v31 =	vunpack.i.u.bf16.f32 v23;
	v23 =	vunpack.i.l.bf16.f32 v23;
	v18 =	vadd.f32 v18, v21  }
0x1d0: {  	v24 =	vor.u32 s14, v24;
	v63 =	vsub.bf16 v47, v46;
	v23 =	vadd.f32 v23, v37  }
0x1d1: {  	v45 =	vunpack.i.u.bf16.f32 v62;
	v17 =	vadd.f32 v25, v17;
	v20 =	vsub.bf16 v35, v20;
	v46 =	vld.idx.msk [tilespmem:v26+s11+$0x0], $0xffff  }
0x1d2: {  	v28 =	vunpack.i.l.bf16.f32 v62;
	v30 =	vsub.bf16 v30, v32;
	v27 =	vsub.bf16 v27, v34;
	v48 =	vld.idx.msk [tilespmem:v22+s12+$0x0], $0xffff  }
0x1d3: {  	v18 =	vadd.f32 v45, v18;
	v21 =	vsub.bf16 v44, v42;
	v22 =	vld.idx.msk [tilespmem:v22+s11+$0x0], $0xffff;
	v29 =	vmul.bf16 v63, v63  }
0x1d4: {  	v26 =	vld.idx.msk [tilespmem:v26+s12+$0x0], $0xffff;
	v19 =	vadd.f32 v28, v19;
	v20 =	vmul.bf16 v20, v20;
	v30 =	vmul.bf16 v30, v30  }
0x1d5: {  	v50 =	vld.idx.msk [tilespmem:v24+s12+$0x0], $0xffff;
	v17 =	vadd.f32 v31, v17;
	v21 =	vmul.bf16 v21, v21;
	v27 =	vmul.bf16 v27, v27  }
0x1d6: {  	v51 =	vld.idx.msk [tilespmem:v24+s11+$0x0], $0xffff;
	v47 =	vunpack.i.l.bf16.f32 v29;
	v29 =	vunpack.i.u.bf16.f32 v29;
	v49 =	vunpack.i.u.bf16.f32 v20  }
0x1d7: {  	v20 =	vunpack.i.l.bf16.f32 v20;
	v18 =	vadd.f32 v29, v18;
	v52 =	vunpack.i.u.bf16.f32 v30  }
0x1d8: {  	v19 =	vadd.f32 v47, v19;
	v53 =	vunpack.i.l.bf16.f32 v30;
	v54 =	vunpack.i.l.bf16.f32 v21  }
0x1d9: {  	v21 =	vunpack.i.u.bf16.f32 v21;
	v20 =	vadd.f32 v20, v23;
	v22 =	vsub.bf16 v22, v48  }
0x1da: {  	v55 =	vunpack.i.l.bf16.f32 v27;
	v17 =	vadd.f32 v49, v17;
	v56 =	vsub.bf16 v46, v26  }
0x1db: {  	v58 =	vunpack.i.u.bf16.f32 v27;
	v23 =	vsub.bf16 v51, v50;
	v18 =	vadd.f32 v52, v18  }
0x1dc: {  	v19 =	vadd.f32 v53, v19;
	v57 =	vmul.bf16 v22, v22;
	v20 =	vadd.f32 v55, v20  }
0x1dd: {  	v25 =	vmul.bf16 v56, v56;
	v17 =	vadd.f32 v58, v17;
	v23 =	vmul.bf16 v23, v23  }
0x1de: {  	v18 =	vadd.f32 v21, v18;
	v19 =	vadd.f32 v54, v19;
	v59 =	vunpack.i.u.bf16.f32 v57  }
0x1df: {  	v60 =	vunpack.i.l.bf16.f32 v25;
	v61 =	vunpack.i.u.bf16.f32 v25;
	v21 =	vunpack.i.l.bf16.f32 v57  }
0x1e0: {  	v62 =	vunpack.i.l.bf16.f32 v23;
	v20 =	vadd.f32 v60, v20;
	v17 =	vadd.f32 v61, v17  }
0x1e1: {  	v63 =	vunpack.i.u.bf16.f32 v23;
	v18 =	vadd.f32 v59, v18;
	v19 =	vadd.f32 v21, v19  }
0x1e2: {  	s1 =	sadd.s32 $0x1, s1;
	v20 =	vadd.f32 v62, v20;
	v17 =	vadd.f32 v63, v17  }
0x1e3: {  	p0 =	sne.s32 s1, $0x5  }
.Ltmp8:
0x1e4: {  	v18 =	vadd.f32 v18, v19;
	v17 =	vadd.f32 v17, v20;
	(pc) =	sbr.rel @p0 .LBB2_16-.Ltmp8, $3  }
0x1e5: {  	_ = 	snop  }
0x1e6: {  	v17 =	vadd.f32 v17, v18;
	_ =	sdelay $0x1  }
0x1e7: {  	[tilespmem:s0+$0xEC90] =	vst v17  }
0x1e8: {  	_ =	swait.ge [sflag:s20], $0x1400  }
0x1e9: {  	[sflag:s20] =	ssyncset.done $0x0  }
0x1ea: {  	[sflag:s20] =	ssyncadd.s32 $0xFFFFEC00  }
0x1eb: {  	_ =	swait.ge [sflag:s21], $0x1400  }
0x1ec: {  	[sflag:s21] =	ssyncset.done $0x0  }
0x1ed: {  	s26 =	simm.s32 $0x0;
	s1 =	simm.s32 $0x0;
	[sflag:s21] =	ssyncadd.s32 $0xFFFFEC00  }
.LBB2_20:
0x1ee: {  	s0 =	sshll.u32 s1, $0x4  }
0x1ef: {  	v17 =	vmov s0  }
0x1f0: {  	v17 =	vshll.u32 v17, $0x6  }
0x1f1: {  	v24 =	vor.u32 v1, v17  }
0x1f2: {  	v17 =	vor.u32 v2, v24  }
0x1f3: {  	v18 =	vor.u32 v0, v24;
	v22 =	vor.u32 s26, v17  }
0x1f4: {  	v23 =	vor.u32 s26, v18;
	_ =	sdelay $0x1  }
0x1f5: {  	v19 =	vor.u32 v4, v24  }
0x1f6: {  	v20 =	vor.u32 v3, v24;
	v26 =	vor.u32 s26, v19  }
0x1f7: {  	v31 =	vor.u32 s26, v20;
	v32 =	vld.idx.msk [tilespmem:v22+s15+$0x0], $0xffff  }
0x1f8: {  	v33 =	vld.idx.msk [tilespmem:v23+s13+$0x0], $0xffff  }
0x1f9: {  	v21 =	vor.u32 v6, v24;
	v22 =	vld.idx.msk [tilespmem:v22+s13+$0x0], $0xffff  }
0x1fa: {  	v35 =	vor.u32 s26, v21;
	v34 =	vld.idx.msk [tilespmem:v23+s15+$0x0], $0xffff  }
0x1fb: {  	v27 =	vor.u32 v9, v24;
	v36 =	vld.idx.msk [tilespmem:v26+s13+$0x0], $0xffff  }
0x1fc: {  	v42 =	vor.u32 s26, v27;
	v40 =	vld.idx.msk [tilespmem:v31+s15+$0x0], $0xffff  }
0x1fd: {  	v23 =	vor.u32 v5, v24;
	v38 =	vld.idx.msk [tilespmem:v26+s15+$0x0], $0xffff  }
0x1fe: {  	v41 =	vld.idx.msk [tilespmem:v31+s13+$0x0], $0xffff;
	v37 =	vor.u32 s26, v23  }
0x1ff: {  	v48 =	vimm.f32 $0.0e+00;
	v44 =	vld.idx.msk [tilespmem:v35+s15+$0x0], $0xffff  }
0x200: {  	v25 =	vor.u32 v8, v24;
	v28 =	vor.u32 v7, v24;
	v29 =	vor.u32 v10, v24;
	v35 =	vld.idx.msk [tilespmem:v35+s13+$0x0], $0xffff  }
0x201: {  	v30 =	vor.u32 v11, v24;
	v43 =	vor.u32 s26, v25;
	v54 =	vor.u32 s26, v28;
	v52 =	vld.idx.msk [tilespmem:v42+s13+$0x0], $0xffff  }
0x202: {  	v31 =	vor.u32 v12, v24;
	v26 =	vor.u32 v14, v24;
	v55 =	vld.idx.msk [tilespmem:v42+s15+$0x0], $0xffff;
	v39 =	vsub.bf16 v22, v32  }
0x203: {  	v32 =	vor.u32 v13, v24;
	v22 =	vor.u32 v15, v24;
	v24 =	vor.u32 v16, v24;
	v45 =	vld.idx.msk [tilespmem:v37+s13+$0x0], $0xffff  }
0x204: {  	v33 =	vsub.bf16 v33, v34;
	v46 =	vsub.bf16 v36, v38;
	v38 =	vor.u32 s26, v31;
	v47 =	vld.idx.msk [tilespmem:v37+s15+$0x0], $0xffff  }
0x205: {  	v51 =	vsub.bf16 v35, v44;
	v40 =	vsub.bf16 v41, v40;
	v44 =	vor.u32 s26, v30  }
0x206: {  	v63 =	vmul.bf16 v39, v39;
	v39 =	vor.u32 s26, v29;
	v33 =	vmul.bf16 v33, v33  }
0x207: {  	v42 =	vld.idx.msk [tilespmem:v43+s13+$0x0], $0xffff;
	v52 =	vsub.bf16 v52, v55;
	v46 =	vmul.bf16 v46, v46;
	v41 =	vmul.bf16 v51, v51  }
0x208: {  	v37 =	vld.idx.msk [tilespmem:v43+s15+$0x0], $0xffff;
	v34 =	vunpack.i.l.bf16.f32 v63;
	v49 =	vunpack.i.u.bf16.f32 v33;
	v50 =	vunpack.i.l.bf16.f32 v33  }
0x209: {  	v33 =	vunpack.i.u.bf16.f32 v46;
	v53 =	vadd.f32 v34, v48;
	v34 =	vld.idx.msk [tilespmem:v38+s15+$0x0], $0xffff;
	v45 =	vsub.bf16 v45, v47  }
0x20a: {  	v46 =	vunpack.i.l.bf16.f32 v46;
	v43 =	vadd.f32 v50, v48;
	v50 =	vmul.bf16 v40, v40;
	v47 =	vld.idx.msk [tilespmem:v54+s13+$0x0], $0xffff  }
0x20b: {  	v36 =	vunpack.i.u.bf16.f32 v63;
	v35 =	vld.idx.msk [tilespmem:v39+s13+$0x0], $0xffff;
	v40 =	vadd.f32 v46, v53;
	v53 =	vmul.bf16 v45, v45  }
0x20c: {  	s24 =	simm.s32 $0x10;
	s14 =	simm.s32 $0x0;
	v49 =	vadd.f32 v49, v48;
	v46 =	vld.idx.msk [tilespmem:v54+s15+$0x0], $0xffff;
	v51 =	vunpack.i.l.bf16.f32 v50;
	v45 =	vor.u32 s26, v32  }
.LBB2_21:
0x20d: {  	p0 =	sne.s32 s24, $0x30;
	v36 =	vadd.f32 v36, v48;
	v48 =	vunpack.i.u.bf16.f32 v53;
	v53 =	vunpack.i.l.bf16.f32 v53;
	v39 =	vld.idx.msk [tilespmem:v39+s15+$0x0], $0xffff;
	s9 =	smov.u32 s24;
	s24 =	sadd.s32 $0x10, s24  }
0x20e: {  	v50 =	vunpack.i.u.bf16.f32 v50;
	v54 =	vunpack.i.u.bf16.f32 v41;
	v52 =	vmul.bf16 v52, v52;
	v38 =	vld.idx.msk [tilespmem:v38+s13+$0x0], $0xffff  }
0x20f: {  	v43 =	vadd.f32 v51, v43;
	v37 =	vsub.bf16 v42, v37;
	v51 =	vor.u32 s14, v26;
	v42 =	vld.idx.msk [tilespmem:v44+s13+$0x0], $0xffff  }
0x210: {  	v55 =	vor.u32 s14, v24;
	v49 =	vadd.f32 v50, v49;
	v50 =	vunpack.i.u.bf16.f32 v52;
	v44 =	vld.idx.msk [tilespmem:v44+s15+$0x0], $0xffff  }
0x211: {  	v43 =	vadd.f32 v53, v43;
	v37 =	vmul.bf16 v37, v37;
	v52 =	vunpack.i.l.bf16.f32 v52  }
0x212: {  	v48 =	vadd.f32 v48, v49;
	v49 =	vor.u32 s14, v22;
	s14 =	smov.u32 s9;
	v46 =	vsub.bf16 v47, v46;
	v47 =	vld.idx.msk [tilespmem:v45+s15+$0x0], $0xffff  }
0x213: {  	v41 =	vunpack.i.l.bf16.f32 v41;
	v53 =	vunpack.i.u.bf16.f32 v37;
	v37 =	vunpack.i.l.bf16.f32 v37;
	v45 =	vld.idx.msk [tilespmem:v45+s13+$0x0], $0xffff  }
0x214: {  	v40 =	vadd.f32 v41, v40;
	v35 =	vsub.bf16 v35, v39;
	v41 =	vmul.bf16 v46, v46;
	v39 =	vld.idx.msk [tilespmem:v51+s13+$0x0], $0xffff  }
0x215: {  	v33 =	vadd.f32 v33, v36;
	v56 =	vor.u32 s14, v17;
	v46 =	vor.u32 s14, v18;
	v36 =	vld.idx.msk [tilespmem:v55+s15+$0x0], $0xffff  }
0x216: {  	v40 =	vadd.f32 v52, v40;
	v52 =	vunpack.i.l.bf16.f32 v41;
	v42 =	vsub.bf16 v42, v44;
	v44 =	vld.idx.msk [tilespmem:v51+s15+$0x0], $0xffff  }
0x217: {  	v34 =	vsub.bf16 v38, v34;
	v35 =	vmul.bf16 v35, v35;
	v41 =	vunpack.i.u.bf16.f32 v41;
	v38 =	vld.idx.msk [tilespmem:v55+s13+$0x0], $0xffff  }
0x218: {  	v33 =	vadd.f32 v54, v33;
	v48 =	vadd.f32 v53, v48;
	v42 =	vmul.bf16 v42, v42;
	v51 =	vld.idx.msk [tilespmem:v49+s15+$0x0], $0xffff  }
0x219: {  	v53 =	vunpack.i.u.bf16.f32 v35;
	v35 =	vunpack.i.l.bf16.f32 v35;
	v45 =	vsub.bf16 v45, v47;
	v47 =	vld.idx.msk [tilespmem:v49+s13+$0x0], $0xffff  }
0x21a: {  	v54 =	vor.u32 s14, v19;
	v37 =	vadd.f32 v37, v43;
	v35 =	vadd.f32 v35, v40;
	v49 =	vld.idx.msk [tilespmem:v56+s15+$0x0], $0xffff  }
0x21b: {  	v43 =	vor.u32 s14, v20;
	v41 =	vadd.f32 v41, v48;
	v45 =	vmul.bf16 v45, v45;
	v40 =	vld.idx.msk [tilespmem:v46+s13+$0x0], $0xffff  }
0x21c: {  	v33 =	vadd.f32 v50, v33;
	v34 =	vmul.bf16 v34, v34;
	v50 =	vunpack.i.u.bf16.f32 v42;
	v48 =	vld.idx.msk [tilespmem:v56+s13+$0x0], $0xffff  }
0x21d: {  	v37 =	vadd.f32 v52, v37;
	v42 =	vunpack.i.l.bf16.f32 v42;
	v52 =	vunpack.i.l.bf16.f32 v45;
	v46 =	vld.idx.msk [tilespmem:v46+s15+$0x0], $0xffff  }
0x21e: {  	v41 =	vadd.f32 v50, v41;
	v50 =	vunpack.i.u.bf16.f32 v34;
	v45 =	vunpack.i.u.bf16.f32 v45  }
0x21f: {  	v57 =	vor.u32 s14, v21;
	v33 =	vadd.f32 v53, v33;
	v56 =	vor.u32 s14, v23;
	v55 =	vld.idx.msk [tilespmem:v54+s13+$0x0], $0xffff  }
0x220: {  	v34 =	vunpack.i.l.bf16.f32 v34;
	v39 =	vsub.bf16 v39, v44;
	v44 =	vsub.bf16 v47, v51;
	v53 =	vld.idx.msk [tilespmem:v43+s15+$0x0], $0xffff  }
0x221: {  	v37 =	vadd.f32 v42, v37;
	v41 =	vadd.f32 v45, v41;
	v47 =	vld.idx.msk [tilespmem:v54+s15+$0x0], $0xffff  }
0x222: {  	v38 =	vsub.bf16 v38, v36;
	v42 =	vsub.bf16 v48, v49;
	v45 =	vld.idx.msk [tilespmem:v43+s13+$0x0], $0xffff;
	v43 =	vmul.bf16 v44, v44  }
0x223: {  	v34 =	vadd.f32 v34, v35;
	v36 =	vsub.bf16 v40, v46;
	v40 =	vor.u32 s14, v25  }
0x224: {  	v37 =	vadd.f32 v52, v37;
	v35 =	vmul.bf16 v42, v42;
	v42 =	vld.idx.msk [tilespmem:v57+s15+$0x0], $0xffff;
	v44 =	vunpack.i.u.bf16.f32 v43  }
0x225: {  	v39 =	vmul.bf16 v39, v39;
	v49 =	vor.u32 s14, v27;
	v46 =	vmul.bf16 v36, v36;
	v48 =	vld.idx.msk [tilespmem:v56+s13+$0x0], $0xffff  }
0x226: {  	v36 =	vunpack.i.u.bf16.f32 v35;
	v35 =	vunpack.i.l.bf16.f32 v35;
	v52 =	vadd.f32 v44, v41;
	v51 =	vld.idx.msk [tilespmem:v57+s13+$0x0], $0xffff  }
0x227: {  	v54 =	vunpack.i.u.bf16.f32 v46;
	v41 =	vsub.bf16 v55, v47;
	v47 =	vunpack.i.l.bf16.f32 v39;
	v44 =	vld.idx.msk [tilespmem:v56+s15+$0x0], $0xffff  }
0x228: {  	v43 =	vunpack.i.l.bf16.f32 v43;
	v46 =	vunpack.i.l.bf16.f32 v46;
	v55 =	vmul.bf16 v38, v38  }
0x229: {  	v50 =	vadd.f32 v50, v33;
	v43 =	vadd.f32 v43, v37;
	v56 =	vunpack.i.u.bf16.f32 v39  }
0x22a: {  	v39 =	vor.u32 s14, v29;
	v41 =	vmul.bf16 v41, v41;
	v58 =	vunpack.i.l.bf16.f32 v55;
	v57 =	vld.idx.msk [tilespmem:v49+s13+$0x0], $0xffff  }
0x22b: {  	v59 =	vor.u32 s14, v28;
	v38 =	vor.u32 s14, v31;
	v34 =	vadd.f32 v47, v34;
	v37 =	vld.idx.msk [tilespmem:v40+s15+$0x0], $0xffff  }
0x22c: {  	v33 =	vunpack.i.u.bf16.f32 v41;
	v47 =	vunpack.i.l.bf16.f32 v41;
	v60 =	vld.idx.msk [tilespmem:v49+s15+$0x0], $0xffff;
	v49 =	vadd.f32 v56, v50  }
0x22d: {  	v34 =	vadd.f32 v58, v34;
	v41 =	vsub.bf16 v51, v42;
	v42 =	vld.idx.msk [tilespmem:v40+s13+$0x0], $0xffff  }
.Ltmp9:
0x22e: {  	v43 =	vadd.f32 v46, v43;
	v40 =	vsub.bf16 v45, v53;
	v45 =	vunpack.i.u.bf16.f32 v55;
	(pc) =	sbr.rel @p0 .LBB2_21-.Ltmp9, $4  }
0x22f: {  	v46 =	vadd.f32 v35, v34;
	v51 =	vsub.bf16 v48, v44;
	v44 =	vor.u32 s14, v30;
	v35 =	vld.idx.msk [tilespmem:v39+s13+$0x0], $0xffff  }
0x230: {  	v41 =	vmul.bf16 v41, v41;
	v48 =	vadd.f32 v45, v49;
	v50 =	vmul.bf16 v40, v40;
	v34 =	vld.idx.msk [tilespmem:v38+s15+$0x0], $0xffff  }
0x231: {  	v49 =	vadd.f32 v54, v52;
	v53 =	vmul.bf16 v51, v51;
	v40 =	vadd.f32 v47, v46;
	v46 =	vld.idx.msk [tilespmem:v59+s15+$0x0], $0xffff  }
0x232: {  	v45 =	vor.u32 s14, v32;
	v51 =	vunpack.i.l.bf16.f32 v50;
	v52 =	vsub.bf16 v57, v60;
	v47 =	vld.idx.msk [tilespmem:v59+s13+$0x0], $0xffff  }
0x233: {  	_ =	sdelay $0x3  }
0x234: {  	v17 =	vadd.f32 v36, v48;
	v20 =	vld.idx.msk [tilespmem:v39+s15+$0x0], $0xffff  }
0x235: {  	v18 =	vunpack.i.u.bf16.f32 v53;
	v19 =	vunpack.i.l.bf16.f32 v53;
	v21 =	vunpack.i.u.bf16.f32 v50;
	v27 =	vld.idx.msk [tilespmem:v38+s13+$0x0], $0xffff  }
0x236: {  	v25 =	vunpack.i.u.bf16.f32 v41;
	v28 =	vadd.f32 v51, v43;
	v29 =	vsub.bf16 v42, v37;
	v30 =	vld.idx.msk [tilespmem:v44+s13+$0x0], $0xffff  }
0x237: {  	v26 =	vor.u32 s14, v26;
	v32 =	vld.idx.msk [tilespmem:v44+s15+$0x0], $0xffff;
	v22 =	vor.u32 s14, v22;
	v43 =	vunpack.i.l.bf16.f32 v41  }
0x238: {  	v42 =	vld.idx.msk [tilespmem:v45+s15+$0x0], $0xffff;
	v23 =	vmul.bf16 v52, v52;
	v21 =	vadd.f32 v21, v49;
	v37 =	vadd.f32 v43, v40  }
0x239: {  	v44 =	vld.idx.msk [tilespmem:v45+s13+$0x0], $0xffff;
	v19 =	vadd.f32 v19, v28;
	v62 =	vmul.bf16 v29, v29;
	v17 =	vadd.f32 v33, v17  }
0x23a: {  	v31 =	vunpack.i.u.bf16.f32 v23;
	v23 =	vunpack.i.l.bf16.f32 v23;
	v18 =	vadd.f32 v18, v21  }
0x23b: {  	v24 =	vor.u32 s14, v24;
	v63 =	vsub.bf16 v47, v46;
	v23 =	vadd.f32 v23, v37  }
0x23c: {  	v45 =	vunpack.i.u.bf16.f32 v62;
	v17 =	vadd.f32 v25, v17;
	v20 =	vsub.bf16 v35, v20;
	v46 =	vld.idx.msk [tilespmem:v26+s13+$0x0], $0xffff  }
0x23d: {  	v28 =	vunpack.i.l.bf16.f32 v62;
	v30 =	vsub.bf16 v30, v32;
	v27 =	vsub.bf16 v27, v34;
	v48 =	vld.idx.msk [tilespmem:v22+s15+$0x0], $0xffff  }
0x23e: {  	v18 =	vadd.f32 v45, v18;
	v21 =	vsub.bf16 v44, v42;
	v22 =	vld.idx.msk [tilespmem:v22+s13+$0x0], $0xffff;
	v29 =	vmul.bf16 v63, v63  }
0x23f: {  	v26 =	vld.idx.msk [tilespmem:v26+s15+$0x0], $0xffff;
	v19 =	vadd.f32 v28, v19;
	v20 =	vmul.bf16 v20, v20;
	v30 =	vmul.bf16 v30, v30  }
0x240: {  	v50 =	vld.idx.msk [tilespmem:v24+s15+$0x0], $0xffff;
	v17 =	vadd.f32 v31, v17;
	v21 =	vmul.bf16 v21, v21;
	v27 =	vmul.bf16 v27, v27  }
0x241: {  	v51 =	vld.idx.msk [tilespmem:v24+s13+$0x0], $0xffff;
	v47 =	vunpack.i.l.bf16.f32 v29;
	v29 =	vunpack.i.u.bf16.f32 v29;
	v49 =	vunpack.i.u.bf16.f32 v20  }
0x242: {  	v20 =	vunpack.i.l.bf16.f32 v20;
	v18 =	vadd.f32 v29, v18;
	v52 =	vunpack.i.u.bf16.f32 v30  }
0x243: {  	v19 =	vadd.f32 v47, v19;
	v53 =	vunpack.i.l.bf16.f32 v30;
	v54 =	vunpack.i.l.bf16.f32 v21  }
0x244: {  	v21 =	vunpack.i.u.bf16.f32 v21;
	v20 =	vadd.f32 v20, v23;
	v22 =	vsub.bf16 v22, v48  }
0x245: {  	v55 =	vunpack.i.l.bf16.f32 v27;
	v17 =	vadd.f32 v49, v17;
	v56 =	vsub.bf16 v46, v26  }
0x246: {  	v58 =	vunpack.i.u.bf16.f32 v27;
	v23 =	vsub.bf16 v51, v50;
	v18 =	vadd.f32 v52, v18  }
0x247: {  	v19 =	vadd.f32 v53, v19;
	v57 =	vmul.bf16 v22, v22;
	v20 =	vadd.f32 v55, v20  }
0x248: {  	v25 =	vmul.bf16 v56, v56;
	v17 =	vadd.f32 v58, v17;
	v23 =	vmul.bf16 v23, v23  }
0x249: {  	v18 =	vadd.f32 v21, v18;
	v19 =	vadd.f32 v54, v19;
	v59 =	vunpack.i.u.bf16.f32 v57  }
0x24a: {  	v60 =	vunpack.i.l.bf16.f32 v25;
	v61 =	vunpack.i.u.bf16.f32 v25;
	v21 =	vunpack.i.l.bf16.f32 v57  }
0x24b: {  	v62 =	vunpack.i.l.bf16.f32 v23;
	v20 =	vadd.f32 v60, v20;
	v17 =	vadd.f32 v61, v17  }
0x24c: {  	v63 =	vunpack.i.u.bf16.f32 v23;
	v18 =	vadd.f32 v59, v18;
	v19 =	vadd.f32 v21, v19  }
0x24d: {  	s1 =	sadd.s32 $0x1, s1;
	v20 =	vadd.f32 v62, v20;
	v17 =	vadd.f32 v63, v17  }
0x24e: {  	p0 =	sne.s32 s1, $0x5  }
.Ltmp10:
0x24f: {  	v18 =	vadd.f32 v18, v19;
	v17 =	vadd.f32 v17, v20;
	(pc) =	sbr.rel @p0 .LBB2_20-.Ltmp10, $3  }
0x250: {  	_ = 	snop  }
0x251: {  	v17 =	vadd.f32 v17, v18;
	_ =	sdelay $0x1  }
0x252: {  	[tilespmem:s0+$0xECE0] =	vst v17  }
0x253: {  	s25 =	sadd.s32 $0x1, s25  }
0x254: {  	p0 =	sne.s32 s25, s7  }
.Ltmp11:
0x255: {  	s0 =	simm.s32 $0xC620;
	(pc) =	sbr.rel @p0 .LBB2_1-.Ltmp11, $4  }
0x256: {  	[hbm4b:s6+s2] =	stream.linear.scatter [tilespmem:s0], [sflag:$0x7], $0x2710, $0x38;
	[tilespmem:$0xED30] =	vst v63  }
0x257: {  	_ =	swait.ge [sflag:s8], $0x2710  }
0x258: {  	[sflag:s8] =	ssyncset.done $0x0  }
0x259: {  	[sflag:s8] =	ssyncadd.s32 $0xFFFFD8F0  }
0x25a: {  	_ =	sfence.sel $0x180000  }
0x25b: {  	[bflag:$0x0] =	sbarrier.arrive $0xFFFF  }
0x25c: {  	_ =	strace $0x90000047  }
0x25d: {  	s0 =	stileid.u32;
	[bflag:$0x2] =	sbarrier.arrive $0xFFFF  }
0x25e: {  	p0 =	sne.s32 s0, $0x0;
	s0 =	rddreg [dreg:$0x1]  }
0x25f: {  	s0 =	sadd.s32 @!p0 $0x100000, s0  }
0x260: {  	[sflag:s0] =	ssyncadd.tile.s32 @!p0 $0x1;
	_ =	shalt  }
.Lfunc_end2:
_tile_overlayer_lowered:
.L_overlay_start_2:
0x261: {  	(tag) =	ssettag $0x2  }
0x262: {  	s0 =	rddreg [dreg:$0x0];
	s2 =	stileid.u32  }
0x263: {  	s1 =	rddreg [dreg:$0x1];
	p0 =	sne.s32 s2, $0x0  }
0x264: {  	s3 =	rddreg [dreg:$0x2];
	[bflag:$0x3] =	sbarrier.arrive $0xFFFF;
	s2 =	simm.s32 @!p0 $0x1C07  }
0x265: {  	[timem:s3], [sflag:s2] =	dma.local @!p0 [hbm:s0], s1  }
0x266: {  	s0 =	simm.s32 @!p0 $0x7  }
0x267: {  	_ =	swait.ge @!p0 [sflag:s0], s1  }
0x268: {  	s1 =	ssub.s32 @!p0 $0x0, s1;
	[sflag:s0] =	ssyncset.done @!p0 $0x0  }
0x269: {  	[sflag:s0] =	ssyncadd.s32 @!p0 s1  }
0x26a: {  	[bflag:$0x3] =	sbarrier.arrive $0xFFFF  }
0x26b: {  	_ =	shalt  }

</sc_bundles>
